<compile_context>
chip_gen: v7x
topology: tpu7x:2x2x1
jax: 0.10.2.dev20260603
libtpu: 0.0.44.dev20260713+nightly
codegen_flags: <defaults>
</compile_context>

<pallas_src>
import functools

import jax
import jax.numpy as jnp
from jax import lax
from jax.experimental import pallas as pl
from jax.experimental.pallas import tpu as pltpu
from jax.experimental.pallas import tpu_sc as plsc

_BIG = 1e10
_PAD = 1e30
N_ROWS = 8
P_CENTERS = 256
P_POINTS = 76800
XS_PAD = 512
TILES_PER_ROW = 4
PTS_PER_TILE = P_POINTS // TILES_PER_ROW
UNROLL = 4
P1_UNROLL = 8
SLOTS = UNROLL * 16
NGAP_CHUNKS = 17
TBL = NGAP_CHUNKS * 16 * SLOTS
FLAT = NGAP_CHUNKS * 16


def _tc_sort_pad(x_ref, out_ref):
    x = x_ref[0]
    xc = jnp.reshape(x, (P_CENTERS, 1))
    ii = jax.lax.broadcasted_iota(jnp.int32, (P_CENTERS, P_CENTERS), 0)
    jj = jax.lax.broadcasted_iota(jnp.int32, (P_CENTERS, P_CENTERS), 1)
    less = x < xc
    tie = (x == xc) & (jj < ii)
    rank = jnp.sum((less | tie).astype(jnp.int32), axis=1, keepdims=True)
    onehot = (rank == jj).astype(jnp.float32)
    xs_sorted = jnp.sum(onehot * xc, axis=0, keepdims=True)
    lane = jax.lax.broadcasted_iota(jnp.int32, (1, XS_PAD), 1)
    grown = jnp.concatenate([xs_sorted, xs_sorted], axis=1)
    out_ref[0] = jnp.where(lane < P_CENTERS, grown, _PAD)


def _sc_chamfer(xs_hbm, pts_hbm, out_hbm,
                xs_v, pts_v, karr_v, gmax_v, gmin_v, gmaxr_v, gminr_v,
                dyv_v, cntv_v,
                comb_v, comb2_v, gmaxc_v, gminc_v, small1_v, small2_v, out_v,
                gmax_sh, gmin_sh, dy_sh, cnt_sh):
    cid = lax.axis_index("c")
    sid = lax.axis_index("s")
    row = cid * 4 + sid // TILES_PER_ROW
    chunk = sid % TILES_PER_ROW
    base = row * P_POINTS + chunk * PTS_PER_TILE

    pltpu.sync_copy(xs_hbm.at[pl.ds(row * XS_PAD, XS_PAD)], xs_v)
    pltpu.sync_copy(pts_hbm.at[pl.ds(base, PTS_PER_TILE)], pts_v)

    lane = lax.broadcasted_iota(jnp.int32, (16,), 0)
    neg_big = jnp.full((16,), -_BIG, jnp.float32)
    pos_big = jnp.full((16,), _BIG, jnp.float32)

    def init_body(i, _):
        gmax_v[pl.ds(i * 16, 16)] = neg_big
        gmin_v[pl.ds(i * 16, 16)] = pos_big
        return 0

    lax.fori_loop(0, TBL // 16, init_body, 0)

    zero16 = jnp.zeros((16,), jnp.float32)

    @plsc.parallel_loop(0, PTS_PER_TILE // 16, 1, unroll=P1_UNROLL,
                        carry=(zero16, zero16))
    def p1(i, carry):
        dy, cnt = carry
        off = i * 16
        y = pts_v[pl.ds(off, 16)]
        valid = y >= 0.001
        yx = jnp.where(valid, y, _BIG)
        k = jnp.zeros((16,), jnp.int32)
        for step_sz in (256, 128, 64, 32, 16, 8, 4, 2, 1):
            probe = k + (step_sz - 1)
            t = plsc.load_gather(xs_v, [probe])
            k = jnp.where(t < yx, k + step_sz, k)
        xl = plsc.load_gather(xs_v, [jnp.maximum(k - 1, 0)])
        xr = plsc.load_gather(xs_v, [jnp.minimum(k, P_CENTERS - 1)])
        dl = yx - xl
        dr = yx - xr
        d = jnp.minimum(dl * dl, dr * dr)
        dy = dy + jnp.where(valid, d, 0.0)
        cnt = cnt + jnp.where(valid, 1.0, 0.0)
        karr_v[pl.ds(off, 16)] = k
        return dy, cnt

    dy, cnt = p1

    def p2(i, _):
        yxs, addrs = [], []
        for u in range(UNROLL):
            off = (i * UNROLL + u) * 16
            y = pts_v[pl.ds(off, 16)]
            k = karr_v[pl.ds(off, 16)]
            yxs.append(jnp.where(y >= 0.001, y, _BIG))
            addrs.append(k * SLOTS + (lane + u * 16))
        gs = [plsc.load_gather(gmax_v, [a]) for a in addrs]
        g2s = [plsc.load_gather(gmin_v, [a]) for a in addrs]
        for u in range(UNROLL):
            plsc.store_scatter(gmax_v, [addrs[u]], jnp.maximum(gs[u], yxs[u]))
        for u in range(UNROLL):
            plsc.store_scatter(gmin_v, [addrs[u]], jnp.minimum(g2s[u], yxs[u]))
        return 0

    lax.fori_loop(0, PTS_PER_TILE // (16 * UNROLL), p2, 0)

    def lr_body(j, _):
        o = j * 16
        idx0 = (lane + o) * SLOTS
        nacc = 8
        ms = [plsc.load_gather(gmax_v, [idx0 + a]) for a in range(nacc)]
        mns = [plsc.load_gather(gmin_v, [idx0 + a]) for a in range(nacc)]
        for l in range(nacc, SLOTS):
            a = l % nacc
            ms[a] = jnp.maximum(ms[a], plsc.load_gather(gmax_v, [idx0 + l]))
            mns[a] = jnp.minimum(mns[a], plsc.load_gather(gmin_v, [idx0 + l]))
        while len(ms) > 1:
            ms = [jnp.maximum(ms[a], ms[a + 1]) for a in range(0, len(ms), 2)]
            mns = [jnp.minimum(mns[a], mns[a + 1])
                   for a in range(0, len(mns), 2)]
        gmaxr_v[pl.ds(o, 16)] = ms[0]
        gminr_v[pl.ds(o, 16)] = mns[0]
        return 0

    lax.fori_loop(0, NGAP_CHUNKS, lr_body, 0)

    dyv_v[...] = dy
    cntv_v[...] = cnt
    pltpu.sync_copy(gmaxr_v, gmax_sh.at[pl.ds(sid * FLAT, FLAT)])
    pltpu.sync_copy(gminr_v, gmin_sh.at[pl.ds(sid * FLAT, FLAT)])
    pltpu.sync_copy(dyv_v, dy_sh.at[pl.ds(sid * 16, 16)])
    pltpu.sync_copy(cntv_v, cnt_sh.at[pl.ds(sid * 16, 16)])
    plsc.subcore_barrier()

    @pl.when(chunk == 0)
    def _leader():
        pltpu.sync_copy(gmax_sh.at[pl.ds(sid * FLAT, TILES_PER_ROW * FLAT)],
                        comb_v)
        pltpu.sync_copy(gmin_sh.at[pl.ds(sid * FLAT, TILES_PER_ROW * FLAT)],
                        comb2_v)

        def cmb(j, _):
            o = j * 16
            a = jnp.maximum(
                jnp.maximum(comb_v[pl.ds(o, 16)],
                            comb_v[pl.ds(FLAT + o, 16)]),
                jnp.maximum(comb_v[pl.ds(2 * FLAT + o, 16)],
                            comb_v[pl.ds(3 * FLAT + o, 16)]))
            gmaxc_v[pl.ds(o, 16)] = a
            b = jnp.minimum(
                jnp.minimum(comb2_v[pl.ds(o, 16)],
                            comb2_v[pl.ds(FLAT + o, 16)]),
                jnp.minimum(comb2_v[pl.ds(2 * FLAT + o, 16)],
                            comb2_v[pl.ds(3 * FLAT + o, 16)]))
            gminc_v[pl.ds(o, 16)] = b
            return 0

        lax.fori_loop(0, NGAP_CHUNKS, cmb, 0)

        def pfx_body(j, carryv):
            v = gmaxc_v[pl.ds(j * 16, 16)]
            c = jnp.maximum(plsc.cummax(v), carryv)
            gmaxc_v[pl.ds(j * 16, 16)] = c
            return jnp.max(c)

        lax.fori_loop(0, NGAP_CHUNKS, pfx_body, jnp.float32(-_BIG))

        def sfx_body(jj, carryv):
            j = NGAP_CHUNKS - 1 - jj
            v = gminc_v[pl.ds(j * 16, 16)]
            vr = lax.rev(v, (0,))
            cr = jnp.minimum(-plsc.cummax(-vr), carryv)
            gminc_v[pl.ds(j * 16, 16)] = lax.rev(cr, (0,))
            return jnp.min(cr)

        lax.fori_loop(0, NGAP_CHUNKS, sfx_body, jnp.float32(_BIG))

        def cx_body(j, acc):
            o = j * 16
            xv = xs_v[pl.ds(o, 16)]
            fl = gmaxc_v[pl.ds(o, 16)]
            cl = plsc.load_gather(gminc_v, [lane + (o + 1)])
            a = xv - fl
            b = xv - cl
            return acc + jnp.minimum(a * a, b * b)

        dxv = lax.fori_loop(0, P_CENTERS // 16, cx_body, zero16)
        dx_sum = jnp.sum(dxv)

        pltpu.sync_copy(dy_sh.at[pl.ds(sid * 16, 64)], small1_v)
        pltpu.sync_copy(cnt_sh.at[pl.ds(sid * 16, 64)], small2_v)
        dy_tot = jnp.sum(
            (small1_v[pl.ds(0, 16)] + small1_v[pl.ds(16, 16)])
            + (small1_v[pl.ds(32, 16)] + small1_v[pl.ds(48, 16)]))
        cnt_tot = jnp.sum(
            (small2_v[pl.ds(0, 16)] + small2_v[pl.ds(16, 16)])
            + (small2_v[pl.ds(32, 16)] + small2_v[pl.ds(48, 16)]))

        ov = jnp.where(lane == 0, dx_sum,
                       jnp.where(lane == 1, dy_tot,
                                 jnp.where(lane == 2, cnt_tot, 0.0)))
        out_v[...] = ov
        pltpu.sync_copy(out_v, out_hbm.at[pl.ds(row * 16, 16)])


@jax.jit
def _run_sc(xs_pad, pts):
    mesh = plsc.VectorSubcoreMesh(core_axis_name="c", subcore_axis_name="s",
                                  num_cores=2, num_subcores=16)
    f = functools.partial(
        pl.kernel,
        out_type=jax.ShapeDtypeStruct((N_ROWS * 16,), jnp.float32),
        mesh=mesh,
        compiler_params=pltpu.CompilerParams(needs_layout_passes=False),
        scratch_types=[
            pltpu.VMEM((XS_PAD,), jnp.float32),
            pltpu.VMEM((PTS_PER_TILE,), jnp.float32),
            pltpu.VMEM((PTS_PER_TILE,), jnp.int32),
            pltpu.VMEM((TBL,), jnp.float32),
            pltpu.VMEM((TBL,), jnp.float32),
            pltpu.VMEM((NGAP_CHUNKS * 16,), jnp.float32),
            pltpu.VMEM((NGAP_CHUNKS * 16,), jnp.float32),
            pltpu.VMEM((16,), jnp.float32),
            pltpu.VMEM((16,), jnp.float32),
            pltpu.VMEM((TILES_PER_ROW * FLAT,), jnp.float32),
            pltpu.VMEM((TILES_PER_ROW * FLAT,), jnp.float32),
            pltpu.VMEM((NGAP_CHUNKS * 16,), jnp.float32),
            pltpu.VMEM((NGAP_CHUNKS * 16,), jnp.float32),
            pltpu.VMEM((64,), jnp.float32),
            pltpu.VMEM((64,), jnp.float32),
            pltpu.VMEM((16,), jnp.float32),
            pltpu.VMEM_SHARED((16 * FLAT,), jnp.float32),
            pltpu.VMEM_SHARED((16 * FLAT,), jnp.float32),
            pltpu.VMEM_SHARED((256,), jnp.float32),
            pltpu.VMEM_SHARED((256,), jnp.float32),
        ],
    )(_sc_chamfer)
    return f(xs_pad, pts)


def kernel(bin_centers, target_depth_maps):
    n, p = bin_centers.shape
    xs_pad = pl.pallas_call(
        _tc_sort_pad,
        grid=(n,),
        in_specs=[pl.BlockSpec((1, 1, p), lambda r: (r, 0, 0))],
        out_specs=pl.BlockSpec((1, 1, XS_PAD), lambda r: (r, 0, 0)),
        out_shape=jax.ShapeDtypeStruct((n, 1, XS_PAD), jnp.float32),
    )(bin_centers.reshape(n, 1, p))
    pts = target_depth_maps.reshape(-1)
    parts = _run_sc(xs_pad.reshape(-1), pts).reshape(n, 16)
    dx_sum = parts[:, 0]
    dy_sum = parts[:, 1]
    cnt = parts[:, 2]
    cham_x = jnp.mean(dx_sum / jnp.float32(p))
    cham_y = jnp.mean(dy_sum / jnp.maximum(cnt, 1.0))
    return cham_x + cham_y

# --- scband reference (transcript-rebuilt; emitter-appended) ---
"""Pipeline reference for scband-bins-chamfer-loss-44994077392948 (READ-ONLY COPY).

The authoritative reference and input builder live on the scoring server;
editing this copy changes nothing except your own understanding.
"""

import jax, jax.numpy as jnp
import numpy as np

_BIG = 1e10  # finite sentinel replacing +inf padding (identical argmin result, avoids inf/nan in grads)


def setup_inputs(seed: int = 0) -> dict:
    key = jax.random.key(seed)
    k1, k2 = jax.random.split(key)
    bin_centers = jax.random.uniform(k1, (8, 256), dtype=jnp.float32)
    target_depth_maps = jax.random.uniform(k2, (8, 240, 320), dtype=jnp.float32)
    return {"bin_centers": bin_centers, "target_depth_maps": target_depth_maps}


def _chamfer_loss(bin_centers, target_depth_maps):
    # Faithful translation of BinsChamferLoss.forward + pytorch3d chamfer_distance
    # (squared L2, point_reduction='mean', batch_reduction='mean', y_lengths masking).
    # Points are 1-D, so exact nearest neighbors are found via sort + searchsorted
    # (mathematically identical to the dense pairwise-min, SparseCore-friendly).
    n, p = bin_centers.shape
    x = bin_centers  # [n, p]
    tp = target_depth_maps.reshape((n, -1))  # flatten(1)
    mask = tp >= 0.001
    lengths = jnp.sum(mask, axis=-1)  # target_lengths
    yp = jnp.where(mask, tp, _BIG)  # invalid -> sentinel (plays role of +inf)
    y = jnp.sort(yp, axis=-1)  # sorted target points, valid first
    y = jax.lax.stop_gradient(y)  # torch.no_grad() block
    lengths = jax.lax.stop_gradient(lengths)
    P = y.shape[1]
    # cham_x: for each bin center, squared dist to nearest VALID target point
    idx = jax.vmap(jnp.searchsorted)(y, x)  # [n, p] in [0, P]
    yl = jnp.take_along_axis(y, jnp.clip(idx - 1, 0, P - 1), axis=1)
    yr = jnp.take_along_axis(y, jnp.clip(idx, 0, P - 1), axis=1)
    d_x = jnp.minimum((x - yl) ** 2, (x - yr) ** 2)
    cham_x = jnp.mean(d_x, axis=1)  # x has no lengths: mean over all p points
    # cham_y: for each VALID target point, squared dist to nearest bin center
    xs = jnp.sort(x, axis=1)
    idx2 = jax.vmap(jnp.searchsorted)(xs, y)  # [n, P] in [0, p]
    xl = jnp.take_along_axis(xs, jnp.clip(idx2 - 1, 0, p - 1), axis=1)
    xr = jnp.take_along_axis(xs, jnp.clip(idx2, 0, p - 1), axis=1)
    d_y = jnp.minimum((y - xl) ** 2, (y - xr) ** 2)
    valid = jnp.arange(P)[None, :] < lengths[:, None]
    d_y = jnp.where(valid, d_y, 0.0)  # padded points excluded (y_lengths)
    cham_y = jnp.sum(d_y, axis=1) / jnp.maximum(lengths, 1).astype(d_y.dtype)
    # batch_reduction='mean'
    return jnp.mean(cham_x) + jnp.mean(cham_y)


def reference(bin_centers, target_depth_maps):
    return _chamfer_loss(bin_centers, target_depth_maps)

if __name__ == "__main__":
    import jax
    _d = setup_inputs()
    print(jax.jit(kernel)(*tuple(_d.values())))

</pallas_src>

<mosaic_0001>
#map = affine_map<(d0, d1) -> (0)>
module attributes {stable_mosaic.version = 14 : i64} {
  func.func @_sc_chamfer(%arg0: i32, %arg1: i32, %arg2: memref<4096xf32, #tpu.memory_space<hbm>>, %arg3: memref<614400xf32, #tpu.memory_space<hbm>>, %arg4: memref<128xf32, #tpu.memory_space<hbm>>, %arg5: memref<512xf32, #tpu.memory_space<vmem>>, %arg6: memref<19200xf32, #tpu.memory_space<vmem>>, %arg7: memref<19200xi32, #tpu.memory_space<vmem>>, %arg8: memref<17408xf32, #tpu.memory_space<vmem>>, %arg9: memref<17408xf32, #tpu.memory_space<vmem>>, %arg10: memref<272xf32, #tpu.memory_space<vmem>>, %arg11: memref<272xf32, #tpu.memory_space<vmem>>, %arg12: memref<16xf32, #tpu.memory_space<vmem>>, %arg13: memref<16xf32, #tpu.memory_space<vmem>>, %arg14: memref<1088xf32, #tpu.memory_space<vmem>>, %arg15: memref<1088xf32, #tpu.memory_space<vmem>>, %arg16: memref<272xf32, #tpu.memory_space<vmem>>, %arg17: memref<272xf32, #tpu.memory_space<vmem>>, %arg18: memref<64xf32, #tpu.memory_space<vmem>>, %arg19: memref<64xf32, #tpu.memory_space<vmem>>, %arg20: memref<16xf32, #tpu.memory_space<vmem>>, %arg21: memref<4352xf32, #tpu.memory_space<vmem_shared>>, %arg22: memref<4352xf32, #tpu.memory_space<vmem_shared>>, %arg23: memref<256xf32, #tpu.memory_space<vmem_shared>>, %arg24: memref<256xf32, #tpu.memory_space<vmem_shared>>) attributes {dimension_semantics = [#tpu.dimension_semantics<core_parallel>, #tpu.dimension_semantics<subcore_parallel>], iteration_bounds = array<i64: 2, 16>, scalar_prefetch = 0 : i64, scratch_operands = 20 : i64, tpu.core_type = #tpu.core_type<sc_vector_subcore>, window_params = [{transform_indices = #map}, {transform_indices = #map}, {transform_indices = #map}]} {
    %mul3A = arith.constant 4 : i32
    %mul3A_0 = arith.muli %arg0, %mul3A : i32
    %jit3A = arith.constant 4 : i32
    %div3A = arith.divsi %arg1, %jit3A : i32
    %sign3A = arith.constant 0 : i32
    %sign3A_1 = arith.cmpi sgt, %arg1, %sign3A : i32
    %sign3A_2 = arith.extui %sign3A_1 : i1 to i32
    %sign3A_3 = arith.constant 0 : i32
    %sign3A_4 = arith.cmpi slt, %arg1, %sign3A_3 : i32
    %sign3A_5 = arith.extui %sign3A_4 : i1 to i32
    %sign3A_6 = arith.subi %sign3A_2, %sign3A_5 : i32
    %sign3A_7 = arith.constant 0 : i32
    %sign3A_8 = arith.cmpi sgt, %jit3A, %sign3A_7 : i32
    %sign3A_9 = arith.extui %sign3A_8 : i1 to i32
    %sign3A_10 = arith.constant 0 : i32
    %sign3A_11 = arith.cmpi slt, %jit3A, %sign3A_10 : i32
    %sign3A_12 = arith.extui %sign3A_11 : i1 to i32
    %sign3A_13 = arith.subi %sign3A_9, %sign3A_12 : i32
    %ne3A = arith.cmpi ne, %sign3A_6, %sign3A_13 : i32
    %rem3A = arith.remsi %arg1, %jit3A : i32
    %ne3A_14 = arith.constant 0 : i32
    %ne3A_15 = arith.cmpi ne, %rem3A, %ne3A_14 : i32
    %and3A = arith.andi %ne3A, %ne3A_15 : i1
    %sub3A = arith.constant 1 : i32
    %sub3A_16 = arith.subi %div3A, %sub3A : i32
    %select_n3A = arith.select %and3A, %sub3A_16, %div3A : i32
    %add3A = arith.addi %mul3A_0, %select_n3A : i32
    %jit3A_17 = arith.constant 4 : i32
    %eq3A = arith.constant 0 : i32
    %eq3A_18 = arith.cmpi eq, %jit3A_17, %eq3A : i32
    %jit3A_19 = arith.constant 1 : i32
    %select_n3A_20 = arith.select %eq3A_18, %jit3A_19, %jit3A_17 : i32
    %rem3A_21 = arith.remsi %arg1, %select_n3A_20 : i32
    %ne3A_22 = arith.constant 0 : i32
    %ne3A_23 = arith.cmpi ne, %rem3A_21, %ne3A_22 : i32
    %lt3A = arith.constant 0 : i32
    %lt3A_24 = arith.cmpi slt, %rem3A_21, %lt3A : i32
    %lt3A_25 = arith.constant 0 : i32
    %lt3A_26 = arith.cmpi slt, %select_n3A_20, %lt3A_25 : i32
    %ne3A_27 = arith.xori %lt3A_24, %lt3A_26 : i1
    %and3A_28 = arith.andi %ne3A_27, %ne3A_23 : i1
    %add3A_29 = arith.addi %rem3A_21, %select_n3A_20 : i32
    %select_n3A_30 = arith.select %and3A_28, %add3A_29, %rem3A_21 : i32
    %mul3A_31 = arith.constant 76800 : i32
    %mul3A_32 = arith.muli %add3A, %mul3A_31 : i32
    %mul3A_33 = arith.constant 19200 : i32
    %mul3A_34 = arith.muli %select_n3A_30, %mul3A_33 : i32
    %add3A_35 = arith.addi %mul3A_32, %mul3A_34 : i32
    %mul3A_36 = arith.constant 512 : i32
    %mul3A_37 = arith.muli %add3A, %mul3A_36 : i32
    "tpu.region"() ({
      %run_scoped3A = tpu.sem_alloc : memref<!tpu.dma_semaphore, #tpu.memory_space<semaphore_mem>>
      %dma_start3A = tpu.memref_slice %arg2[%mul3A_37] : memref<4096xf32, #tpu.memory_space<hbm>> -> memref<512xf32, #tpu.memory_space<hbm>>
      %dma_start3A_80 = tpu.memref_slice %arg2[%mul3A_37] : memref<4096xf32, #tpu.memory_space<hbm>> -> memref<512xf32, #tpu.memory_space<hbm>>
      tpu.enqueue_dma source(%dma_start3A_80 : memref<512xf32, #tpu.memory_space<hbm>>) target(%arg5 : memref<512xf32, #tpu.memory_space<vmem>>) target_semaphore(%run_scoped3A : memref<!tpu.dma_semaphore, #tpu.memory_space<semaphore_mem>>)
      %dma_wait3A = tpu.memref_slice %arg2[%mul3A_37] : memref<4096xf32, #tpu.memory_space<hbm>> -> memref<512xf32, #tpu.memory_space<hbm>>
      %dma_wait3A_81 = tpu.memref_slice %arg2[%mul3A_37] : memref<4096xf32, #tpu.memory_space<hbm>> -> memref<512xf32, #tpu.memory_space<hbm>>
      tpu.wait_dma2 semaphore(%run_scoped3A : memref<!tpu.dma_semaphore, #tpu.memory_space<semaphore_mem>>) src(%dma_wait3A_81 : memref<512xf32, #tpu.memory_space<hbm>>) dst(%arg5 : memref<512xf32, #tpu.memory_space<vmem>>)
      tpu.yield
    }) : () -> ()
    "tpu.region"() ({
      %run_scoped3A = tpu.sem_alloc : memref<!tpu.dma_semaphore, #tpu.memory_space<semaphore_mem>>
      %dma_start3A = tpu.memref_slice %arg3[%add3A_35] : memref<614400xf32, #tpu.memory_space<hbm>> -> memref<19200xf32, #tpu.memory_space<hbm>>
      %dma_start3A_80 = tpu.memref_slice %arg3[%add3A_35] : memref<614400xf32, #tpu.memory_space<hbm>> -> memref<19200xf32, #tpu.memory_space<hbm>>
      tpu.enqueue_dma source(%dma_start3A_80 : memref<19200xf32, #tpu.memory_space<hbm>>) target(%arg6 : memref<19200xf32, #tpu.memory_space<vmem>>) target_semaphore(%run_scoped3A : memref<!tpu.dma_semaphore, #tpu.memory_space<semaphore_mem>>)
      %dma_wait3A = tpu.memref_slice %arg3[%add3A_35] : memref<614400xf32, #tpu.memory_space<hbm>> -> memref<19200xf32, #tpu.memory_space<hbm>>
      %dma_wait3A_81 = tpu.memref_slice %arg3[%add3A_35] : memref<614400xf32, #tpu.memory_space<hbm>> -> memref<19200xf32, #tpu.memory_space<hbm>>
      tpu.wait_dma2 semaphore(%run_scoped3A : memref<!tpu.dma_semaphore, #tpu.memory_space<semaphore_mem>>) src(%dma_wait3A_81 : memref<19200xf32, #tpu.memory_space<hbm>>) dst(%arg6 : memref<19200xf32, #tpu.memory_space<vmem>>)
      tpu.yield
    }) : () -> ()
    %iota3A = tpu.iota {dimensions = array<i32: 0>} : vector<16xi32>
    %broadcast_in_dim3A = arith.constant -1.000000e+10 : f32
    %broadcast_in_dim3A_38 = vector.broadcast %broadcast_in_dim3A : f32 to vector<16xf32>
    %broadcast_in_dim3A_39 = arith.constant 1.000000e+10 : f32
    %broadcast_in_dim3A_40 = vector.broadcast %broadcast_in_dim3A_39 : f32 to vector<16xf32>
    %scan3A = arith.constant 0 : i32
    %scan3A_41 = arith.constant 0 : i32
    %scan3A_42 = arith.constant 1088 : i32
    %scan3A_43 = arith.addi %scan3A_41, %scan3A_42 : i32
    %scan3A_44 = arith.constant 1 : i32
    %scan3A_45 = scf.for %scan3A_80 = %scan3A_41 to %scan3A_43 step %scan3A_44 iter_args(%scan3A_81 = %scan3A) -> (i32)  : i32 {
      %mul3A_82 = arith.constant 16 : i32
      %mul3A_83 = arith.muli %scan3A_80, %mul3A_82 : i32
      %swap3A_84 = arith.index_cast %mul3A_83 : i32 to index
      %swap3A_85 = tpu.vector_load %arg8[%swap3A_84] {strides = array<i32>} : memref<17408xf32, #tpu.memory_space<vmem>>, vector<16xf32>,
      tpu.vector_store %arg8[%swap3A_84], %broadcast_in_dim3A_38 {strides = array<i32>} : memref<17408xf32, #tpu.memory_space<vmem>>, vector<16xf32>,
      %mul3A_86 = arith.constant 16 : i32
      %mul3A_87 = arith.muli %scan3A_80, %mul3A_86 : i32
      %swap3A_88 = arith.index_cast %mul3A_87 : i32 to index
      %swap3A_89 = tpu.vector_load %arg9[%swap3A_88] {strides = array<i32>} : memref<17408xf32, #tpu.memory_space<vmem>>, vector<16xf32>,
      tpu.vector_store %arg9[%swap3A_88], %broadcast_in_dim3A_40 {strides = array<i32>} : memref<17408xf32, #tpu.memory_space<vmem>>, vector<16xf32>,
      %scan3A_90 = arith.constant 0 : i32
      scf.yield %scan3A_90 : i32
    }
    %scan3A_46 = arith.constant 1088 : i32
    %broadcast_in_dim3A_47 = arith.constant 0.000000e+00 : f32
    %broadcast_in_dim3A_48 = vector.broadcast %broadcast_in_dim3A_47 : f32 to vector<16xf32>
    %parallel_loop3A = arith.constant 0 : i32
    %parallel_loop3A_49 = arith.constant 1200 : i32
    %parallel_loop3A_50 = arith.constant 1 : i32
    %parallel_loop3A_51:2 = scf.for %parallel_loop3A_80 = %parallel_loop3A to %parallel_loop3A_49 step %parallel_loop3A_50 iter_args(%parallel_loop3A_81 = %broadcast_in_dim3A_48, %parallel_loop3A_82 = %broadcast_in_dim3A_48) -> (vector<16xf32>, vector<16xf32>)  : i32 {
      %parallel_loop3A_83 = arith.constant 16 : i32
      %parallel_loop3A_84 = arith.muli %parallel_loop3A_80, %parallel_loop3A_83 : i32
      %parallel_loop3A_85 = arith.index_cast %parallel_loop3A_84 : i32 to index
      %parallel_loop3A_86 = tpu.vector_load %arg6[%parallel_loop3A_85] {strides = array<i32>} : memref<19200xf32, #tpu.memory_space<vmem>>, vector<16xf32>,
      %parallel_loop3A_87 = arith.constant 1.000000e-03 : f32
      %parallel_loop3A_88 = vector.broadcast %parallel_loop3A_87 : f32 to vector<16xf32>
      %parallel_loop3A_89 = arith.cmpf oge, %parallel_loop3A_86, %parallel_loop3A_88 : vector<16xf32>
      %parallel_loop3A_90 = arith.constant 1.000000e+10 : f32
      %parallel_loop3A_91 = vector.broadcast %parallel_loop3A_90 : f32 to vector<16xf32>
      %parallel_loop3A_92 = arith.select %parallel_loop3A_89, %parallel_loop3A_86, %parallel_loop3A_91 : vector<16xi1>, vector<16xf32>
      %parallel_loop3A_93 = arith.constant 0 : i32
      %parallel_loop3A_94 = vector.broadcast %parallel_loop3A_93 : i32 to vector<16xi32>
      %parallel_loop3A_95 = arith.constant 255 : i32
      %parallel_loop3A_96 = vector.broadcast %parallel_loop3A_95 : i32 to vector<16xi32>
      %parallel_loop3A_97 = arith.addi %parallel_loop3A_94, %parallel_loop3A_96 : vector<16xi32>
      %parallel_loop3A_98 = tpu.vector_load_idx %arg5[%parallel_loop3A_97] : memref<512xf32, #tpu.memory_space<vmem>>[vector<16xi32>], vector<16xf32>,
      %parallel_loop3A_99 = arith.cmpf olt, %parallel_loop3A_98, %parallel_loop3A_92 : vector<16xf32>
      %parallel_loop3A_100 = arith.constant 256 : i32
      %parallel_loop3A_101 = vector.broadcast %parallel_loop3A_100 : i32 to vector<16xi32>
      %parallel_loop3A_102 = arith.addi %parallel_loop3A_94, %parallel_loop3A_101 : vector<16xi32>
      %parallel_loop3A_103 = arith.select %parallel_loop3A_99, %parallel_loop3A_102, %parallel_loop3A_94 : vector<16xi1>, vector<16xi32>
      %parallel_loop3A_104 = arith.constant 127 : i32
      %parallel_loop3A_105 = vector.broadcast %parallel_loop3A_104 : i32 to vector<16xi32>
      %parallel_loop3A_106 = arith.addi %parallel_loop3A_103, %parallel_loop3A_105 : vector<16xi32>
      %parallel_loop3A_107 = tpu.vector_load_idx %arg5[%parallel_loop3A_106] : memref<512xf32, #tpu.memory_space<vmem>>[vector<16xi32>], vector<16xf32>,
      %parallel_loop3A_108 = arith.cmpf olt, %parallel_loop3A_107, %parallel_loop3A_92 : vector<16xf32>
      %parallel_loop3A_109 = arith.constant 128 : i32
      %parallel_loop3A_110 = vector.broadcast %parallel_loop3A_109 : i32 to vector<16xi32>
      %parallel_loop3A_111 = arith.addi %parallel_loop3A_103, %parallel_loop3A_110 : vector<16xi32>
      %parallel_loop3A_112 = arith.select %parallel_loop3A_108, %parallel_loop3A_111, %parallel_loop3A_103 : vector<16xi1>, vector<16xi32>
      %parallel_loop3A_113 = arith.constant 63 : i32
      %parallel_loop3A_114 = vector.broadcast %parallel_loop3A_113 : i32 to vector<16xi32>
      %parallel_loop3A_115 = arith.addi %parallel_loop3A_112, %parallel_loop3A_114 : vector<16xi32>
      %parallel_loop3A_116 = tpu.vector_load_idx %arg5[%parallel_loop3A_115] : memref<512xf32, #tpu.memory_space<vmem>>[vector<16xi32>], vector<16xf32>,
      %parallel_loop3A_117 = arith.cmpf olt, %parallel_loop3A_116, %parallel_loop3A_92 : vector<16xf32>
      %parallel_loop3A_118 = arith.constant 64 : i32
      %parallel_loop3A_119 = vector.broadcast %parallel_loop3A_118 : i32 to vector<16xi32>
      %parallel_loop3A_120 = arith.addi %parallel_loop3A_112, %parallel_loop3A_119 : vector<16xi32>
      %parallel_loop3A_121 = arith.select %parallel_loop3A_117, %parallel_loop3A_120, %parallel_loop3A_112 : vector<16xi1>, vector<16xi32>
      %parallel_loop3A_122 = arith.constant 31 : i32
      %parallel_loop3A_123 = vector.broadcast %parallel_loop3A_122 : i32 to vector<16xi32>
      %parallel_loop3A_124 = arith.addi %parallel_loop3A_121, %parallel_loop3A_123 : vector<16xi32>
      %parallel_loop3A_125 = tpu.vector_load_idx %arg5[%parallel_loop3A_124] : memref<512xf32, #tpu.memory_space<vmem>>[vector<16xi32>], vector<16xf32>,
      %parallel_loop3A_126 = arith.cmpf olt, %parallel_loop3A_125, %parallel_loop3A_92 : vector<16xf32>
      %parallel_loop3A_127 = arith.constant 32 : i32
      %parallel_loop3A_128 = vector.broadcast %parallel_loop3A_127 : i32 to vector<16xi32>
      %parallel_loop3A_129 = arith.addi %parallel_loop3A_121, %parallel_loop3A_128 : vector<16xi32>
      %parallel_loop3A_130 = arith.select %parallel_loop3A_126, %parallel_loop3A_129, %parallel_loop3A_121 : vector<16xi1>, vector<16xi32>
      %parallel_loop3A_131 = arith.constant 15 : i32
      %parallel_loop3A_132 = vector.broadcast %parallel_loop3A_131 : i32 to vector<16xi32>
      %parallel_loop3A_133 = arith.addi %parallel_loop3A_130, %parallel_loop3A_132 : vector<16xi32>
      %parallel_loop3A_134 = tpu.vector_load_idx %arg5[%parallel_loop3A_133] : memref<512xf32, #tpu.memory_space<vmem>>[vector<16xi32>], vector<16xf32>,
      %parallel_loop3A_135 = arith.cmpf olt, %parallel_loop3A_134, %parallel_loop3A_92 : vector<16xf32>
      %parallel_loop3A_136 = arith.constant 16 : i32
      %parallel_loop3A_137 = vector.broadcast %parallel_loop3A_136 : i32 to vector<16xi32>
      %parallel_loop3A_138 = arith.addi %parallel_loop3A_130, %parallel_loop3A_137 : vector<16xi32>
      %parallel_loop3A_139 = arith.select %parallel_loop3A_135, %parallel_loop3A_138, %parallel_loop3A_130 : vector<16xi1>, vector<16xi32>
      %parallel_loop3A_140 = arith.constant 7 : i32
      %parallel_loop3A_141 = vector.broadcast %parallel_loop3A_140 : i32 to vector<16xi32>
      %parallel_loop3A_142 = arith.addi %parallel_loop3A_139, %parallel_loop3A_141 : vector<16xi32>
      %parallel_loop3A_143 = tpu.vector_load_idx %arg5[%parallel_loop3A_142] : memref<512xf32, #tpu.memory_space<vmem>>[vector<16xi32>], vector<16xf32>,
      %parallel_loop3A_144 = arith.cmpf olt, %parallel_loop3A_143, %parallel_loop3A_92 : vector<16xf32>
      %parallel_loop3A_145 = arith.constant 8 : i32
      %parallel_loop3A_146 = vector.broadcast %parallel_loop3A_145 : i32 to vector<16xi32>
      %parallel_loop3A_147 = arith.addi %parallel_loop3A_139, %parallel_loop3A_146 : vector<16xi32>
      %parallel_loop3A_148 = arith.select %parallel_loop3A_144, %parallel_loop3A_147, %parallel_loop3A_139 : vector<16xi1>, vector<16xi32>
      %parallel_loop3A_149 = arith.constant 3 : i32
      %parallel_loop3A_150 = vector.broadcast %parallel_loop3A_149 : i32 to vector<16xi32>
      %parallel_loop3A_151 = arith.addi %parallel_loop3A_148, %parallel_loop3A_150 : vector<16xi32>
      %parallel_loop3A_152 = tpu.vector_load_idx %arg5[%parallel_loop3A_151] : memref<512xf32, #tpu.memory_space<vmem>>[vector<16xi32>], vector<16xf32>,
      %parallel_loop3A_153 = arith.cmpf olt, %parallel_loop3A_152, %parallel_loop3A_92 : vector<16xf32>
      %parallel_loop3A_154 = arith.constant 4 : i32
      %parallel_loop3A_155 = vector.broadcast %parallel_loop3A_154 : i32 to vector<16xi32>
      %parallel_loop3A_156 = arith.addi %parallel_loop3A_148, %parallel_loop3A_155 : vector<16xi32>
      %parallel_loop3A_157 = arith.select %parallel_loop3A_153, %parallel_loop3A_156, %parallel_loop3A_148 : vector<16xi1>, vector<16xi32>
      %parallel_loop3A_158 = arith.constant 1 : i32
      %parallel_loop3A_159 = vector.broadcast %parallel_loop3A_158 : i32 to vector<16xi32>
      %parallel_loop3A_160 = arith.addi %parallel_loop3A_157, %parallel_loop3A_159 : vector<16xi32>
      %parallel_loop3A_161 = tpu.vector_load_idx %arg5[%parallel_loop3A_160] : memref<512xf32, #tpu.memory_space<vmem>>[vector<16xi32>], vector<16xf32>,
      %parallel_loop3A_162 = arith.cmpf olt, %parallel_loop3A_161, %parallel_loop3A_92 : vector<16xf32>
      %parallel_loop3A_163 = arith.constant 2 : i32
      %parallel_loop3A_164 = vector.broadcast %parallel_loop3A_163 : i32 to vector<16xi32>
      %parallel_loop3A_165 = arith.addi %parallel_loop3A_157, %parallel_loop3A_164 : vector<16xi32>
      %parallel_loop3A_166 = arith.select %parallel_loop3A_162, %parallel_loop3A_165, %parallel_loop3A_157 : vector<16xi1>, vector<16xi32>
      %parallel_loop3A_167 = arith.constant 0 : i32
      %parallel_loop3A_168 = vector.broadcast %parallel_loop3A_167 : i32 to vector<16xi32>
      %parallel_loop3A_169 = arith.addi %parallel_loop3A_166, %parallel_loop3A_168 : vector<16xi32>
      %parallel_loop3A_170 = tpu.vector_load_idx %arg5[%parallel_loop3A_169] : memref<512xf32, #tpu.memory_space<vmem>>[vector<16xi32>], vector<16xf32>,
      %parallel_loop3A_171 = arith.cmpf olt, %parallel_loop3A_170, %parallel_loop3A_92 : vector<16xf32>
      %parallel_loop3A_172 = arith.constant 1 : i32
      %parallel_loop3A_173 = vector.broadcast %parallel_loop3A_172 : i32 to vector<16xi32>
      %parallel_loop3A_174 = arith.addi %parallel_loop3A_166, %parallel_loop3A_173 : vector<16xi32>
      %parallel_loop3A_175 = arith.select %parallel_loop3A_171, %parallel_loop3A_174, %parallel_loop3A_166 : vector<16xi1>, vector<16xi32>
      %parallel_loop3A_176 = arith.constant 1 : i32
      %parallel_loop3A_177 = vector.broadcast %parallel_loop3A_176 : i32 to vector<16xi32>
      %parallel_loop3A_178 = arith.subi %parallel_loop3A_175, %parallel_loop3A_177 : vector<16xi32>
      %parallel_loop3A_179 = arith.constant 0 : i32
      %parallel_loop3A_180 = vector.broadcast %parallel_loop3A_179 : i32 to vector<16xi32>
      %parallel_loop3A_181 = arith.maxsi %parallel_loop3A_178, %parallel_loop3A_180 : vector<16xi32>
      %parallel_loop3A_182 = tpu.vector_load_idx %arg5[%parallel_loop3A_181] : memref<512xf32, #tpu.memory_space<vmem>>[vector<16xi32>], vector<16xf32>,
      %parallel_loop3A_183 = arith.constant 255 : i32
      %parallel_loop3A_184 = vector.broadcast %parallel_loop3A_183 : i32 to vector<16xi32>
      %parallel_loop3A_185 = arith.minsi %parallel_loop3A_175, %parallel_loop3A_184 : vector<16xi32>
      %parallel_loop3A_186 = tpu.vector_load_idx %arg5[%parallel_loop3A_185] : memref<512xf32, #tpu.memory_space<vmem>>[vector<16xi32>], vector<16xf32>,
      %parallel_loop3A_187 = arith.subf %parallel_loop3A_92, %parallel_loop3A_182 : vector<16xf32>
      %parallel_loop3A_188 = arith.subf %parallel_loop3A_92, %parallel_loop3A_186 : vector<16xf32>
      %parallel_loop3A_189 = arith.mulf %parallel_loop3A_187, %parallel_loop3A_187 : vector<16xf32>
      %parallel_loop3A_190 = arith.mulf %parallel_loop3A_188, %parallel_loop3A_188 : vector<16xf32>
      %parallel_loop3A_191 = arith.minimumf %parallel_loop3A_189, %parallel_loop3A_190 : vector<16xf32>
      %parallel_loop3A_192 = arith.constant 0.000000e+00 : f32
      %parallel_loop3A_193 = vector.broadcast %parallel_loop3A_192 : f32 to vector<16xf32>
      %parallel_loop3A_194 = arith.select %parallel_loop3A_89, %parallel_loop3A_191, %parallel_loop3A_193 : vector<16xi1>, vector<16xf32>
      %parallel_loop3A_195 = arith.addf %parallel_loop3A_81, %parallel_loop3A_194 : vector<16xf32>
      %parallel_loop3A_196 = arith.constant 1.000000e+00 : f32
      %parallel_loop3A_197 = arith.constant 0.000000e+00 : f32
      %parallel_loop3A_198 = vector.broadcast %parallel_loop3A_196 : f32 to vector<16xf32>
      %parallel_loop3A_199 = vector.broadcast %parallel_loop3A_197 : f32 to vector<16xf32>
      %parallel_loop3A_200 = arith.select %parallel_loop3A_89, %parallel_loop3A_198, %parallel_loop3A_199 : vector<16xi1>, vector<16xf32>
      %parallel_loop3A_201 = arith.addf %parallel_loop3A_82, %parallel_loop3A_200 : vector<16xf32>
      %parallel_loop3A_202 = arith.index_cast %parallel_loop3A_84 : i32 to index
      %parallel_loop3A_203 = tpu.vector_load %arg7[%parallel_loop3A_202] {strides = array<i32>} : memref<19200xi32, #tpu.memory_space<vmem>>, vector<16xi32>,
      tpu.vector_store %arg7[%parallel_loop3A_202], %parallel_loop3A_175 {strides = array<i32>} : memref<19200xi32, #tpu.memory_space<vmem>>, vector<16xi32>,
      scf.yield %parallel_loop3A_195, %parallel_loop3A_201 : vector<16xf32>, vector<16xf32>
    } {sc.loop_unroll_factor = 8 : i64, sc.parallel_access}
    %scan3A_52 = arith.constant 0 : i32
    %scan3A_53 = arith.constant 0 : i32
    %scan3A_54 = arith.constant 300 : i32
    %scan3A_55 = arith.addi %scan3A_53, %scan3A_54 : i32
    %scan3A_56 = arith.constant 1 : i32
    %scan3A_57 = scf.for %scan3A_80 = %scan3A_53 to %scan3A_55 step %scan3A_56 iter_args(%scan3A_81 = %scan3A_52) -> (i32)  : i32 {
      %mul3A_82 = arith.constant 4 : i32
      %mul3A_83 = arith.muli %scan3A_80, %mul3A_82 : i32
      %add3A_84 = arith.constant 0 : i32
      %add3A_85 = arith.addi %mul3A_83, %add3A_84 : i32
      %mul3A_86 = arith.constant 16 : i32
      %mul3A_87 = arith.muli %add3A_85, %mul3A_86 : i32
      %get3A = arith.index_cast %mul3A_87 : i32 to index
      %get3A_88 = tpu.vector_load %arg6[%get3A] {strides = array<i32>} : memref<19200xf32, #tpu.memory_space<vmem>>, vector<16xf32>,
      %get3A_89 = arith.index_cast %mul3A_87 : i32 to index
      %get3A_90 = tpu.vector_load %arg7[%get3A_89] {strides = array<i32>} : memref<19200xi32, #tpu.memory_space<vmem>>, vector<16xi32>,
      %ge3A = arith.constant 1.000000e-03 : f32
      %ge3A_91 = vector.broadcast %ge3A : f32 to vector<16xf32>
      %ge3A_92 = arith.cmpf oge, %get3A_88, %ge3A_91 : vector<16xf32>
      %jit3A_93 = arith.constant 1.000000e+10 : f32
      %broadcast_in_dim3A_94 = vector.broadcast %jit3A_93 : f32 to vector<16xf32>
      %select_n3A_95 = arith.select %ge3A_92, %get3A_88, %broadcast_in_dim3A_94 : vector<16xi1>, vector<16xf32>
      %mul3A_96 = arith.constant 64 : i32
      %mul3A_97 = vector.broadcast %mul3A_96 : i32 to vector<16xi32>
      %mul3A_98 = arith.muli %get3A_90, %mul3A_97 : vector<16xi32>
      %add3A_99 = arith.constant 0 : i32
      %add3A_100 = vector.broadcast %add3A_99 : i32 to vector<16xi32>
      %add3A_101 = arith.addi %iota3A, %add3A_100 : vector<16xi32>
      %add3A_102 = arith.addi %mul3A_98, %add3A_101 : vector<16xi32>
      %mul3A_103 = arith.constant 4 : i32
      %mul3A_104 = arith.muli %scan3A_80, %mul3A_103 : i32
      %add3A_105 = arith.constant 1 : i32
      %add3A_106 = arith.addi %mul3A_104, %add3A_105 : i32
      %mul3A_107 = arith.constant 16 : i32
      %mul3A_108 = arith.muli %add3A_106, %mul3A_107 : i32
      %get3A_109 = arith.index_cast %mul3A_108 : i32 to index
      %get3A_110 = tpu.vector_load %arg6[%get3A_109] {strides = array<i32>} : memref<19200xf32, #tpu.memory_space<vmem>>, vector<16xf32>,
      %get3A_111 = arith.index_cast %mul3A_108 : i32 to index
      %get3A_112 = tpu.vector_load %arg7[%get3A_111] {strides = array<i32>} : memref<19200xi32, #tpu.memory_space<vmem>>, vector<16xi32>,
      %ge3A_113 = arith.constant 1.000000e-03 : f32
      %ge3A_114 = vector.broadcast %ge3A_113 : f32 to vector<16xf32>
      %ge3A_115 = arith.cmpf oge, %get3A_110, %ge3A_114 : vector<16xf32>
      %jit3A_116 = arith.constant 1.000000e+10 : f32
      %broadcast_in_dim3A_117 = vector.broadcast %jit3A_116 : f32 to vector<16xf32>
      %select_n3A_118 = arith.select %ge3A_115, %get3A_110, %broadcast_in_dim3A_117 : vector<16xi1>, vector<16xf32>
      %mul3A_119 = arith.constant 64 : i32
      %mul3A_120 = vector.broadcast %mul3A_119 : i32 to vector<16xi32>
      %mul3A_121 = arith.muli %get3A_112, %mul3A_120 : vector<16xi32>
      %add3A_122 = arith.constant 16 : i32
      %add3A_123 = vector.broadcast %add3A_122 : i32 to vector<16xi32>
      %add3A_124 = arith.addi %iota3A, %add3A_123 : vector<16xi32>
      %add3A_125 = arith.addi %mul3A_121, %add3A_124 : vector<16xi32>
      %mul3A_126 = arith.constant 4 : i32
      %mul3A_127 = arith.muli %scan3A_80, %mul3A_126 : i32
      %add3A_128 = arith.constant 2 : i32
      %add3A_129 = arith.addi %mul3A_127, %add3A_128 : i32
      %mul3A_130 = arith.constant 16 : i32
      %mul3A_131 = arith.muli %add3A_129, %mul3A_130 : i32
      %get3A_132 = arith.index_cast %mul3A_131 : i32 to index
      %get3A_133 = tpu.vector_load %arg6[%get3A_132] {strides = array<i32>} : memref<19200xf32, #tpu.memory_space<vmem>>, vector<16xf32>,
      %get3A_134 = arith.index_cast %mul3A_131 : i32 to index
      %get3A_135 = tpu.vector_load %arg7[%get3A_134] {strides = array<i32>} : memref<19200xi32, #tpu.memory_space<vmem>>, vector<16xi32>,
      %ge3A_136 = arith.constant 1.000000e-03 : f32
      %ge3A_137 = vector.broadcast %ge3A_136 : f32 to vector<16xf32>
      %ge3A_138 = arith.cmpf oge, %get3A_133, %ge3A_137 : vector<16xf32>
      %jit3A_139 = arith.constant 1.000000e+10 : f32
      %broadcast_in_dim3A_140 = vector.broadcast %jit3A_139 : f32 to vector<16xf32>
      %select_n3A_141 = arith.select %ge3A_138, %get3A_133, %broadcast_in_dim3A_140 : vector<16xi1>, vector<16xf32>
      %mul3A_142 = arith.constant 64 : i32
      %mul3A_143 = vector.broadcast %mul3A_142 : i32 to vector<16xi32>
      %mul3A_144 = arith.muli %get3A_135, %mul3A_143 : vector<16xi32>
      %add3A_145 = arith.constant 32 : i32
      %add3A_146 = vector.broadcast %add3A_145 : i32 to vector<16xi32>
      %add3A_147 = arith.addi %iota3A, %add3A_146 : vector<16xi32>
      %add3A_148 = arith.addi %mul3A_144, %add3A_147 : vector<16xi32>
      %mul3A_149 = arith.constant 4 : i32
      %mul3A_150 = arith.muli %scan3A_80, %mul3A_149 : i32
      %add3A_151 = arith.constant 3 : i32
      %add3A_152 = arith.addi %mul3A_150, %add3A_151 : i32
      %mul3A_153 = arith.constant 16 : i32
      %mul3A_154 = arith.muli %add3A_152, %mul3A_153 : i32
      %get3A_155 = arith.index_cast %mul3A_154 : i32 to index
      %get3A_156 = tpu.vector_load %arg6[%get3A_155] {strides = array<i32>} : memref<19200xf32, #tpu.memory_space<vmem>>, vector<16xf32>,
      %get3A_157 = arith.index_cast %mul3A_154 : i32 to index
      %get3A_158 = tpu.vector_load %arg7[%get3A_157] {strides = array<i32>} : memref<19200xi32, #tpu.memory_space<vmem>>, vector<16xi32>,
      %ge3A_159 = arith.constant 1.000000e-03 : f32
      %ge3A_160 = vector.broadcast %ge3A_159 : f32 to vector<16xf32>
      %ge3A_161 = arith.cmpf oge, %get3A_156, %ge3A_160 : vector<16xf32>
      %jit3A_162 = arith.constant 1.000000e+10 : f32
      %broadcast_in_dim3A_163 = vector.broadcast %jit3A_162 : f32 to vector<16xf32>
      %select_n3A_164 = arith.select %ge3A_161, %get3A_156, %broadcast_in_dim3A_163 : vector<16xi1>, vector<16xf32>
      %mul3A_165 = arith.constant 64 : i32
      %mul3A_166 = vector.broadcast %mul3A_165 : i32 to vector<16xi32>
      %mul3A_167 = arith.muli %get3A_158, %mul3A_166 : vector<16xi32>
      %add3A_168 = arith.constant 48 : i32
      %add3A_169 = vector.broadcast %add3A_168 : i32 to vector<16xi32>
      %add3A_170 = arith.addi %iota3A, %add3A_169 : vector<16xi32>
      %add3A_171 = arith.addi %mul3A_167, %add3A_170 : vector<16xi32>
      %gather3A = tpu.vector_load_idx %arg8[%add3A_102] : memref<17408xf32, #tpu.memory_space<vmem>>[vector<16xi32>], vector<16xf32>,
      %gather3A_172 = tpu.vector_load_idx %arg8[%add3A_125] : memref<17408xf32, #tpu.memory_space<vmem>>[vector<16xi32>], vector<16xf32>,
      %gather3A_173 = tpu.vector_load_idx %arg8[%add3A_148] : memref<17408xf32, #tpu.memory_space<vmem>>[vector<16xi32>], vector<16xf32>,
      %gather3A_174 = tpu.vector_load_idx %arg8[%add3A_171] : memref<17408xf32, #tpu.memory_space<vmem>>[vector<16xi32>], vector<16xf32>,
      %gather3A_175 = tpu.vector_load_idx %arg9[%add3A_102] : memref<17408xf32, #tpu.memory_space<vmem>>[vector<16xi32>], vector<16xf32>,
      %gather3A_176 = tpu.vector_load_idx %arg9[%add3A_125] : memref<17408xf32, #tpu.memory_space<vmem>>[vector<16xi32>], vector<16xf32>,
      %gather3A_177 = tpu.vector_load_idx %arg9[%add3A_148] : memref<17408xf32, #tpu.memory_space<vmem>>[vector<16xi32>], vector<16xf32>,
      %gather3A_178 = tpu.vector_load_idx %arg9[%add3A_171] : memref<17408xf32, #tpu.memory_space<vmem>>[vector<16xi32>], vector<16xf32>,
      %max3A = arith.maximumf %gather3A, %select_n3A_95 : vector<16xf32>
      tpu.vector_store_idx %arg8[%add3A_102], %max3A : memref<17408xf32, #tpu.memory_space<vmem>>[vector<16xi32>], vector<16xf32>,
      %max3A_179 = arith.maximumf %gather3A_172, %select_n3A_118 : vector<16xf32>
      tpu.vector_store_idx %arg8[%add3A_125], %max3A_179 : memref<17408xf32, #tpu.memory_space<vmem>>[vector<16xi32>], vector<16xf32>,
      %max3A_180 = arith.maximumf %gather3A_173, %select_n3A_141 : vector<16xf32>
      tpu.vector_store_idx %arg8[%add3A_148], %max3A_180 : memref<17408xf32, #tpu.memory_space<vmem>>[vector<16xi32>], vector<16xf32>,
      %max3A_181 = arith.maximumf %gather3A_174, %select_n3A_164 : vector<16xf32>
      tpu.vector_store_idx %arg8[%add3A_171], %max3A_181 : memref<17408xf32, #tpu.memory_space<vmem>>[vector<16xi32>], vector<16xf32>,
      %min3A = arith.minimumf %gather3A_175, %select_n3A_95 : vector<16xf32>
      tpu.vector_store_idx %arg9[%add3A_102], %min3A : memref<17408xf32, #tpu.memory_space<vmem>>[vector<16xi32>], vector<16xf32>,
      %min3A_182 = arith.minimumf %gather3A_176, %select_n3A_118 : vector<16xf32>
      tpu.vector_store_idx %arg9[%add3A_125], %min3A_182 : memref<17408xf32, #tpu.memory_space<vmem>>[vector<16xi32>], vector<16xf32>,
      %min3A_183 = arith.minimumf %gather3A_177, %select_n3A_141 : vector<16xf32>
      tpu.vector_store_idx %arg9[%add3A_148], %min3A_183 : memref<17408xf32, #tpu.memory_space<vmem>>[vector<16xi32>], vector<16xf32>,
      %min3A_184 = arith.minimumf %gather3A_178, %select_n3A_164 : vector<16xf32>
      tpu.vector_store_idx %arg9[%add3A_171], %min3A_184 : memref<17408xf32, #tpu.memory_space<vmem>>[vector<16xi32>], vector<16xf32>,
      %scan3A_185 = arith.constant 0 : i32
      scf.yield %scan3A_185 : i32
    }
    %scan3A_58 = arith.constant 300 : i32
    %scan3A_59 = arith.constant 0 : i32
    %scan3A_60 = arith.constant 0 : i32
    %scan3A_61 = arith.constant 17 : i32
    %scan3A_62 = arith.addi %scan3A_60, %scan3A_61 : i32
    %scan3A_63 = arith.constant 1 : i32
    %scan3A_64 = scf.for %scan3A_80 = %scan3A_60 to %scan3A_62 step %scan3A_63 iter_args(%scan3A_81 = %scan3A_59) -> (i32)  : i32 {
      %mul3A_82 = arith.constant 16 : i32
      %mul3A_83 = arith.muli %scan3A_80, %mul3A_82 : i32
      %add3A_84 = vector.broadcast %mul3A_83 : i32 to vector<16xi32>
      %add3A_85 = arith.addi %iota3A, %add3A_84 : vector<16xi32>
      %mul3A_86 = arith.constant 64 : i32
      %mul3A_87 = vector.broadcast %mul3A_86 : i32 to vector<16xi32>
      %mul3A_88 = arith.muli %add3A_85, %mul3A_87 : vector<16xi32>
      %add3A_89 = arith.constant 0 : i32
      %add3A_90 = vector.broadcast %add3A_89 : i32 to vector<16xi32>
      %add3A_91 = arith.addi %mul3A_88, %add3A_90 : vector<16xi32>
      %gather3A = tpu.vector_load_idx %arg8[%add3A_91] : memref<17408xf32, #tpu.memory_space<vmem>>[vector<16xi32>], vector<16xf32>,
      %add3A_92 = arith.constant 1 : i32
      %add3A_93 = vector.broadcast %add3A_92 : i32 to vector<16xi32>
      %add3A_94 = arith.addi %mul3A_88, %add3A_93 : vector<16xi32>
      %gather3A_95 = tpu.vector_load_idx %arg8[%add3A_94] : memref<17408xf32, #tpu.memory_space<vmem>>[vector<16xi32>], vector<16xf32>,
      %add3A_96 = arith.constant 2 : i32
      %add3A_97 = vector.broadcast %add3A_96 : i32 to vector<16xi32>
      %add3A_98 = arith.addi %mul3A_88, %add3A_97 : vector<16xi32>
      %gather3A_99 = tpu.vector_load_idx %arg8[%add3A_98] : memref<17408xf32, #tpu.memory_space<vmem>>[vector<16xi32>], vector<16xf32>,
      %add3A_100 = arith.constant 3 : i32
      %add3A_101 = vector.broadcast %add3A_100 : i32 to vector<16xi32>
      %add3A_102 = arith.addi %mul3A_88, %add3A_101 : vector<16xi32>
      %gather3A_103 = tpu.vector_load_idx %arg8[%add3A_102] : memref<17408xf32, #tpu.memory_space<vmem>>[vector<16xi32>], vector<16xf32>,
      %add3A_104 = arith.constant 4 : i32
      %add3A_105 = vector.broadcast %add3A_104 : i32 to vector<16xi32>
      %add3A_106 = arith.addi %mul3A_88, %add3A_105 : vector<16xi32>
      %gather3A_107 = tpu.vector_load_idx %arg8[%add3A_106] : memref<17408xf32, #tpu.memory_space<vmem>>[vector<16xi32>], vector<16xf32>,
      %add3A_108 = arith.constant 5 : i32
      %add3A_109 = vector.broadcast %add3A_108 : i32 to vector<16xi32>
      %add3A_110 = arith.addi %mul3A_88, %add3A_109 : vector<16xi32>
      %gather3A_111 = tpu.vector_load_idx %arg8[%add3A_110] : memref<17408xf32, #tpu.memory_space<vmem>>[vector<16xi32>], vector<16xf32>,
      %add3A_112 = arith.constant 6 : i32
      %add3A_113 = vector.broadcast %add3A_112 : i32 to vector<16xi32>
      %add3A_114 = arith.addi %mul3A_88, %add3A_113 : vector<16xi32>
      %gather3A_115 = tpu.vector_load_idx %arg8[%add3A_114] : memref<17408xf32, #tpu.memory_space<vmem>>[vector<16xi32>], vector<16xf32>,
      %add3A_116 = arith.constant 7 : i32
      %add3A_117 = vector.broadcast %add3A_116 : i32 to vector<16xi32>
      %add3A_118 = arith.addi %mul3A_88, %add3A_117 : vector<16xi32>
      %gather3A_119 = tpu.vector_load_idx %arg8[%add3A_118] : memref<17408xf32, #tpu.memory_space<vmem>>[vector<16xi32>], vector<16xf32>,
      %add3A_120 = arith.constant 0 : i32
      %add3A_121 = vector.broadcast %add3A_120 : i32 to vector<16xi32>
      %add3A_122 = arith.addi %mul3A_88, %add3A_121 : vector<16xi32>
      %gather3A_123 = tpu.vector_load_idx %arg9[%add3A_122] : memref<17408xf32, #tpu.memory_space<vmem>>[vector<16xi32>], vector<16xf32>,
      %add3A_124 = arith.constant 1 : i32
      %add3A_125 = vector.broadcast %add3A_124 : i32 to vector<16xi32>
      %add3A_126 = arith.addi %mul3A_88, %add3A_125 : vector<16xi32>
      %gather3A_127 = tpu.vector_load_idx %arg9[%add3A_126] : memref<17408xf32, #tpu.memory_space<vmem>>[vector<16xi32>], vector<16xf32>,
      %add3A_128 = arith.constant 2 : i32
      %add3A_129 = vector.broadcast %add3A_128 : i32 to vector<16xi32>
      %add3A_130 = arith.addi %mul3A_88, %add3A_129 : vector<16xi32>
      %gather3A_131 = tpu.vector_load_idx %arg9[%add3A_130] : memref<17408xf32, #tpu.memory_space<vmem>>[vector<16xi32>], vector<16xf32>,
      %add3A_132 = arith.constant 3 : i32
      %add3A_133 = vector.broadcast %add3A_132 : i32 to vector<16xi32>
      %add3A_134 = arith.addi %mul3A_88, %add3A_133 : vector<16xi32>
      %gather3A_135 = tpu.vector_load_idx %arg9[%add3A_134] : memref<17408xf32, #tpu.memory_space<vmem>>[vector<16xi32>], vector<16xf32>,
      %add3A_136 = arith.constant 4 : i32
      %add3A_137 = vector.broadcast %add3A_136 : i32 to vector<16xi32>
      %add3A_138 = arith.addi %mul3A_88, %add3A_137 : vector<16xi32>
      %gather3A_139 = tpu.vector_load_idx %arg9[%add3A_138] : memref<17408xf32, #tpu.memory_space<vmem>>[vector<16xi32>], vector<16xf32>,
      %add3A_140 = arith.constant 5 : i32
      %add3A_141 = vector.broadcast %add3A_140 : i32 to vector<16xi32>
      %add3A_142 = arith.addi %mul3A_88, %add3A_141 : vector<16xi32>
      %gather3A_143 = tpu.vector_load_idx %arg9[%add3A_142] : memref<17408xf32, #tpu.memory_space<vmem>>[vector<16xi32>], vector<16xf32>,
      %add3A_144 = arith.constant 6 : i32
      %add3A_145 = vector.broadcast %add3A_144 : i32 to vector<16xi32>
      %add3A_146 = arith.addi %mul3A_88, %add3A_145 : vector<16xi32>
      %gather3A_147 = tpu.vector_load_idx %arg9[%add3A_146] : memref<17408xf32, #tpu.memory_space<vmem>>[vector<16xi32>], vector<16xf32>,
      %add3A_148 = arith.constant 7 : i32
      %add3A_149 = vector.broadcast %add3A_148 : i32 to vector<16xi32>
      %add3A_150 = arith.addi %mul3A_88, %add3A_149 : vector<16xi32>
      %gather3A_151 = tpu.vector_load_idx %arg9[%add3A_150] : memref<17408xf32, #tpu.memory_space<vmem>>[vector<16xi32>], vector<16xf32>,
      %add3A_152 = arith.constant 8 : i32
      %add3A_153 = vector.broadcast %add3A_152 : i32 to vector<16xi32>
      %add3A_154 = arith.addi %mul3A_88, %add3A_153 : vector<16xi32>
      %gather3A_155 = tpu.vector_load_idx %arg8[%add3A_154] : memref<17408xf32, #tpu.memory_space<vmem>>[vector<16xi32>], vector<16xf32>,
      %max3A = arith.maximumf %gather3A, %gather3A_155 : vector<16xf32>
      %add3A_156 = arith.constant 8 : i32
      %add3A_157 = vector.broadcast %add3A_156 : i32 to vector<16xi32>
      %add3A_158 = arith.addi %mul3A_88, %add3A_157 : vector<16xi32>
      %gather3A_159 = tpu.vector_load_idx %arg9[%add3A_158] : memref<17408xf32, #tpu.memory_space<vmem>>[vector<16xi32>], vector<16xf32>,
      %min3A = arith.minimumf %gather3A_123, %gather3A_159 : vector<16xf32>
      %add3A_160 = arith.constant 9 : i32
      %add3A_161 = vector.broadcast %add3A_160 : i32 to vector<16xi32>
      %add3A_162 = arith.addi %mul3A_88, %add3A_161 : vector<16xi32>
      %gather3A_163 = tpu.vector_load_idx %arg8[%add3A_162] : memref<17408xf32, #tpu.memory_space<vmem>>[vector<16xi32>], vector<16xf32>,
      %max3A_164 = arith.maximumf %gather3A_95, %gather3A_163 : vector<16xf32>
      %add3A_165 = arith.constant 9 : i32
      %add3A_166 = vector.broadcast %add3A_165 : i32 to vector<16xi32>
      %add3A_167 = arith.addi %mul3A_88, %add3A_166 : vector<16xi32>
      %gather3A_168 = tpu.vector_load_idx %arg9[%add3A_167] : memref<17408xf32, #tpu.memory_space<vmem>>[vector<16xi32>], vector<16xf32>,
      %min3A_169 = arith.minimumf %gather3A_127, %gather3A_168 : vector<16xf32>
      %add3A_170 = arith.constant 10 : i32
      %add3A_171 = vector.broadcast %add3A_170 : i32 to vector<16xi32>
      %add3A_172 = arith.addi %mul3A_88, %add3A_171 : vector<16xi32>
      %gather3A_173 = tpu.vector_load_idx %arg8[%add3A_172] : memref<17408xf32, #tpu.memory_space<vmem>>[vector<16xi32>], vector<16xf32>,
      %max3A_174 = arith.maximumf %gather3A_99, %gather3A_173 : vector<16xf32>
      %add3A_175 = arith.constant 10 : i32
      %add3A_176 = vector.broadcast %add3A_175 : i32 to vector<16xi32>
      %add3A_177 = arith.addi %mul3A_88, %add3A_176 : vector<16xi32>
      %gather3A_178 = tpu.vector_load_idx %arg9[%add3A_177] : memref<17408xf32, #tpu.memory_space<vmem>>[vector<16xi32>], vector<16xf32>,
      %min3A_179 = arith.minimumf %gather3A_131, %gather3A_178 : vector<16xf32>
      %add3A_180 = arith.constant 11 : i32
      %add3A_181 = vector.broadcast %add3A_180 : i32 to vector<16xi32>
      %add3A_182 = arith.addi %mul3A_88, %add3A_181 : vector<16xi32>
      %gather3A_183 = tpu.vector_load_idx %arg8[%add3A_182] : memref<17408xf32, #tpu.memory_space<vmem>>[vector<16xi32>], vector<16xf32>,
      %max3A_184 = arith.maximumf %gather3A_103, %gather3A_183 : vector<16xf32>
      %add3A_185 = arith.constant 11 : i32
      %add3A_186 = vector.broadcast %add3A_185 : i32 to vector<16xi32>
      %add3A_187 = arith.addi %mul3A_88, %add3A_186 : vector<16xi32>
      %gather3A_188 = tpu.vector_load_idx %arg9[%add3A_187] : memref<17408xf32, #tpu.memory_space<vmem>>[vector<16xi32>], vector<16xf32>,
      %min3A_189 = arith.minimumf %gather3A_135, %gather3A_188 : vector<16xf32>
      %add3A_190 = arith.constant 12 : i32
      %add3A_191 = vector.broadcast %add3A_190 : i32 to vector<16xi32>
      %add3A_192 = arith.addi %mul3A_88, %add3A_191 : vector<16xi32>
      %gather3A_193 = tpu.vector_load_idx %arg8[%add3A_192] : memref<17408xf32, #tpu.memory_space<vmem>>[vector<16xi32>], vector<16xf32>,
      %max3A_194 = arith.maximumf %gather3A_107, %gather3A_193 : vector<16xf32>
      %add3A_195 = arith.constant 12 : i32
      %add3A_196 = vector.broadcast %add3A_195 : i32 to vector<16xi32>
      %add3A_197 = arith.addi %mul3A_88, %add3A_196 : vector<16xi32>
      %gather3A_198 = tpu.vector_load_idx %arg9[%add3A_197] : memref<17408xf32, #tpu.memory_space<vmem>>[vector<16xi32>], vector<16xf32>,
      %min3A_199 = arith.minimumf %gather3A_139, %gather3A_198 : vector<16xf32>
      %add3A_200 = arith.constant 13 : i32
      %add3A_201 = vector.broadcast %add3A_200 : i32 to vector<16xi32>
      %add3A_202 = arith.addi %mul3A_88, %add3A_201 : vector<16xi32>
      %gather3A_203 = tpu.vector_load_idx %arg8[%add3A_202] : memref<17408xf32, #tpu.memory_space<vmem>>[vector<16xi32>], vector<16xf32>,
      %max3A_204 = arith.maximumf %gather3A_111, %gather3A_203 : vector<16xf32>
      %add3A_205 = arith.constant 13 : i32
      %add3A_206 = vector.broadcast %add3A_205 : i32 to vector<16xi32>
      %add3A_207 = arith.addi %mul3A_88, %add3A_206 : vector<16xi32>
      %gather3A_208 = tpu.vector_load_idx %arg9[%add3A_207] : memref<17408xf32, #tpu.memory_space<vmem>>[vector<16xi32>], vector<16xf32>,
      %min3A_209 = arith.minimumf %gather3A_143, %gather3A_208 : vector<16xf32>
      %add3A_210 = arith.constant 14 : i32
      %add3A_211 = vector.broadcast %add3A_210 : i32 to vector<16xi32>
      %add3A_212 = arith.addi %mul3A_88, %add3A_211 : vector<16xi32>
      %gather3A_213 = tpu.vector_load_idx %arg8[%add3A_212] : memref<17408xf32, #tpu.memory_space<vmem>>[vector<16xi32>], vector<16xf32>,
      %max3A_214 = arith.maximumf %gather3A_115, %gather3A_213 : vector<16xf32>
      %add3A_215 = arith.constant 14 : i32
      %add3A_216 = vector.broadcast %add3A_215 : i32 to vector<16xi32>
      %add3A_217 = arith.addi %mul3A_88, %add3A_216 : vector<16xi32>
      %gather3A_218 = tpu.vector_load_idx %arg9[%add3A_217] : memref<17408xf32, #tpu.memory_space<vmem>>[vector<16xi32>], vector<16xf32>,
      %min3A_219 = arith.minimumf %gather3A_147, %gather3A_218 : vector<16xf32>
      %add3A_220 = arith.constant 15 : i32
      %add3A_221 = vector.broadcast %add3A_220 : i32 to vector<16xi32>
      %add3A_222 = arith.addi %mul3A_88, %add3A_221 : vector<16xi32>
      %gather3A_223 = tpu.vector_load_idx %arg8[%add3A_222] : memref<17408xf32, #tpu.memory_space<vmem>>[vector<16xi32>], vector<16xf32>,
      %max3A_224 = arith.maximumf %gather3A_119, %gather3A_223 : vector<16xf32>
      %add3A_225 = arith.constant 15 : i32
      %add3A_226 = vector.broadcast %add3A_225 : i32 to vector<16xi32>
      %add3A_227 = arith.addi %mul3A_88, %add3A_226 : vector<16xi32>
      %gather3A_228 = tpu.vector_load_idx %arg9[%add3A_227] : memref<17408xf32, #tpu.memory_space<vmem>>[vector<16xi32>], vector<16xf32>,
      %min3A_229 = arith.minimumf %gather3A_151, %gather3A_228 : vector<16xf32>
      %add3A_230 = arith.constant 16 : i32
      %add3A_231 = vector.broadcast %add3A_230 : i32 to vector<16xi32>
      %add3A_232 = arith.addi %mul3A_88, %add3A_231 : vector<16xi32>
      %gather3A_233 = tpu.vector_load_idx %arg8[%add3A_232] : memref<17408xf32, #tpu.memory_space<vmem>>[vector<16xi32>], vector<16xf32>,
      %max3A_234 = arith.maximumf %max3A, %gather3A_233 : vector<16xf32>
      %add3A_235 = arith.constant 16 : i32
      %add3A_236 = vector.broadcast %add3A_235 : i32 to vector<16xi32>
      %add3A_237 = arith.addi %mul3A_88, %add3A_236 : vector<16xi32>
      %gather3A_238 = tpu.vector_load_idx %arg9[%add3A_237] : memref<17408xf32, #tpu.memory_space<vmem>>[vector<16xi32>], vector<16xf32>,
      %min3A_239 = arith.minimumf %min3A, %gather3A_238 : vector<16xf32>
      %add3A_240 = arith.constant 17 : i32
      %add3A_241 = vector.broadcast %add3A_240 : i32 to vector<16xi32>
      %add3A_242 = arith.addi %mul3A_88, %add3A_241 : vector<16xi32>
      %gather3A_243 = tpu.vector_load_idx %arg8[%add3A_242] : memref<17408xf32, #tpu.memory_space<vmem>>[vector<16xi32>], vector<16xf32>,
      %max3A_244 = arith.maximumf %max3A_164, %gather3A_243 : vector<16xf32>
      %add3A_245 = arith.constant 17 : i32
      %add3A_246 = vector.broadcast %add3A_245 : i32 to vector<16xi32>
      %add3A_247 = arith.addi %mul3A_88, %add3A_246 : vector<16xi32>
      %gather3A_248 = tpu.vector_load_idx %arg9[%add3A_247] : memref<17408xf32, #tpu.memory_space<vmem>>[vector<16xi32>], vector<16xf32>,
      %min3A_249 = arith.minimumf %min3A_169, %gather3A_248 : vector<16xf32>
      %add3A_250 = arith.constant 18 : i32
      %add3A_251 = vector.broadcast %add3A_250 : i32 to vector<16xi32>
      %add3A_252 = arith.addi %mul3A_88, %add3A_251 : vector<16xi32>
      %gather3A_253 = tpu.vector_load_idx %arg8[%add3A_252] : memref<17408xf32, #tpu.memory_space<vmem>>[vector<16xi32>], vector<16xf32>,
      %max3A_254 = arith.maximumf %max3A_174, %gather3A_253 : vector<16xf32>
      %add3A_255 = arith.constant 18 : i32
      %add3A_256 = vector.broadcast %add3A_255 : i32 to vector<16xi32>
      %add3A_257 = arith.addi %mul3A_88, %add3A_256 : vector<16xi32>
      %gather3A_258 = tpu.vector_load_idx %arg9[%add3A_257] : memref<17408xf32, #tpu.memory_space<vmem>>[vector<16xi32>], vector<16xf32>,
      %min3A_259 = arith.minimumf %min3A_179, %gather3A_258 : vector<16xf32>
      %add3A_260 = arith.constant 19 : i32
      %add3A_261 = vector.broadcast %add3A_260 : i32 to vector<16xi32>
      %add3A_262 = arith.addi %mul3A_88, %add3A_261 : vector<16xi32>
      %gather3A_263 = tpu.vector_load_idx %arg8[%add3A_262] : memref<17408xf32, #tpu.memory_space<vmem>>[vector<16xi32>], vector<16xf32>,
      %max3A_264 = arith.maximumf %max3A_184, %gather3A_263 : vector<16xf32>
      %add3A_265 = arith.constant 19 : i32
      %add3A_266 = vector.broadcast %add3A_265 : i32 to vector<16xi32>
      %add3A_267 = arith.addi %mul3A_88, %add3A_266 : vector<16xi32>
      %gather3A_268 = tpu.vector_load_idx %arg9[%add3A_267] : memref<17408xf32, #tpu.memory_space<vmem>>[vector<16xi32>], vector<16xf32>,
      %min3A_269 = arith.minimumf %min3A_189, %gather3A_268 : vector<16xf32>
      %add3A_270 = arith.constant 20 : i32
      %add3A_271 = vector.broadcast %add3A_270 : i32 to vector<16xi32>
      %add3A_272 = arith.addi %mul3A_88, %add3A_271 : vector<16xi32>
      %gather3A_273 = tpu.vector_load_idx %arg8[%add3A_272] : memref<17408xf32, #tpu.memory_space<vmem>>[vector<16xi32>], vector<16xf32>,
      %max3A_274 = arith.maximumf %max3A_194, %gather3A_273 : vector<16xf32>
      %add3A_275 = arith.constant 20 : i32
      %add3A_276 = vector.broadcast %add3A_275 : i32 to vector<16xi32>
      %add3A_277 = arith.addi %mul3A_88, %add3A_276 : vector<16xi32>
      %gather3A_278 = tpu.vector_load_idx %arg9[%add3A_277] : memref<17408xf32, #tpu.memory_space<vmem>>[vector<16xi32>], vector<16xf32>,
      %min3A_279 = arith.minimumf %min3A_199, %gather3A_278 : vector<16xf32>
      %add3A_280 = arith.constant 21 : i32
      %add3A_281 = vector.broadcast %add3A_280 : i32 to vector<16xi32>
      %add3A_282 = arith.addi %mul3A_88, %add3A_281 : vector<16xi32>
      %gather3A_283 = tpu.vector_load_idx %arg8[%add3A_282] : memref<17408xf32, #tpu.memory_space<vmem>>[vector<16xi32>], vector<16xf32>,
      %max3A_284 = arith.maximumf %max3A_204, %gather3A_283 : vector<16xf32>
      %add3A_285 = arith.constant 21 : i32
      %add3A_286 = vector.broadcast %add3A_285 : i32 to vector<16xi32>
      %add3A_287 = arith.addi %mul3A_88, %add3A_286 : vector<16xi32>
      %gather3A_288 = tpu.vector_load_idx %arg9[%add3A_287] : memref<17408xf32, #tpu.memory_space<vmem>>[vector<16xi32>], vector<16xf32>,
      %min3A_289 = arith.minimumf %min3A_209, %gather3A_288 : vector<16xf32>
      %add3A_290 = arith.constant 22 : i32
      %add3A_291 = vector.broadcast %add3A_290 : i32 to vector<16xi32>
      %add3A_292 = arith.addi %mul3A_88, %add3A_291 : vector<16xi32>
      %gather3A_293 = tpu.vector_load_idx %arg8[%add3A_292] : memref<17408xf32, #tpu.memory_space<vmem>>[vector<16xi32>], vector<16xf32>,
      %max3A_294 = arith.maximumf %max3A_214, %gather3A_293 : vector<16xf32>
      %add3A_295 = arith.constant 22 : i32
      %add3A_296 = vector.broadcast %add3A_295 : i32 to vector<16xi32>
      %add3A_297 = arith.addi %mul3A_88, %add3A_296 : vector<16xi32>
      %gather3A_298 = tpu.vector_load_idx %arg9[%add3A_297] : memref<17408xf32, #tpu.memory_space<vmem>>[vector<16xi32>], vector<16xf32>,
      %min3A_299 = arith.minimumf %min3A_219, %gather3A_298 : vector<16xf32>
      %add3A_300 = arith.constant 23 : i32
      %add3A_301 = vector.broadcast %add3A_300 : i32 to vector<16xi32>
      %add3A_302 = arith.addi %mul3A_88, %add3A_301 : vector<16xi32>
      %gather3A_303 = tpu.vector_load_idx %arg8[%add3A_302] : memref<17408xf32, #tpu.memory_space<vmem>>[vector<16xi32>], vector<16xf32>,
      %max3A_304 = arith.maximumf %max3A_224, %gather3A_303 : vector<16xf32>
      %add3A_305 = arith.constant 23 : i32
      %add3A_306 = vector.broadcast %add3A_305 : i32 to vector<16xi32>
      %add3A_307 = arith.addi %mul3A_88, %add3A_306 : vector<16xi32>
      %gather3A_308 = tpu.vector_load_idx %arg9[%add3A_307] : memref<17408xf32, #tpu.memory_space<vmem>>[vector<16xi32>], vector<16xf32>,
      %min3A_309 = arith.minimumf %min3A_229, %gather3A_308 : vector<16xf32>
      %add3A_310 = arith.constant 24 : i32
      %add3A_311 = vector.broadcast %add3A_310 : i32 to vector<16xi32>
      %add3A_312 = arith.addi %mul3A_88, %add3A_311 : vector<16xi32>
      %gather3A_313 = tpu.vector_load_idx %arg8[%add3A_312] : memref<17408xf32, #tpu.memory_space<vmem>>[vector<16xi32>], vector<16xf32>,
      %max3A_314 = arith.maximumf %max3A_234, %gather3A_313 : vector<16xf32>
      %add3A_315 = arith.constant 24 : i32
      %add3A_316 = vector.broadcast %add3A_315 : i32 to vector<16xi32>
      %add3A_317 = arith.addi %mul3A_88, %add3A_316 : vector<16xi32>
      %gather3A_318 = tpu.vector_load_idx %arg9[%add3A_317] : memref<17408xf32, #tpu.memory_space<vmem>>[vector<16xi32>], vector<16xf32>,
      %min3A_319 = arith.minimumf %min3A_239, %gather3A_318 : vector<16xf32>
      %add3A_320 = arith.constant 25 : i32
      %add3A_321 = vector.broadcast %add3A_320 : i32 to vector<16xi32>
      %add3A_322 = arith.addi %mul3A_88, %add3A_321 : vector<16xi32>
      %gather3A_323 = tpu.vector_load_idx %arg8[%add3A_322] : memref<17408xf32, #tpu.memory_space<vmem>>[vector<16xi32>], vector<16xf32>,
      %max3A_324 = arith.maximumf %max3A_244, %gather3A_323 : vector<16xf32>
      %add3A_325 = arith.constant 25 : i32
      %add3A_326 = vector.broadcast %add3A_325 : i32 to vector<16xi32>
      %add3A_327 = arith.addi %mul3A_88, %add3A_326 : vector<16xi32>
      %gather3A_328 = tpu.vector_load_idx %arg9[%add3A_327] : memref<17408xf32, #tpu.memory_space<vmem>>[vector<16xi32>], vector<16xf32>,
      %min3A_329 = arith.minimumf %min3A_249, %gather3A_328 : vector<16xf32>
      %add3A_330 = arith.constant 26 : i32
      %add3A_331 = vector.broadcast %add3A_330 : i32 to vector<16xi32>
      %add3A_332 = arith.addi %mul3A_88, %add3A_331 : vector<16xi32>
      %gather3A_333 = tpu.vector_load_idx %arg8[%add3A_332] : memref<17408xf32, #tpu.memory_space<vmem>>[vector<16xi32>], vector<16xf32>,
      %max3A_334 = arith.maximumf %max3A_254, %gather3A_333 : vector<16xf32>
      %add3A_335 = arith.constant 26 : i32
      %add3A_336 = vector.broadcast %add3A_335 : i32 to vector<16xi32>
      %add3A_337 = arith.addi %mul3A_88, %add3A_336 : vector<16xi32>
      %gather3A_338 = tpu.vector_load_idx %arg9[%add3A_337] : memref<17408xf32, #tpu.memory_space<vmem>>[vector<16xi32>], vector<16xf32>,
      %min3A_339 = arith.minimumf %min3A_259, %gather3A_338 : vector<16xf32>
      %add3A_340 = arith.constant 27 : i32
      %add3A_341 = vector.broadcast %add3A_340 : i32 to vector<16xi32>
      %add3A_342 = arith.addi %mul3A_88, %add3A_341 : vector<16xi32>
      %gather3A_343 = tpu.vector_load_idx %arg8[%add3A_342] : memref<17408xf32, #tpu.memory_space<vmem>>[vector<16xi32>], vector<16xf32>,
      %max3A_344 = arith.maximumf %max3A_264, %gather3A_343 : vector<16xf32>
      %add3A_345 = arith.constant 27 : i32
      %add3A_346 = vector.broadcast %add3A_345 : i32 to vector<16xi32>
      %add3A_347 = arith.addi %mul3A_88, %add3A_346 : vector<16xi32>
      %gather3A_348 = tpu.vector_load_idx %arg9[%add3A_347] : memref<17408xf32, #tpu.memory_space<vmem>>[vector<16xi32>], vector<16xf32>,
      %min3A_349 = arith.minimumf %min3A_269, %gather3A_348 : vector<16xf32>
      %add3A_350 = arith.constant 28 : i32
      %add3A_351 = vector.broadcast %add3A_350 : i32 to vector<16xi32>
      %add3A_352 = arith.addi %mul3A_88, %add3A_351 : vector<16xi32>
      %gather3A_353 = tpu.vector_load_idx %arg8[%add3A_352] : memref<17408xf32, #tpu.memory_space<vmem>>[vector<16xi32>], vector<16xf32>,
      %max3A_354 = arith.maximumf %max3A_274, %gather3A_353 : vector<16xf32>
      %add3A_355 = arith.constant 28 : i32
      %add3A_356 = vector.broadcast %add3A_355 : i32 to vector<16xi32>
      %add3A_357 = arith.addi %mul3A_88, %add3A_356 : vector<16xi32>
      %gather3A_358 = tpu.vector_load_idx %arg9[%add3A_357] : memref<17408xf32, #tpu.memory_space<vmem>>[vector<16xi32>], vector<16xf32>,
      %min3A_359 = arith.minimumf %min3A_279, %gather3A_358 : vector<16xf32>
      %add3A_360 = arith.constant 29 : i32
      %add3A_361 = vector.broadcast %add3A_360 : i32 to vector<16xi32>
      %add3A_362 = arith.addi %mul3A_88, %add3A_361 : vector<16xi32>
      %gather3A_363 = tpu.vector_load_idx %arg8[%add3A_362] : memref<17408xf32, #tpu.memory_space<vmem>>[vector<16xi32>], vector<16xf32>,
      %max3A_364 = arith.maximumf %max3A_284, %gather3A_363 : vector<16xf32>
      %add3A_365 = arith.constant 29 : i32
      %add3A_366 = vector.broadcast %add3A_365 : i32 to vector<16xi32>
      %add3A_367 = arith.addi %mul3A_88, %add3A_366 : vector<16xi32>
      %gather3A_368 = tpu.vector_load_idx %arg9[%add3A_367] : memref<17408xf32, #tpu.memory_space<vmem>>[vector<16xi32>], vector<16xf32>,
      %min3A_369 = arith.minimumf %min3A_289, %gather3A_368 : vector<16xf32>
      %add3A_370 = arith.constant 30 : i32
      %add3A_371 = vector.broadcast %add3A_370 : i32 to vector<16xi32>
      %add3A_372 = arith.addi %mul3A_88, %add3A_371 : vector<16xi32>
      %gather3A_373 = tpu.vector_load_idx %arg8[%add3A_372] : memref<17408xf32, #tpu.memory_space<vmem>>[vector<16xi32>], vector<16xf32>,
      %max3A_374 = arith.maximumf %max3A_294, %gather3A_373 : vector<16xf32>
      %add3A_375 = arith.constant 30 : i32
      %add3A_376 = vector.broadcast %add3A_375 : i32 to vector<16xi32>
      %add3A_377 = arith.addi %mul3A_88, %add3A_376 : vector<16xi32>
      %gather3A_378 = tpu.vector_load_idx %arg9[%add3A_377] : memref<17408xf32, #tpu.memory_space<vmem>>[vector<16xi32>], vector<16xf32>,
      %min3A_379 = arith.minimumf %min3A_299, %gather3A_378 : vector<16xf32>
      %add3A_380 = arith.constant 31 : i32
      %add3A_381 = vector.broadcast %add3A_380 : i32 to vector<16xi32>
      %add3A_382 = arith.addi %mul3A_88, %add3A_381 : vector<16xi32>
      %gather3A_383 = tpu.vector_load_idx %arg8[%add3A_382] : memref<17408xf32, #tpu.memory_space<vmem>>[vector<16xi32>], vector<16xf32>,
      %max3A_384 = arith.maximumf %max3A_304, %gather3A_383 : vector<16xf32>
      %add3A_385 = arith.constant 31 : i32
      %add3A_386 = vector.broadcast %add3A_385 : i32 to vector<16xi32>
      %add3A_387 = arith.addi %mul3A_88, %add3A_386 : vector<16xi32>
      %gather3A_388 = tpu.vector_load_idx %arg9[%add3A_387] : memref<17408xf32, #tpu.memory_space<vmem>>[vector<16xi32>], vector<16xf32>,
      %min3A_389 = arith.minimumf %min3A_309, %gather3A_388 : vector<16xf32>
      %add3A_390 = arith.constant 32 : i32
      %add3A_391 = vector.broadcast %add3A_390 : i32 to vector<16xi32>
      %add3A_392 = arith.addi %mul3A_88, %add3A_391 : vector<16xi32>
      %gather3A_393 = tpu.vector_load_idx %arg8[%add3A_392] : memref<17408xf32, #tpu.memory_space<vmem>>[vector<16xi32>], vector<16xf32>,
      %max3A_394 = arith.maximumf %max3A_314, %gather3A_393 : vector<16xf32>
      %add3A_395 = arith.constant 32 : i32
      %add3A_396 = vector.broadcast %add3A_395 : i32 to vector<16xi32>
      %add3A_397 = arith.addi %mul3A_88, %add3A_396 : vector<16xi32>
      %gather3A_398 = tpu.vector_load_idx %arg9[%add3A_397] : memref<17408xf32, #tpu.memory_space<vmem>>[vector<16xi32>], vector<16xf32>,
      %min3A_399 = arith.minimumf %min3A_319, %gather3A_398 : vector<16xf32>
      %add3A_400 = arith.constant 33 : i32
      %add3A_401 = vector.broadcast %add3A_400 : i32 to vector<16xi32>
      %add3A_402 = arith.addi %mul3A_88, %add3A_401 : vector<16xi32>
      %gather3A_403 = tpu.vector_load_idx %arg8[%add3A_402] : memref<17408xf32, #tpu.memory_space<vmem>>[vector<16xi32>], vector<16xf32>,
      %max3A_404 = arith.maximumf %max3A_324, %gather3A_403 : vector<16xf32>
      %add3A_405 = arith.constant 33 : i32
      %add3A_406 = vector.broadcast %add3A_405 : i32 to vector<16xi32>
      %add3A_407 = arith.addi %mul3A_88, %add3A_406 : vector<16xi32>
      %gather3A_408 = tpu.vector_load_idx %arg9[%add3A_407] : memref<17408xf32, #tpu.memory_space<vmem>>[vector<16xi32>], vector<16xf32>,
      %min3A_409 = arith.minimumf %min3A_329, %gather3A_408 : vector<16xf32>
      %add3A_410 = arith.constant 34 : i32
      %add3A_411 = vector.broadcast %add3A_410 : i32 to vector<16xi32>
      %add3A_412 = arith.addi %mul3A_88, %add3A_411 : vector<16xi32>
      %gather3A_413 = tpu.vector_load_idx %arg8[%add3A_412] : memref<17408xf32, #tpu.memory_space<vmem>>[vector<16xi32>], vector<16xf32>,
      %max3A_414 = arith.maximumf %max3A_334, %gather3A_413 : vector<16xf32>
      %add3A_415 = arith.constant 34 : i32
      %add3A_416 = vector.broadcast %add3A_415 : i32 to vector<16xi32>
      %add3A_417 = arith.addi %mul3A_88, %add3A_416 : vector<16xi32>
      %gather3A_418 = tpu.vector_load_idx %arg9[%add3A_417] : memref<17408xf32, #tpu.memory_space<vmem>>[vector<16xi32>], vector<16xf32>,
      %min3A_419 = arith.minimumf %min3A_339, %gather3A_418 : vector<16xf32>
      %add3A_420 = arith.constant 35 : i32
      %add3A_421 = vector.broadcast %add3A_420 : i32 to vector<16xi32>
      %add3A_422 = arith.addi %mul3A_88, %add3A_421 : vector<16xi32>
      %gather3A_423 = tpu.vector_load_idx %arg8[%add3A_422] : memref<17408xf32, #tpu.memory_space<vmem>>[vector<16xi32>], vector<16xf32>,
      %max3A_424 = arith.maximumf %max3A_344, %gather3A_423 : vector<16xf32>
      %add3A_425 = arith.constant 35 : i32
      %add3A_426 = vector.broadcast %add3A_425 : i32 to vector<16xi32>
      %add3A_427 = arith.addi %mul3A_88, %add3A_426 : vector<16xi32>
      %gather3A_428 = tpu.vector_load_idx %arg9[%add3A_427] : memref<17408xf32, #tpu.memory_space<vmem>>[vector<16xi32>], vector<16xf32>,
      %min3A_429 = arith.minimumf %min3A_349, %gather3A_428 : vector<16xf32>
      %add3A_430 = arith.constant 36 : i32
      %add3A_431 = vector.broadcast %add3A_430 : i32 to vector<16xi32>
      %add3A_432 = arith.addi %mul3A_88, %add3A_431 : vector<16xi32>
      %gather3A_433 = tpu.vector_load_idx %arg8[%add3A_432] : memref<17408xf32, #tpu.memory_space<vmem>>[vector<16xi32>], vector<16xf32>,
      %max3A_434 = arith.maximumf %max3A_354, %gather3A_433 : vector<16xf32>
      %add3A_435 = arith.constant 36 : i32
      %add3A_436 = vector.broadcast %add3A_435 : i32 to vector<16xi32>
      %add3A_437 = arith.addi %mul3A_88, %add3A_436 : vector<16xi32>
      %gather3A_438 = tpu.vector_load_idx %arg9[%add3A_437] : memref<17408xf32, #tpu.memory_space<vmem>>[vector<16xi32>], vector<16xf32>,
      %min3A_439 = arith.minimumf %min3A_359, %gather3A_438 : vector<16xf32>
      %add3A_440 = arith.constant 37 : i32
      %add3A_441 = vector.broadcast %add3A_440 : i32 to vector<16xi32>
      %add3A_442 = arith.addi %mul3A_88, %add3A_441 : vector<16xi32>
      %gather3A_443 = tpu.vector_load_idx %arg8[%add3A_442] : memref<17408xf32, #tpu.memory_space<vmem>>[vector<16xi32>], vector<16xf32>,
      %max3A_444 = arith.maximumf %max3A_364, %gather3A_443 : vector<16xf32>
      %add3A_445 = arith.constant 37 : i32
      %add3A_446 = vector.broadcast %add3A_445 : i32 to vector<16xi32>
      %add3A_447 = arith.addi %mul3A_88, %add3A_446 : vector<16xi32>
      %gather3A_448 = tpu.vector_load_idx %arg9[%add3A_447] : memref<17408xf32, #tpu.memory_space<vmem>>[vector<16xi32>], vector<16xf32>,
      %min3A_449 = arith.minimumf %min3A_369, %gather3A_448 : vector<16xf32>
      %add3A_450 = arith.constant 38 : i32
      %add3A_451 = vector.broadcast %add3A_450 : i32 to vector<16xi32>
      %add3A_452 = arith.addi %mul3A_88, %add3A_451 : vector<16xi32>
      %gather3A_453 = tpu.vector_load_idx %arg8[%add3A_452] : memref<17408xf32, #tpu.memory_space<vmem>>[vector<16xi32>], vector<16xf32>,
      %max3A_454 = arith.maximumf %max3A_374, %gather3A_453 : vector<16xf32>
      %add3A_455 = arith.constant 38 : i32
      %add3A_456 = vector.broadcast %add3A_455 : i32 to vector<16xi32>
      %add3A_457 = arith.addi %mul3A_88, %add3A_456 : vector<16xi32>
      %gather3A_458 = tpu.vector_load_idx %arg9[%add3A_457] : memref<17408xf32, #tpu.memory_space<vmem>>[vector<16xi32>], vector<16xf32>,
      %min3A_459 = arith.minimumf %min3A_379, %gather3A_458 : vector<16xf32>
      %add3A_460 = arith.constant 39 : i32
      %add3A_461 = vector.broadcast %add3A_460 : i32 to vector<16xi32>
      %add3A_462 = arith.addi %mul3A_88, %add3A_461 : vector<16xi32>
      %gather3A_463 = tpu.vector_load_idx %arg8[%add3A_462] : memref<17408xf32, #tpu.memory_space<vmem>>[vector<16xi32>], vector<16xf32>,
      %max3A_464 = arith.maximumf %max3A_384, %gather3A_463 : vector<16xf32>
      %add3A_465 = arith.constant 39 : i32
      %add3A_466 = vector.broadcast %add3A_465 : i32 to vector<16xi32>
      %add3A_467 = arith.addi %mul3A_88, %add3A_466 : vector<16xi32>
      %gather3A_468 = tpu.vector_load_idx %arg9[%add3A_467] : memref<17408xf32, #tpu.memory_space<vmem>>[vector<16xi32>], vector<16xf32>,
      %min3A_469 = arith.minimumf %min3A_389, %gather3A_468 : vector<16xf32>
      %add3A_470 = arith.constant 40 : i32
      %add3A_471 = vector.broadcast %add3A_470 : i32 to vector<16xi32>
      %add3A_472 = arith.addi %mul3A_88, %add3A_471 : vector<16xi32>
      %gather3A_473 = tpu.vector_load_idx %arg8[%add3A_472] : memref<17408xf32, #tpu.memory_space<vmem>>[vector<16xi32>], vector<16xf32>,
      %max3A_474 = arith.maximumf %max3A_394, %gather3A_473 : vector<16xf32>
      %add3A_475 = arith.constant 40 : i32
      %add3A_476 = vector.broadcast %add3A_475 : i32 to vector<16xi32>
      %add3A_477 = arith.addi %mul3A_88, %add3A_476 : vector<16xi32>
      %gather3A_478 = tpu.vector_load_idx %arg9[%add3A_477] : memref<17408xf32, #tpu.memory_space<vmem>>[vector<16xi32>], vector<16xf32>,
      %min3A_479 = arith.minimumf %min3A_399, %gather3A_478 : vector<16xf32>
      %add3A_480 = arith.constant 41 : i32
      %add3A_481 = vector.broadcast %add3A_480 : i32 to vector<16xi32>
      %add3A_482 = arith.addi %mul3A_88, %add3A_481 : vector<16xi32>
      %gather3A_483 = tpu.vector_load_idx %arg8[%add3A_482] : memref<17408xf32, #tpu.memory_space<vmem>>[vector<16xi32>], vector<16xf32>,
      %max3A_484 = arith.maximumf %max3A_404, %gather3A_483 : vector<16xf32>
      %add3A_485 = arith.constant 41 : i32
      %add3A_486 = vector.broadcast %add3A_485 : i32 to vector<16xi32>
      %add3A_487 = arith.addi %mul3A_88, %add3A_486 : vector<16xi32>
      %gather3A_488 = tpu.vector_load_idx %arg9[%add3A_487] : memref<17408xf32, #tpu.memory_space<vmem>>[vector<16xi32>], vector<16xf32>,
      %min3A_489 = arith.minimumf %min3A_409, %gather3A_488 : vector<16xf32>
      %add3A_490 = arith.constant 42 : i32
      %add3A_491 = vector.broadcast %add3A_490 : i32 to vector<16xi32>
      %add3A_492 = arith.addi %mul3A_88, %add3A_491 : vector<16xi32>
      %gather3A_493 = tpu.vector_load_idx %arg8[%add3A_492] : memref<17408xf32, #tpu.memory_space<vmem>>[vector<16xi32>], vector<16xf32>,
      %max3A_494 = arith.maximumf %max3A_414, %gather3A_493 : vector<16xf32>
      %add3A_495 = arith.constant 42 : i32
      %add3A_496 = vector.broadcast %add3A_495 : i32 to vector<16xi32>
      %add3A_497 = arith.addi %mul3A_88, %add3A_496 : vector<16xi32>
      %gather3A_498 = tpu.vector_load_idx %arg9[%add3A_497] : memref<17408xf32, #tpu.memory_space<vmem>>[vector<16xi32>], vector<16xf32>,
      %min3A_499 = arith.minimumf %min3A_419, %gather3A_498 : vector<16xf32>
      %add3A_500 = arith.constant 43 : i32
      %add3A_501 = vector.broadcast %add3A_500 : i32 to vector<16xi32>
      %add3A_502 = arith.addi %mul3A_88, %add3A_501 : vector<16xi32>
      %gather3A_503 = tpu.vector_load_idx %arg8[%add3A_502] : memref<17408xf32, #tpu.memory_space<vmem>>[vector<16xi32>], vector<16xf32>,
      %max3A_504 = arith.maximumf %max3A_424, %gather3A_503 : vector<16xf32>
      %add3A_505 = arith.constant 43 : i32
      %add3A_506 = vector.broadcast %add3A_505 : i32 to vector<16xi32>
      %add3A_507 = arith.addi %mul3A_88, %add3A_506 : vector<16xi32>
      %gather3A_508 = tpu.vector_load_idx %arg9[%add3A_507] : memref<17408xf32, #tpu.memory_space<vmem>>[vector<16xi32>], vector<16xf32>,
      %min3A_509 = arith.minimumf %min3A_429, %gather3A_508 : vector<16xf32>
      %add3A_510 = arith.constant 44 : i32
      %add3A_511 = vector.broadcast %add3A_510 : i32 to vector<16xi32>
      %add3A_512 = arith.addi %mul3A_88, %add3A_511 : vector<16xi32>
      %gather3A_513 = tpu.vector_load_idx %arg8[%add3A_512] : memref<17408xf32, #tpu.memory_space<vmem>>[vector<16xi32>], vector<16xf32>,
      %max3A_514 = arith.maximumf %max3A_434, %gather3A_513 : vector<16xf32>
      %add3A_515 = arith.constant 44 : i32
      %add3A_516 = vector.broadcast %add3A_515 : i32 to vector<16xi32>
      %add3A_517 = arith.addi %mul3A_88, %add3A_516 : vector<16xi32>
      %gather3A_518 = tpu.vector_load_idx %arg9[%add3A_517] : memref<17408xf32, #tpu.memory_space<vmem>>[vector<16xi32>], vector<16xf32>,
      %min3A_519 = arith.minimumf %min3A_439, %gather3A_518 : vector<16xf32>
      %add3A_520 = arith.constant 45 : i32
      %add3A_521 = vector.broadcast %add3A_520 : i32 to vector<16xi32>
      %add3A_522 = arith.addi %mul3A_88, %add3A_521 : vector<16xi32>
      %gather3A_523 = tpu.vector_load_idx %arg8[%add3A_522] : memref<17408xf32, #tpu.memory_space<vmem>>[vector<16xi32>], vector<16xf32>,
      %max3A_524 = arith.maximumf %max3A_444, %gather3A_523 : vector<16xf32>
      %add3A_525 = arith.constant 45 : i32
      %add3A_526 = vector.broadcast %add3A_525 : i32 to vector<16xi32>
      %add3A_527 = arith.addi %mul3A_88, %add3A_526 : vector<16xi32>
      %gather3A_528 = tpu.vector_load_idx %arg9[%add3A_527] : memref<17408xf32, #tpu.memory_space<vmem>>[vector<16xi32>], vector<16xf32>,
      %min3A_529 = arith.minimumf %min3A_449, %gather3A_528 : vector<16xf32>
      %add3A_530 = arith.constant 46 : i32
      %add3A_531 = vector.broadcast %add3A_530 : i32 to vector<16xi32>
      %add3A_532 = arith.addi %mul3A_88, %add3A_531 : vector<16xi32>
      %gather3A_533 = tpu.vector_load_idx %arg8[%add3A_532] : memref<17408xf32, #tpu.memory_space<vmem>>[vector<16xi32>], vector<16xf32>,
      %max3A_534 = arith.maximumf %max3A_454, %gather3A_533 : vector<16xf32>
      %add3A_535 = arith.constant 46 : i32
      %add3A_536 = vector.broadcast %add3A_535 : i32 to vector<16xi32>
      %add3A_537 = arith.addi %mul3A_88, %add3A_536 : vector<16xi32>
      %gather3A_538 = tpu.vector_load_idx %arg9[%add3A_537] : memref<17408xf32, #tpu.memory_space<vmem>>[vector<16xi32>], vector<16xf32>,
      %min3A_539 = arith.minimumf %min3A_459, %gather3A_538 : vector<16xf32>
      %add3A_540 = arith.constant 47 : i32
      %add3A_541 = vector.broadcast %add3A_540 : i32 to vector<16xi32>
      %add3A_542 = arith.addi %mul3A_88, %add3A_541 : vector<16xi32>
      %gather3A_543 = tpu.vector_load_idx %arg8[%add3A_542] : memref<17408xf32, #tpu.memory_space<vmem>>[vector<16xi32>], vector<16xf32>,
      %max3A_544 = arith.maximumf %max3A_464, %gather3A_543 : vector<16xf32>
      %add3A_545 = arith.constant 47 : i32
      %add3A_546 = vector.broadcast %add3A_545 : i32 to vector<16xi32>
      %add3A_547 = arith.addi %mul3A_88, %add3A_546 : vector<16xi32>
      %gather3A_548 = tpu.vector_load_idx %arg9[%add3A_547] : memref<17408xf32, #tpu.memory_space<vmem>>[vector<16xi32>], vector<16xf32>,
      %min3A_549 = arith.minimumf %min3A_469, %gather3A_548 : vector<16xf32>
      %add3A_550 = arith.constant 48 : i32
      %add3A_551 = vector.broadcast %add3A_550 : i32 to vector<16xi32>
      %add3A_552 = arith.addi %mul3A_88, %add3A_551 : vector<16xi32>
      %gather3A_553 = tpu.vector_load_idx %arg8[%add3A_552] : memref<17408xf32, #tpu.memory_space<vmem>>[vector<16xi32>], vector<16xf32>,
      %max3A_554 = arith.maximumf %max3A_474, %gather3A_553 : vector<16xf32>
      %add3A_555 = arith.constant 48 : i32
      %add3A_556 = vector.broadcast %add3A_555 : i32 to vector<16xi32>
      %add3A_557 = arith.addi %mul3A_88, %add3A_556 : vector<16xi32>
      %gather3A_558 = tpu.vector_load_idx %arg9[%add3A_557] : memref<17408xf32, #tpu.memory_space<vmem>>[vector<16xi32>], vector<16xf32>,
      %min3A_559 = arith.minimumf %min3A_479, %gather3A_558 : vector<16xf32>
      %add3A_560 = arith.constant 49 : i32
      %add3A_561 = vector.broadcast %add3A_560 : i32 to vector<16xi32>
      %add3A_562 = arith.addi %mul3A_88, %add3A_561 : vector<16xi32>
      %gather3A_563 = tpu.vector_load_idx %arg8[%add3A_562] : memref<17408xf32, #tpu.memory_space<vmem>>[vector<16xi32>], vector<16xf32>,
      %max3A_564 = arith.maximumf %max3A_484, %gather3A_563 : vector<16xf32>
      %add3A_565 = arith.constant 49 : i32
      %add3A_566 = vector.broadcast %add3A_565 : i32 to vector<16xi32>
      %add3A_567 = arith.addi %mul3A_88, %add3A_566 : vector<16xi32>
      %gather3A_568 = tpu.vector_load_idx %arg9[%add3A_567] : memref<17408xf32, #tpu.memory_space<vmem>>[vector<16xi32>], vector<16xf32>,
      %min3A_569 = arith.minimumf %min3A_489, %gather3A_568 : vector<16xf32>
      %add3A_570 = arith.constant 50 : i32
      %add3A_571 = vector.broadcast %add3A_570 : i32 to vector<16xi32>
      %add3A_572 = arith.addi %mul3A_88, %add3A_571 : vector<16xi32>
      %gather3A_573 = tpu.vector_load_idx %arg8[%add3A_572] : memref<17408xf32, #tpu.memory_space<vmem>>[vector<16xi32>], vector<16xf32>,
      %max3A_574 = arith.maximumf %max3A_494, %gather3A_573 : vector<16xf32>
      %add3A_575 = arith.constant 50 : i32
      %add3A_576 = vector.broadcast %add3A_575 : i32 to vector<16xi32>
      %add3A_577 = arith.addi %mul3A_88, %add3A_576 : vector<16xi32>
      %gather3A_578 = tpu.vector_load_idx %arg9[%add3A_577] : memref<17408xf32, #tpu.memory_space<vmem>>[vector<16xi32>], vector<16xf32>,
      %min3A_579 = arith.minimumf %min3A_499, %gather3A_578 : vector<16xf32>
      %add3A_580 = arith.constant 51 : i32
      %add3A_581 = vector.broadcast %add3A_580 : i32 to vector<16xi32>
      %add3A_582 = arith.addi %mul3A_88, %add3A_581 : vector<16xi32>
      %gather3A_583 = tpu.vector_load_idx %arg8[%add3A_582] : memref<17408xf32, #tpu.memory_space<vmem>>[vector<16xi32>], vector<16xf32>,
      %max3A_584 = arith.maximumf %max3A_504, %gather3A_583 : vector<16xf32>
      %add3A_585 = arith.constant 51 : i32
      %add3A_586 = vector.broadcast %add3A_585 : i32 to vector<16xi32>
      %add3A_587 = arith.addi %mul3A_88, %add3A_586 : vector<16xi32>
      %gather3A_588 = tpu.vector_load_idx %arg9[%add3A_587] : memref<17408xf32, #tpu.memory_space<vmem>>[vector<16xi32>], vector<16xf32>,
      %min3A_589 = arith.minimumf %min3A_509, %gather3A_588 : vector<16xf32>
      %add3A_590 = arith.constant 52 : i32
      %add3A_591 = vector.broadcast %add3A_590 : i32 to vector<16xi32>
      %add3A_592 = arith.addi %mul3A_88, %add3A_591 : vector<16xi32>
      %gather3A_593 = tpu.vector_load_idx %arg8[%add3A_592] : memref<17408xf32, #tpu.memory_space<vmem>>[vector<16xi32>], vector<16xf32>,
      %max3A_594 = arith.maximumf %max3A_514, %gather3A_593 : vector<16xf32>
      %add3A_595 = arith.constant 52 : i32
      %add3A_596 = vector.broadcast %add3A_595 : i32 to vector<16xi32>
      %add3A_597 = arith.addi %mul3A_88, %add3A_596 : vector<16xi32>
      %gather3A_598 = tpu.vector_load_idx %arg9[%add3A_597] : memref<17408xf32, #tpu.memory_space<vmem>>[vector<16xi32>], vector<16xf32>,
      %min3A_599 = arith.minimumf %min3A_519, %gather3A_598 : vector<16xf32>
      %add3A_600 = arith.constant 53 : i32
      %add3A_601 = vector.broadcast %add3A_600 : i32 to vector<16xi32>
      %add3A_602 = arith.addi %mul3A_88, %add3A_601 : vector<16xi32>
      %gather3A_603 = tpu.vector_load_idx %arg8[%add3A_602] : memref<17408xf32, #tpu.memory_space<vmem>>[vector<16xi32>], vector<16xf32>,
      %max3A_604 = arith.maximumf %max3A_524, %gather3A_603 : vector<16xf32>
      %add3A_605 = arith.constant 53 : i32
      %add3A_606 = vector.broadcast %add3A_605 : i32 to vector<16xi32>
      %add3A_607 = arith.addi %mul3A_88, %add3A_606 : vector<16xi32>
      %gather3A_608 = tpu.vector_load_idx %arg9[%add3A_607] : memref<17408xf32, #tpu.memory_space<vmem>>[vector<16xi32>], vector<16xf32>,
      %min3A_609 = arith.minimumf %min3A_529, %gather3A_608 : vector<16xf32>
      %add3A_610 = arith.constant 54 : i32
      %add3A_611 = vector.broadcast %add3A_610 : i32 to vector<16xi32>
      %add3A_612 = arith.addi %mul3A_88, %add3A_611 : vector<16xi32>
      %gather3A_613 = tpu.vector_load_idx %arg8[%add3A_612] : memref<17408xf32, #tpu.memory_space<vmem>>[vector<16xi32>], vector<16xf32>,
      %max3A_614 = arith.maximumf %max3A_534, %gather3A_613 : vector<16xf32>
      %add3A_615 = arith.constant 54 : i32
      %add3A_616 = vector.broadcast %add3A_615 : i32 to vector<16xi32>
      %add3A_617 = arith.addi %mul3A_88, %add3A_616 : vector<16xi32>
      %gather3A_618 = tpu.vector_load_idx %arg9[%add3A_617] : memref<17408xf32, #tpu.memory_space<vmem>>[vector<16xi32>], vector<16xf32>,
      %min3A_619 = arith.minimumf %min3A_539, %gather3A_618 : vector<16xf32>
      %add3A_620 = arith.constant 55 : i32
      %add3A_621 = vector.broadcast %add3A_620 : i32 to vector<16xi32>
      %add3A_622 = arith.addi %mul3A_88, %add3A_621 : vector<16xi32>
      %gather3A_623 = tpu.vector_load_idx %arg8[%add3A_622] : memref<17408xf32, #tpu.memory_space<vmem>>[vector<16xi32>], vector<16xf32>,
      %max3A_624 = arith.maximumf %max3A_544, %gather3A_623 : vector<16xf32>
      %add3A_625 = arith.constant 55 : i32
      %add3A_626 = vector.broadcast %add3A_625 : i32 to vector<16xi32>
      %add3A_627 = arith.addi %mul3A_88, %add3A_626 : vector<16xi32>
      %gather3A_628 = tpu.vector_load_idx %arg9[%add3A_627] : memref<17408xf32, #tpu.memory_space<vmem>>[vector<16xi32>], vector<16xf32>,
      %min3A_629 = arith.minimumf %min3A_549, %gather3A_628 : vector<16xf32>
      %add3A_630 = arith.constant 56 : i32
      %add3A_631 = vector.broadcast %add3A_630 : i32 to vector<16xi32>
      %add3A_632 = arith.addi %mul3A_88, %add3A_631 : vector<16xi32>
      %gather3A_633 = tpu.vector_load_idx %arg8[%add3A_632] : memref<17408xf32, #tpu.memory_space<vmem>>[vector<16xi32>], vector<16xf32>,
      %max3A_634 = arith.maximumf %max3A_554, %gather3A_633 : vector<16xf32>
      %add3A_635 = arith.constant 56 : i32
      %add3A_636 = vector.broadcast %add3A_635 : i32 to vector<16xi32>
      %add3A_637 = arith.addi %mul3A_88, %add3A_636 : vector<16xi32>
      %gather3A_638 = tpu.vector_load_idx %arg9[%add3A_637] : memref<17408xf32, #tpu.memory_space<vmem>>[vector<16xi32>], vector<16xf32>,
      %min3A_639 = arith.minimumf %min3A_559, %gather3A_638 : vector<16xf32>
      %add3A_640 = arith.constant 57 : i32
      %add3A_641 = vector.broadcast %add3A_640 : i32 to vector<16xi32>
      %add3A_642 = arith.addi %mul3A_88, %add3A_641 : vector<16xi32>
      %gather3A_643 = tpu.vector_load_idx %arg8[%add3A_642] : memref<17408xf32, #tpu.memory_space<vmem>>[vector<16xi32>], vector<16xf32>,
      %max3A_644 = arith.maximumf %max3A_564, %gather3A_643 : vector<16xf32>
      %add3A_645 = arith.constant 57 : i32
      %add3A_646 = vector.broadcast %add3A_645 : i32 to vector<16xi32>
      %add3A_647 = arith.addi %mul3A_88, %add3A_646 : vector<16xi32>
      %gather3A_648 = tpu.vector_load_idx %arg9[%add3A_647] : memref<17408xf32, #tpu.memory_space<vmem>>[vector<16xi32>], vector<16xf32>,
      %min3A_649 = arith.minimumf %min3A_569, %gather3A_648 : vector<16xf32>
      %add3A_650 = arith.constant 58 : i32
      %add3A_651 = vector.broadcast %add3A_650 : i32 to vector<16xi32>
      %add3A_652 = arith.addi %mul3A_88, %add3A_651 : vector<16xi32>
      %gather3A_653 = tpu.vector_load_idx %arg8[%add3A_652] : memref<17408xf32, #tpu.memory_space<vmem>>[vector<16xi32>], vector<16xf32>,
      %max3A_654 = arith.maximumf %max3A_574, %gather3A_653 : vector<16xf32>
      %add3A_655 = arith.constant 58 : i32
      %add3A_656 = vector.broadcast %add3A_655 : i32 to vector<16xi32>
      %add3A_657 = arith.addi %mul3A_88, %add3A_656 : vector<16xi32>
      %gather3A_658 = tpu.vector_load_idx %arg9[%add3A_657] : memref<17408xf32, #tpu.memory_space<vmem>>[vector<16xi32>], vector<16xf32>,
      %min3A_659 = arith.minimumf %min3A_579, %gather3A_658 : vector<16xf32>
      %add3A_660 = arith.constant 59 : i32
      %add3A_661 = vector.broadcast %add3A_660 : i32 to vector<16xi32>
      %add3A_662 = arith.addi %mul3A_88, %add3A_661 : vector<16xi32>
      %gather3A_663 = tpu.vector_load_idx %arg8[%add3A_662] : memref<17408xf32, #tpu.memory_space<vmem>>[vector<16xi32>], vector<16xf32>,
      %max3A_664 = arith.maximumf %max3A_584, %gather3A_663 : vector<16xf32>
      %add3A_665 = arith.constant 59 : i32
      %add3A_666 = vector.broadcast %add3A_665 : i32 to vector<16xi32>
      %add3A_667 = arith.addi %mul3A_88, %add3A_666 : vector<16xi32>
      %gather3A_668 = tpu.vector_load_idx %arg9[%add3A_667] : memref<17408xf32, #tpu.memory_space<vmem>>[vector<16xi32>], vector<16xf32>,
      %min3A_669 = arith.minimumf %min3A_589, %gather3A_668 : vector<16xf32>
      %add3A_670 = arith.constant 60 : i32
      %add3A_671 = vector.broadcast %add3A_670 : i32 to vector<16xi32>
      %add3A_672 = arith.addi %mul3A_88, %add3A_671 : vector<16xi32>
      %gather3A_673 = tpu.vector_load_idx %arg8[%add3A_672] : memref<17408xf32, #tpu.memory_space<vmem>>[vector<16xi32>], vector<16xf32>,
      %max3A_674 = arith.maximumf %max3A_594, %gather3A_673 : vector<16xf32>
      %add3A_675 = arith.constant 60 : i32
      %add3A_676 = vector.broadcast %add3A_675 : i32 to vector<16xi32>
      %add3A_677 = arith.addi %mul3A_88, %add3A_676 : vector<16xi32>
      %gather3A_678 = tpu.vector_load_idx %arg9[%add3A_677] : memref<17408xf32, #tpu.memory_space<vmem>>[vector<16xi32>], vector<16xf32>,
      %min3A_679 = arith.minimumf %min3A_599, %gather3A_678 : vector<16xf32>
      %add3A_680 = arith.constant 61 : i32
      %add3A_681 = vector.broadcast %add3A_680 : i32 to vector<16xi32>
      %add3A_682 = arith.addi %mul3A_88, %add3A_681 : vector<16xi32>
      %gather3A_683 = tpu.vector_load_idx %arg8[%add3A_682] : memref<17408xf32, #tpu.memory_space<vmem>>[vector<16xi32>], vector<16xf32>,
      %max3A_684 = arith.maximumf %max3A_604, %gather3A_683 : vector<16xf32>
      %add3A_685 = arith.constant 61 : i32
      %add3A_686 = vector.broadcast %add3A_685 : i32 to vector<16xi32>
      %add3A_687 = arith.addi %mul3A_88, %add3A_686 : vector<16xi32>
      %gather3A_688 = tpu.vector_load_idx %arg9[%add3A_687] : memref<17408xf32, #tpu.memory_space<vmem>>[vector<16xi32>], vector<16xf32>,
      %min3A_689 = arith.minimumf %min3A_609, %gather3A_688 : vector<16xf32>
      %add3A_690 = arith.constant 62 : i32
      %add3A_691 = vector.broadcast %add3A_690 : i32 to vector<16xi32>
      %add3A_692 = arith.addi %mul3A_88, %add3A_691 : vector<16xi32>
      %gather3A_693 = tpu.vector_load_idx %arg8[%add3A_692] : memref<17408xf32, #tpu.memory_space<vmem>>[vector<16xi32>], vector<16xf32>,
      %max3A_694 = arith.maximumf %max3A_614, %gather3A_693 : vector<16xf32>
      %add3A_695 = arith.constant 62 : i32
      %add3A_696 = vector.broadcast %add3A_695 : i32 to vector<16xi32>
      %add3A_697 = arith.addi %mul3A_88, %add3A_696 : vector<16xi32>
      %gather3A_698 = tpu.vector_load_idx %arg9[%add3A_697] : memref<17408xf32, #tpu.memory_space<vmem>>[vector<16xi32>], vector<16xf32>,
      %min3A_699 = arith.minimumf %min3A_619, %gather3A_698 : vector<16xf32>
      %add3A_700 = arith.constant 63 : i32
      %add3A_701 = vector.broadcast %add3A_700 : i32 to vector<16xi32>
      %add3A_702 = arith.addi %mul3A_88, %add3A_701 : vector<16xi32>
      %gather3A_703 = tpu.vector_load_idx %arg8[%add3A_702] : memref<17408xf32, #tpu.memory_space<vmem>>[vector<16xi32>], vector<16xf32>,
      %max3A_704 = arith.maximumf %max3A_624, %gather3A_703 : vector<16xf32>
      %add3A_705 = arith.constant 63 : i32
      %add3A_706 = vector.broadcast %add3A_705 : i32 to vector<16xi32>
      %add3A_707 = arith.addi %mul3A_88, %add3A_706 : vector<16xi32>
      %gather3A_708 = tpu.vector_load_idx %arg9[%add3A_707] : memref<17408xf32, #tpu.memory_space<vmem>>[vector<16xi32>], vector<16xf32>,
      %min3A_709 = arith.minimumf %min3A_629, %gather3A_708 : vector<16xf32>
      %max3A_710 = arith.maximumf %max3A_634, %max3A_644 : vector<16xf32>
      %max3A_711 = arith.maximumf %max3A_654, %max3A_664 : vector<16xf32>
      %max3A_712 = arith.maximumf %max3A_674, %max3A_684 : vector<16xf32>
      %max3A_713 = arith.maximumf %max3A_694, %max3A_704 : vector<16xf32>
      %min3A_714 = arith.minimumf %min3A_639, %min3A_649 : vector<16xf32>
      %min3A_715 = arith.minimumf %min3A_659, %min3A_669 : vector<16xf32>
      %min3A_716 = arith.minimumf %min3A_679, %min3A_689 : vector<16xf32>
      %min3A_717 = arith.minimumf %min3A_699, %min3A_709 : vector<16xf32>
      %max3A_718 = arith.maximumf %max3A_710, %max3A_711 : vector<16xf32>
      %max3A_719 = arith.maximumf %max3A_712, %max3A_713 : vector<16xf32>
      %min3A_720 = arith.minimumf %min3A_714, %min3A_715 : vector<16xf32>
      %min3A_721 = arith.minimumf %min3A_716, %min3A_717 : vector<16xf32>
      %max3A_722 = arith.maximumf %max3A_718, %max3A_719 : vector<16xf32>
      %min3A_723 = arith.minimumf %min3A_720, %min3A_721 : vector<16xf32>
      %swap3A_724 = arith.index_cast %mul3A_83 : i32 to index
      %swap3A_725 = tpu.vector_load %arg10[%swap3A_724] {strides = array<i32>} : memref<272xf32, #tpu.memory_space<vmem>>, vector<16xf32>,
      tpu.vector_store %arg10[%swap3A_724], %max3A_722 {strides = array<i32>} : memref<272xf32, #tpu.memory_space<vmem>>, vector<16xf32>,
      %swap3A_726 = arith.index_cast %mul3A_83 : i32 to index
      %swap3A_727 = tpu.vector_load %arg11[%swap3A_726] {strides = array<i32>} : memref<272xf32, #tpu.memory_space<vmem>>, vector<16xf32>,
      tpu.vector_store %arg11[%swap3A_726], %min3A_723 {strides = array<i32>} : memref<272xf32, #tpu.memory_space<vmem>>, vector<16xf32>,
      %scan3A_728 = arith.constant 0 : i32
      scf.yield %scan3A_728 : i32
    }
    %scan3A_65 = arith.constant 17 : i32
    %swap3A = arith.constant 0 : index
    %swap3A_66 = tpu.vector_load %arg12[%swap3A] {strides = array<i32>} : memref<16xf32, #tpu.memory_space<vmem>>, vector<16xf32>,
    tpu.vector_store %arg12[%swap3A], %parallel_loop3A_51#0 {strides = array<i32>} : memref<16xf32, #tpu.memory_space<vmem>>, vector<16xf32>,
    %swap3A_67 = arith.constant 0 : index
    %swap3A_68 = tpu.vector_load %arg13[%swap3A_67] {strides = array<i32>} : memref<16xf32, #tpu.memory_space<vmem>>, vector<16xf32>,
    tpu.vector_store %arg13[%swap3A_67], %parallel_loop3A_51#1 {strides = array<i32>} : memref<16xf32, #tpu.memory_space<vmem>>, vector<16xf32>,
    %mul3A_69 = arith.constant 272 : i32
    %mul3A_70 = arith.muli %arg1, %mul3A_69 : i32
    "tpu.region"() ({
      %run_scoped3A = tpu.sem_alloc : memref<!tpu.dma_semaphore, #tpu.memory_space<semaphore_mem>>
      %dma_start3A = tpu.memref_slice %arg21[%mul3A_70] : memref<4352xf32, #tpu.memory_space<vmem_shared>> -> memref<272xf32, #tpu.memory_space<vmem_shared>>
      %dma_start3A_80 = tpu.memref_slice %arg21[%mul3A_70] : memref<4352xf32, #tpu.memory_space<vmem_shared>> -> memref<272xf32, #tpu.memory_space<vmem_shared>>
      tpu.enqueue_dma source(%arg10 : memref<272xf32, #tpu.memory_space<vmem>>) target(%dma_start3A_80 : memref<272xf32, #tpu.memory_space<vmem_shared>>) target_semaphore(%run_scoped3A : memref<!tpu.dma_semaphore, #tpu.memory_space<semaphore_mem>>)
      %dma_wait3A = tpu.memref_slice %arg21[%mul3A_70] : memref<4352xf32, #tpu.memory_space<vmem_shared>> -> memref<272xf32, #tpu.memory_space<vmem_shared>>
      %dma_wait3A_81 = tpu.memref_slice %arg21[%mul3A_70] : memref<4352xf32, #tpu.memory_space<vmem_shared>> -> memref<272xf32, #tpu.memory_space<vmem_shared>>
      tpu.wait_dma2 semaphore(%run_scoped3A : memref<!tpu.dma_semaphore, #tpu.memory_space<semaphore_mem>>) src(%arg10 : memref<272xf32, #tpu.memory_space<vmem>>) dst(%dma_wait3A_81 : memref<272xf32, #tpu.memory_space<vmem_shared>>)
      tpu.yield
    }) : () -> ()
    %mul3A_71 = arith.constant 272 : i32
    %mul3A_72 = arith.muli %arg1, %mul3A_71 : i32
    "tpu.region"() ({
      %run_scoped3A = tpu.sem_alloc : memref<!tpu.dma_semaphore, #tpu.memory_space<semaphore_mem>>
      %dma_start3A = tpu.memref_slice %arg22[%mul3A_72] : memref<4352xf32, #tpu.memory_space<vmem_shared>> -> memref<272xf32, #tpu.memory_space<vmem_shared>>
      %dma_start3A_80 = tpu.memref_slice %arg22[%mul3A_72] : memref<4352xf32, #tpu.memory_space<vmem_shared>> -> memref<272xf32, #tpu.memory_space<vmem_shared>>
      tpu.enqueue_dma source(%arg11 : memref<272xf32, #tpu.memory_space<vmem>>) target(%dma_start3A_80 : memref<272xf32, #tpu.memory_space<vmem_shared>>) target_semaphore(%run_scoped3A : memref<!tpu.dma_semaphore, #tpu.memory_space<semaphore_mem>>)
      %dma_wait3A = tpu.memref_slice %arg22[%mul3A_72] : memref<4352xf32, #tpu.memory_space<vmem_shared>> -> memref<272xf32, #tpu.memory_space<vmem_shared>>
      %dma_wait3A_81 = tpu.memref_slice %arg22[%mul3A_72] : memref<4352xf32, #tpu.memory_space<vmem_shared>> -> memref<272xf32, #tpu.memory_space<vmem_shared>>
      tpu.wait_dma2 semaphore(%run_scoped3A : memref<!tpu.dma_semaphore, #tpu.memory_space<semaphore_mem>>) src(%arg11 : memref<272xf32, #tpu.memory_space<vmem>>) dst(%dma_wait3A_81 : memref<272xf32, #tpu.memory_space<vmem_shared>>)
      tpu.yield
    }) : () -> ()
    %mul3A_73 = arith.constant 16 : i32
    %mul3A_74 = arith.muli %arg1, %mul3A_73 : i32
    "tpu.region"() ({
      %run_scoped3A = tpu.sem_alloc : memref<!tpu.dma_semaphore, #tpu.memory_space<semaphore_mem>>
      %dma_start3A = tpu.memref_slice %arg23[%mul3A_74] : memref<256xf32, #tpu.memory_space<vmem_shared>> -> memref<16xf32, #tpu.memory_space<vmem_shared>>
      %dma_start3A_80 = tpu.memref_slice %arg23[%mul3A_74] : memref<256xf32, #tpu.memory_space<vmem_shared>> -> memref<16xf32, #tpu.memory_space<vmem_shared>>
      tpu.enqueue_dma source(%arg12 : memref<16xf32, #tpu.memory_space<vmem>>) target(%dma_start3A_80 : memref<16xf32, #tpu.memory_space<vmem_shared>>) target_semaphore(%run_scoped3A : memref<!tpu.dma_semaphore, #tpu.memory_space<semaphore_mem>>)
      %dma_wait3A = tpu.memref_slice %arg23[%mul3A_74] : memref<256xf32, #tpu.memory_space<vmem_shared>> -> memref<16xf32, #tpu.memory_space<vmem_shared>>
      %dma_wait3A_81 = tpu.memref_slice %arg23[%mul3A_74] : memref<256xf32, #tpu.memory_space<vmem_shared>> -> memref<16xf32, #tpu.memory_space<vmem_shared>>
      tpu.wait_dma2 semaphore(%run_scoped3A : memref<!tpu.dma_semaphore, #tpu.memory_space<semaphore_mem>>) src(%arg12 : memref<16xf32, #tpu.memory_space<vmem>>) dst(%dma_wait3A_81 : memref<16xf32, #tpu.memory_space<vmem_shared>>)
      tpu.yield
    }) : () -> ()
    %mul3A_75 = arith.constant 16 : i32
    %mul3A_76 = arith.muli %arg1, %mul3A_75 : i32
    "tpu.region"() ({
      %run_scoped3A = tpu.sem_alloc : memref<!tpu.dma_semaphore, #tpu.memory_space<semaphore_mem>>
      %dma_start3A = tpu.memref_slice %arg24[%mul3A_76] : memref<256xf32, #tpu.memory_space<vmem_shared>> -> memref<16xf32, #tpu.memory_space<vmem_shared>>
      %dma_start3A_80 = tpu.memref_slice %arg24[%mul3A_76] : memref<256xf32, #tpu.memory_space<vmem_shared>> -> memref<16xf32, #tpu.memory_space<vmem_shared>>
      tpu.enqueue_dma source(%arg13 : memref<16xf32, #tpu.memory_space<vmem>>) target(%dma_start3A_80 : memref<16xf32, #tpu.memory_space<vmem_shared>>) target_semaphore(%run_scoped3A : memref<!tpu.dma_semaphore, #tpu.memory_space<semaphore_mem>>)
      %dma_wait3A = tpu.memref_slice %arg24[%mul3A_76] : memref<256xf32, #tpu.memory_space<vmem_shared>> -> memref<16xf32, #tpu.memory_space<vmem_shared>>
      %dma_wait3A_81 = tpu.memref_slice %arg24[%mul3A_76] : memref<256xf32, #tpu.memory_space<vmem_shared>> -> memref<16xf32, #tpu.memory_space<vmem_shared>>
      tpu.wait_dma2 semaphore(%run_scoped3A : memref<!tpu.dma_semaphore, #tpu.memory_space<semaphore_mem>>) src(%arg13 : memref<16xf32, #tpu.memory_space<vmem>>) dst(%dma_wait3A_81 : memref<16xf32, #tpu.memory_space<vmem_shared>>)
      tpu.yield
    }) : () -> ()
    %barrier3A = arith.constant 0 : index
    tpu.barrier barrier_id(%barrier3A)
    %eq3A_77 = arith.constant 0 : i32
    %eq3A_78 = arith.cmpi eq, %select_n3A_30, %eq3A_77 : i32
    %convert_element_type3A = arith.extui %eq3A_78 : i1 to i32
    %cond3A = arith.constant 0 : i32
    %cond3A_79 = arith.cmpi ne, %convert_element_type3A, %cond3A : i32
    scf.if %cond3A_79 {
      %mul3A_80 = arith.constant 272 : i32
      %mul3A_81 = arith.muli %arg1, %mul3A_80 : i32
      "tpu.region"() ({
        %run_scoped3A = tpu.sem_alloc : memref<!tpu.dma_semaphore, #tpu.memory_space<semaphore_mem>>
        %dma_start3A = tpu.memref_slice %arg21[%mul3A_81] : memref<4352xf32, #tpu.memory_space<vmem_shared>> -> memref<1088xf32, #tpu.memory_space<vmem_shared>>
        %dma_start3A_168 = tpu.memref_slice %arg21[%mul3A_81] : memref<4352xf32, #tpu.memory_space<vmem_shared>> -> memref<1088xf32, #tpu.memory_space<vmem_shared>>
        tpu.enqueue_dma source(%dma_start3A_168 : memref<1088xf32, #tpu.memory_space<vmem_shared>>) target(%arg14 : memref<1088xf32, #tpu.memory_space<vmem>>) target_semaphore(%run_scoped3A : memref<!tpu.dma_semaphore, #tpu.memory_space<semaphore_mem>>)
        %dma_wait3A = tpu.memref_slice %arg21[%mul3A_81] : memref<4352xf32, #tpu.memory_space<vmem_shared>> -> memref<1088xf32, #tpu.memory_space<vmem_shared>>
        %dma_wait3A_169 = tpu.memref_slice %arg21[%mul3A_81] : memref<4352xf32, #tpu.memory_space<vmem_shared>> -> memref<1088xf32, #tpu.memory_space<vmem_shared>>
        tpu.wait_dma2 semaphore(%run_scoped3A : memref<!tpu.dma_semaphore, #tpu.memory_space<semaphore_mem>>) src(%dma_wait3A_169 : memref<1088xf32, #tpu.memory_space<vmem_shared>>) dst(%arg14 : memref<1088xf32, #tpu.memory_space<vmem>>)
        tpu.yield
      }) : () -> ()
      %mul3A_82 = arith.constant 272 : i32
      %mul3A_83 = arith.muli %arg1, %mul3A_82 : i32
      "tpu.region"() ({
        %run_scoped3A = tpu.sem_alloc : memref<!tpu.dma_semaphore, #tpu.memory_space<semaphore_mem>>
        %dma_start3A = tpu.memref_slice %arg22[%mul3A_83] : memref<4352xf32, #tpu.memory_space<vmem_shared>> -> memref<1088xf32, #tpu.memory_space<vmem_shared>>
        %dma_start3A_168 = tpu.memref_slice %arg22[%mul3A_83] : memref<4352xf32, #tpu.memory_space<vmem_shared>> -> memref<1088xf32, #tpu.memory_space<vmem_shared>>
        tpu.enqueue_dma source(%dma_start3A_168 : memref<1088xf32, #tpu.memory_space<vmem_shared>>) target(%arg15 : memref<1088xf32, #tpu.memory_space<vmem>>) target_semaphore(%run_scoped3A : memref<!tpu.dma_semaphore, #tpu.memory_space<semaphore_mem>>)
        %dma_wait3A = tpu.memref_slice %arg22[%mul3A_83] : memref<4352xf32, #tpu.memory_space<vmem_shared>> -> memref<1088xf32, #tpu.memory_space<vmem_shared>>
        %dma_wait3A_169 = tpu.memref_slice %arg22[%mul3A_83] : memref<4352xf32, #tpu.memory_space<vmem_shared>> -> memref<1088xf32, #tpu.memory_space<vmem_shared>>
        tpu.wait_dma2 semaphore(%run_scoped3A : memref<!tpu.dma_semaphore, #tpu.memory_space<semaphore_mem>>) src(%dma_wait3A_169 : memref<1088xf32, #tpu.memory_space<vmem_shared>>) dst(%arg15 : memref<1088xf32, #tpu.memory_space<vmem>>)
        tpu.yield
      }) : () -> ()
      %scan3A_84 = arith.constant 0 : i32
      %scan3A_85 = arith.constant 0 : i32
      %scan3A_86 = arith.constant 17 : i32
      %scan3A_87 = arith.addi %scan3A_85, %scan3A_86 : i32
      %scan3A_88 = arith.constant 1 : i32
      %scan3A_89 = scf.for %scan3A_168 = %scan3A_85 to %scan3A_87 step %scan3A_88 iter_args(%scan3A_169 = %scan3A_84) -> (i32)  : i32 {
        %mul3A_170 = arith.constant 16 : i32
        %mul3A_171 = arith.muli %scan3A_168, %mul3A_170 : i32
        %get3A_172 = arith.index_cast %mul3A_171 : i32 to index
        %get3A_173 = tpu.vector_load %arg14[%get3A_172] {strides = array<i32>} : memref<1088xf32, #tpu.memory_space<vmem>>, vector<16xf32>,
        %add3A_174 = arith.constant 272 : i32
        %add3A_175 = arith.addi %add3A_174, %mul3A_171 : i32
        %get3A_176 = arith.index_cast %add3A_175 : i32 to index
        %get3A_177 = tpu.vector_load %arg14[%get3A_176] {strides = array<i32>} : memref<1088xf32, #tpu.memory_space<vmem>>, vector<16xf32>,
        %max3A = arith.maximumf %get3A_173, %get3A_177 : vector<16xf32>
        %add3A_178 = arith.constant 544 : i32
        %add3A_179 = arith.addi %add3A_178, %mul3A_171 : i32
        %get3A_180 = arith.index_cast %add3A_179 : i32 to index
        %get3A_181 = tpu.vector_load %arg14[%get3A_180] {strides = array<i32>} : memref<1088xf32, #tpu.memory_space<vmem>>, vector<16xf32>,
        %add3A_182 = arith.constant 816 : i32
        %add3A_183 = arith.addi %add3A_182, %mul3A_171 : i32
        %get3A_184 = arith.index_cast %add3A_183 : i32 to index
        %get3A_185 = tpu.vector_load %arg14[%get3A_184] {strides = array<i32>} : memref<1088xf32, #tpu.memory_space<vmem>>, vector<16xf32>,
        %max3A_186 = arith.maximumf %get3A_181, %get3A_185 : vector<16xf32>
        %max3A_187 = arith.maximumf %max3A, %max3A_186 : vector<16xf32>
        %swap3A_188 = arith.index_cast %mul3A_171 : i32 to index
        %swap3A_189 = tpu.vector_load %arg16[%swap3A_188] {strides = array<i32>} : memref<272xf32, #tpu.memory_space<vmem>>, vector<16xf32>,
        tpu.vector_store %arg16[%swap3A_188], %max3A_187 {strides = array<i32>} : memref<272xf32, #tpu.memory_space<vmem>>, vector<16xf32>,
        %get3A_190 = arith.index_cast %mul3A_171 : i32 to index
        %get3A_191 = tpu.vector_load %arg15[%get3A_190] {strides = array<i32>} : memref<1088xf32, #tpu.memory_space<vmem>>, vector<16xf32>,
        %add3A_192 = arith.constant 272 : i32
        %add3A_193 = arith.addi %add3A_192, %mul3A_171 : i32
        %get3A_194 = arith.index_cast %add3A_193 : i32 to index
        %get3A_195 = tpu.vector_load %arg15[%get3A_194] {strides = array<i32>} : memref<1088xf32, #tpu.memory_space<vmem>>, vector<16xf32>,
        %min3A = arith.minimumf %get3A_191, %get3A_195 : vector<16xf32>
        %add3A_196 = arith.constant 544 : i32
        %add3A_197 = arith.addi %add3A_196, %mul3A_171 : i32
        %get3A_198 = arith.index_cast %add3A_197 : i32 to index
        %get3A_199 = tpu.vector_load %arg15[%get3A_198] {strides = array<i32>} : memref<1088xf32, #tpu.memory_space<vmem>>, vector<16xf32>,
        %add3A_200 = arith.constant 816 : i32
        %add3A_201 = arith.addi %add3A_200, %mul3A_171 : i32
        %get3A_202 = arith.index_cast %add3A_201 : i32 to index
        %get3A_203 = tpu.vector_load %arg15[%get3A_202] {strides = array<i32>} : memref<1088xf32, #tpu.memory_space<vmem>>, vector<16xf32>,
        %min3A_204 = arith.minimumf %get3A_199, %get3A_203 : vector<16xf32>
        %min3A_205 = arith.minimumf %min3A, %min3A_204 : vector<16xf32>
        %swap3A_206 = arith.index_cast %mul3A_171 : i32 to index
        %swap3A_207 = tpu.vector_load %arg17[%swap3A_206] {strides = array<i32>} : memref<272xf32, #tpu.memory_space<vmem>>, vector<16xf32>,
        tpu.vector_store %arg17[%swap3A_206], %min3A_205 {strides = array<i32>} : memref<272xf32, #tpu.memory_space<vmem>>, vector<16xf32>,
        %scan3A_208 = arith.constant 0 : i32
        scf.yield %scan3A_208 : i32
      }
      %scan3A_90 = arith.constant 17 : i32
      %scan3A_91 = arith.constant -1.000000e+10 : f32
      %scan3A_92 = arith.constant 0 : i32
      %scan3A_93 = arith.constant 17 : i32
      %scan3A_94 = arith.addi %scan3A_92, %scan3A_93 : i32
      %scan3A_95 = arith.constant 1 : i32
      %scan3A_96 = scf.for %scan3A_168 = %scan3A_92 to %scan3A_94 step %scan3A_95 iter_args(%scan3A_169 = %scan3A_91) -> (f32)  : i32 {
        %mul3A_170 = arith.constant 16 : i32
        %mul3A_171 = arith.muli %scan3A_168, %mul3A_170 : i32
        %get3A_172 = arith.index_cast %mul3A_171 : i32 to index
        %get3A_173 = tpu.vector_load %arg16[%get3A_172] {strides = array<i32>} : memref<272xf32, #tpu.memory_space<vmem>>, vector<16xf32>,
        %broadcast_in_dim3A_174 = arith.constant true
        %broadcast_in_dim3A_175 = vector.broadcast %broadcast_in_dim3A_174 : i1 to vector<16xi1>
        %masked_cummax3A = tpu.scan <max>, %get3A_173 masked %broadcast_in_dim3A_175 : vector<16xf32>, vector<16xi1> -> vector<16xf32>
        %max3A = vector.broadcast %scan3A_169 : f32 to vector<16xf32>
        %max3A_176 = arith.maximumf %masked_cummax3A, %max3A : vector<16xf32>
        %mul3A_177 = arith.constant 16 : i32
        %mul3A_178 = arith.muli %scan3A_168, %mul3A_177 : i32
        %swap3A_179 = arith.index_cast %mul3A_178 : i32 to index
        %swap3A_180 = tpu.vector_load %arg16[%swap3A_179] {strides = array<i32>} : memref<272xf32, #tpu.memory_space<vmem>>, vector<16xf32>,
        tpu.vector_store %arg16[%swap3A_179], %max3A_176 {strides = array<i32>} : memref<272xf32, #tpu.memory_space<vmem>>, vector<16xf32>,
        %reduce_max3A = arith.constant true
        %reduce_max3A_181 = vector.broadcast %reduce_max3A : i1 to vector<16xi1>
        %reduce_max3A_182 = tpu.scan <max>, %max3A_176 masked %reduce_max3A_181 : vector<16xf32>, vector<16xi1> -> vector<16xf32>
        %reduce_max3A_183 = vector.extract %reduce_max3A_182[15] : f32 from vector<16xf32>
        scf.yield %reduce_max3A_183 : f32
      }
      %scan3A_97 = arith.constant 17 : i32
      %scan3A_98 = arith.constant 1.000000e+10 : f32
      %scan3A_99 = arith.constant 0 : i32
      %scan3A_100 = arith.constant 17 : i32
      %scan3A_101 = arith.addi %scan3A_99, %scan3A_100 : i32
      %scan3A_102 = arith.constant 1 : i32
      %scan3A_103 = scf.for %scan3A_168 = %scan3A_99 to %scan3A_101 step %scan3A_102 iter_args(%scan3A_169 = %scan3A_98) -> (f32)  : i32 {
        %sub3A_170 = arith.constant 16 : i32
        %sub3A_171 = arith.subi %sub3A_170, %scan3A_168 : i32
        %mul3A_172 = arith.constant 16 : i32
        %mul3A_173 = arith.muli %sub3A_171, %mul3A_172 : i32
        %get3A_174 = arith.index_cast %mul3A_173 : i32 to index
        %get3A_175 = tpu.vector_load %arg17[%get3A_174] {strides = array<i32>} : memref<272xf32, #tpu.memory_space<vmem>>, vector<16xf32>,
        %rev3A = arith.constant 15 : i32
        %rev3A_176 = vector.broadcast %rev3A : i32 to vector<16xi32>
        %rev3A_177 = tpu.iota {dimensions = array<i32: 0>} : vector<16xi32>
        %rev3A_178 = arith.subi %rev3A_176, %rev3A_177 : vector<16xi32>
        %rev3A_179 = tpu.dynamic_gather %get3A_175[%rev3A_178] in [0] : vector<16xf32>, vector<16xi32> -> vector<16xf32>
        %neg3A = arith.constant 0.000000e+00 : f32
        %neg3A_180 = vector.broadcast %neg3A : f32 to vector<16xf32>
        %neg3A_181 = arith.subf %neg3A_180, %rev3A_179 : vector<16xf32>
        %broadcast_in_dim3A_182 = arith.constant true
        %broadcast_in_dim3A_183 = vector.broadcast %broadcast_in_dim3A_182 : i1 to vector<16xi1>
        %masked_cummax3A = tpu.scan <max>, %neg3A_181 masked %broadcast_in_dim3A_183 : vector<16xf32>, vector<16xi1> -> vector<16xf32>
        %neg3A_184 = arith.constant 0.000000e+00 : f32
        %neg3A_185 = vector.broadcast %neg3A_184 : f32 to vector<16xf32>
        %neg3A_186 = arith.subf %neg3A_185, %masked_cummax3A : vector<16xf32>
        %min3A = vector.broadcast %scan3A_169 : f32 to vector<16xf32>
        %min3A_187 = arith.minimumf %neg3A_186, %min3A : vector<16xf32>
        %rev3A_188 = arith.constant 15 : i32
        %rev3A_189 = vector.broadcast %rev3A_188 : i32 to vector<16xi32>
        %rev3A_190 = tpu.iota {dimensions = array<i32: 0>} : vector<16xi32>
        %rev3A_191 = arith.subi %rev3A_189, %rev3A_190 : vector<16xi32>
        %rev3A_192 = tpu.dynamic_gather %min3A_187[%rev3A_191] in [0] : vector<16xf32>, vector<16xi32> -> vector<16xf32>
        %mul3A_193 = arith.constant 16 : i32
        %mul3A_194 = arith.muli %sub3A_171, %mul3A_193 : i32
        %swap3A_195 = arith.index_cast %mul3A_194 : i32 to index
        %swap3A_196 = tpu.vector_load %arg17[%swap3A_195] {strides = array<i32>} : memref<272xf32, #tpu.memory_space<vmem>>, vector<16xf32>,
        tpu.vector_store %arg17[%swap3A_195], %rev3A_192 {strides = array<i32>} : memref<272xf32, #tpu.memory_space<vmem>>, vector<16xf32>,
        %reduce_min3A = arith.constant true
        %reduce_min3A_197 = vector.broadcast %reduce_min3A : i1 to vector<16xi1>
        %reduce_min3A_198 = tpu.scan <min>, %min3A_187 masked %reduce_min3A_197 : vector<16xf32>, vector<16xi1> -> vector<16xf32>
        %reduce_min3A_199 = vector.extract %reduce_min3A_198[15] : f32 from vector<16xf32>
        scf.yield %reduce_min3A_199 : f32
      }
      %scan3A_104 = arith.constant 17 : i32
      %scan3A_105 = arith.constant 0 : i32
      %scan3A_106 = arith.constant 16 : i32
      %scan3A_107 = arith.addi %scan3A_105, %scan3A_106 : i32
      %scan3A_108 = arith.constant 1 : i32
      %scan3A_109 = scf.for %scan3A_168 = %scan3A_105 to %scan3A_107 step %scan3A_108 iter_args(%scan3A_169 = %broadcast_in_dim3A_48) -> (vector<16xf32>)  : i32 {
        %mul3A_170 = arith.constant 16 : i32
        %mul3A_171 = arith.muli %scan3A_168, %mul3A_170 : i32
        %get3A_172 = arith.index_cast %mul3A_171 : i32 to index
        %get3A_173 = tpu.vector_load %arg5[%get3A_172] {strides = array<i32>} : memref<512xf32, #tpu.memory_space<vmem>>, vector<16xf32>,
        %get3A_174 = arith.index_cast %mul3A_171 : i32 to index
        %get3A_175 = tpu.vector_load %arg16[%get3A_174] {strides = array<i32>} : memref<272xf32, #tpu.memory_space<vmem>>, vector<16xf32>,
        %add3A_176 = arith.constant 1 : i32
        %add3A_177 = arith.addi %mul3A_171, %add3A_176 : i32
        %add3A_178 = vector.broadcast %add3A_177 : i32 to vector<16xi32>
        %add3A_179 = arith.addi %iota3A, %add3A_178 : vector<16xi32>
        %gather3A = tpu.vector_load_idx %arg17[%add3A_179] : memref<272xf32, #tpu.memory_space<vmem>>[vector<16xi32>], vector<16xf32>,
        %sub3A_180 = arith.subf %get3A_173, %get3A_175 : vector<16xf32>
        %sub3A_181 = arith.subf %get3A_173, %gather3A : vector<16xf32>
        %mul3A_182 = arith.mulf %sub3A_180, %sub3A_180 : vector<16xf32>
        %mul3A_183 = arith.mulf %sub3A_181, %sub3A_181 : vector<16xf32>
        %min3A = arith.minimumf %mul3A_182, %mul3A_183 : vector<16xf32>
        %add3A_184 = arith.addf %scan3A_169, %min3A : vector<16xf32>
        scf.yield %add3A_184 : vector<16xf32>
      }
      %scan3A_110 = arith.constant 16 : i32
      %reduce_sum3A = arith.constant true
      %reduce_sum3A_111 = vector.broadcast %reduce_sum3A : i1 to vector<16xi1>
      %reduce_sum3A_112 = tpu.scan <sum>, %scan3A_109 masked %reduce_sum3A_111 : vector<16xf32>, vector<16xi1> -> vector<16xf32>
      %reduce_sum3A_113 = vector.extract %reduce_sum3A_112[15] : f32 from vector<16xf32>
      %mul3A_114 = arith.constant 16 : i32
      %mul3A_115 = arith.muli %arg1, %mul3A_114 : i32
      "tpu.region"() ({
        %run_scoped3A = tpu.sem_alloc : memref<!tpu.dma_semaphore, #tpu.memory_space<semaphore_mem>>
        %dma_start3A = tpu.memref_slice %arg23[%mul3A_115] : memref<256xf32, #tpu.memory_space<vmem_shared>> -> memref<64xf32, #tpu.memory_space<vmem_shared>>
        %dma_start3A_168 = tpu.memref_slice %arg23[%mul3A_115] : memref<256xf32, #tpu.memory_space<vmem_shared>> -> memref<64xf32, #tpu.memory_space<vmem_shared>>
        tpu.enqueue_dma source(%dma_start3A_168 : memref<64xf32, #tpu.memory_space<vmem_shared>>) target(%arg18 : memref<64xf32, #tpu.memory_space<vmem>>) target_semaphore(%run_scoped3A : memref<!tpu.dma_semaphore, #tpu.memory_space<semaphore_mem>>)
        %dma_wait3A = tpu.memref_slice %arg23[%mul3A_115] : memref<256xf32, #tpu.memory_space<vmem_shared>> -> memref<64xf32, #tpu.memory_space<vmem_shared>>
        %dma_wait3A_169 = tpu.memref_slice %arg23[%mul3A_115] : memref<256xf32, #tpu.memory_space<vmem_shared>> -> memref<64xf32, #tpu.memory_space<vmem_shared>>
        tpu.wait_dma2 semaphore(%run_scoped3A : memref<!tpu.dma_semaphore, #tpu.memory_space<semaphore_mem>>) src(%dma_wait3A_169 : memref<64xf32, #tpu.memory_space<vmem_shared>>) dst(%arg18 : memref<64xf32, #tpu.memory_space<vmem>>)
        tpu.yield
      }) : () -> ()
      %mul3A_116 = arith.constant 16 : i32
      %mul3A_117 = arith.muli %arg1, %mul3A_116 : i32
      "tpu.region"() ({
        %run_scoped3A = tpu.sem_alloc : memref<!tpu.dma_semaphore, #tpu.memory_space<semaphore_mem>>
        %dma_start3A = tpu.memref_slice %arg24[%mul3A_117] : memref<256xf32, #tpu.memory_space<vmem_shared>> -> memref<64xf32, #tpu.memory_space<vmem_shared>>
        %dma_start3A_168 = tpu.memref_slice %arg24[%mul3A_117] : memref<256xf32, #tpu.memory_space<vmem_shared>> -> memref<64xf32, #tpu.memory_space<vmem_shared>>
        tpu.enqueue_dma source(%dma_start3A_168 : memref<64xf32, #tpu.memory_space<vmem_shared>>) target(%arg19 : memref<64xf32, #tpu.memory_space<vmem>>) target_semaphore(%run_scoped3A : memref<!tpu.dma_semaphore, #tpu.memory_space<semaphore_mem>>)
        %dma_wait3A = tpu.memref_slice %arg24[%mul3A_117] : memref<256xf32, #tpu.memory_space<vmem_shared>> -> memref<64xf32, #tpu.memory_space<vmem_shared>>
        %dma_wait3A_169 = tpu.memref_slice %arg24[%mul3A_117] : memref<256xf32, #tpu.memory_space<vmem_shared>> -> memref<64xf32, #tpu.memory_space<vmem_shared>>
        tpu.wait_dma2 semaphore(%run_scoped3A : memref<!tpu.dma_semaphore, #tpu.memory_space<semaphore_mem>>) src(%dma_wait3A_169 : memref<64xf32, #tpu.memory_space<vmem_shared>>) dst(%arg19 : memref<64xf32, #tpu.memory_space<vmem>>)
        tpu.yield
      }) : () -> ()
      %get3A = arith.constant 0 : index
      %get3A_118 = tpu.vector_load %arg18[%get3A] {strides = array<i32>} : memref<64xf32, #tpu.memory_space<vmem>>, vector<16xf32>,
      %get3A_119 = arith.constant 16 : index
      %get3A_120 = tpu.vector_load %arg18[%get3A_119] {strides = array<i32>} : memref<64xf32, #tpu.memory_space<vmem>>, vector<16xf32>,
      %add3A_121 = arith.addf %get3A_118, %get3A_120 : vector<16xf32>
      %get3A_122 = arith.constant 32 : index
      %get3A_123 = tpu.vector_load %arg18[%get3A_122] {strides = array<i32>} : memref<64xf32, #tpu.memory_space<vmem>>, vector<16xf32>,
      %get3A_124 = arith.constant 48 : index
      %get3A_125 = tpu.vector_load %arg18[%get3A_124] {strides = array<i32>} : memref<64xf32, #tpu.memory_space<vmem>>, vector<16xf32>,
      %add3A_126 = arith.addf %get3A_123, %get3A_125 : vector<16xf32>
      %add3A_127 = arith.addf %add3A_121, %add3A_126 : vector<16xf32>
      %reduce_sum3A_128 = arith.constant true
      %reduce_sum3A_129 = vector.broadcast %reduce_sum3A_128 : i1 to vector<16xi1>
      %reduce_sum3A_130 = tpu.scan <sum>, %add3A_127 masked %reduce_sum3A_129 : vector<16xf32>, vector<16xi1> -> vector<16xf32>
      %reduce_sum3A_131 = vector.extract %reduce_sum3A_130[15] : f32 from vector<16xf32>
      %get3A_132 = arith.constant 0 : index
      %get3A_133 = tpu.vector_load %arg19[%get3A_132] {strides = array<i32>} : memref<64xf32, #tpu.memory_space<vmem>>, vector<16xf32>,
      %get3A_134 = arith.constant 16 : index
      %get3A_135 = tpu.vector_load %arg19[%get3A_134] {strides = array<i32>} : memref<64xf32, #tpu.memory_space<vmem>>, vector<16xf32>,
      %add3A_136 = arith.addf %get3A_133, %get3A_135 : vector<16xf32>
      %get3A_137 = arith.constant 32 : index
      %get3A_138 = tpu.vector_load %arg19[%get3A_137] {strides = array<i32>} : memref<64xf32, #tpu.memory_space<vmem>>, vector<16xf32>,
      %get3A_139 = arith.constant 48 : index
      %get3A_140 = tpu.vector_load %arg19[%get3A_139] {strides = array<i32>} : memref<64xf32, #tpu.memory_space<vmem>>, vector<16xf32>,
      %add3A_141 = arith.addf %get3A_138, %get3A_140 : vector<16xf32>
      %add3A_142 = arith.addf %add3A_136, %add3A_141 : vector<16xf32>
      %reduce_sum3A_143 = arith.constant true
      %reduce_sum3A_144 = vector.broadcast %reduce_sum3A_143 : i1 to vector<16xi1>
      %reduce_sum3A_145 = tpu.scan <sum>, %add3A_142 masked %reduce_sum3A_144 : vector<16xf32>, vector<16xi1> -> vector<16xf32>
      %reduce_sum3A_146 = vector.extract %reduce_sum3A_145[15] : f32 from vector<16xf32>
      %eq3A_147 = arith.constant 0 : i32
      %eq3A_148 = vector.broadcast %eq3A_147 : i32 to vector<16xi32>
      %eq3A_149 = arith.cmpi eq, %iota3A, %eq3A_148 : vector<16xi32>
      %eq3A_150 = arith.constant 1 : i32
      %eq3A_151 = vector.broadcast %eq3A_150 : i32 to vector<16xi32>
      %eq3A_152 = arith.cmpi eq, %iota3A, %eq3A_151 : vector<16xi32>
      %eq3A_153 = arith.constant 2 : i32
      %eq3A_154 = vector.broadcast %eq3A_153 : i32 to vector<16xi32>
      %eq3A_155 = arith.cmpi eq, %iota3A, %eq3A_154 : vector<16xi32>
      %jit3A_156 = arith.constant 0.000000e+00 : f32
      %broadcast_in_dim3A_157 = vector.broadcast %reduce_sum3A_146 : f32 to vector<16xf32>
      %broadcast_in_dim3A_158 = vector.broadcast %jit3A_156 : f32 to vector<16xf32>
      %select_n3A_159 = arith.select %eq3A_155, %broadcast_in_dim3A_157, %broadcast_in_dim3A_158 : vector<16xi1>, vector<16xf32>
      %broadcast_in_dim3A_160 = vector.broadcast %reduce_sum3A_131 : f32 to vector<16xf32>
      %select_n3A_161 = arith.select %eq3A_152, %broadcast_in_dim3A_160, %select_n3A_159 : vector<16xi1>, vector<16xf32>
      %broadcast_in_dim3A_162 = vector.broadcast %reduce_sum3A_113 : f32 to vector<16xf32>
      %select_n3A_163 = arith.select %eq3A_149, %broadcast_in_dim3A_162, %select_n3A_161 : vector<16xi1>, vector<16xf32>
      %swap3A_164 = arith.constant 0 : index
      %swap3A_165 = tpu.vector_load %arg20[%swap3A_164] {strides = array<i32>} : memref<16xf32, #tpu.memory_space<vmem>>, vector<16xf32>,
      tpu.vector_store %arg20[%swap3A_164], %select_n3A_163 {strides = array<i32>} : memref<16xf32, #tpu.memory_space<vmem>>, vector<16xf32>,
      %mul3A_166 = arith.constant 16 : i32
      %mul3A_167 = arith.muli %add3A, %mul3A_166 : i32
      "tpu.region"() ({
        %run_scoped3A = tpu.sem_alloc : memref<!tpu.dma_semaphore, #tpu.memory_space<semaphore_mem>>
        %dma_start3A = tpu.memref_slice %arg4[%mul3A_167] : memref<128xf32, #tpu.memory_space<hbm>> -> memref<16xf32, #tpu.memory_space<hbm>>
        %dma_start3A_168 = tpu.memref_slice %arg4[%mul3A_167] : memref<128xf32, #tpu.memory_space<hbm>> -> memref<16xf32, #tpu.memory_space<hbm>>
        tpu.enqueue_dma source(%arg20 : memref<16xf32, #tpu.memory_space<vmem>>) target(%dma_start3A_168 : memref<16xf32, #tpu.memory_space<hbm>>) target_semaphore(%run_scoped3A : memref<!tpu.dma_semaphore, #tpu.memory_space<semaphore_mem>>)
        %dma_wait3A = tpu.memref_slice %arg4[%mul3A_167] : memref<128xf32, #tpu.memory_space<hbm>> -> memref<16xf32, #tpu.memory_space<hbm>>
        %dma_wait3A_169 = tpu.memref_slice %arg4[%mul3A_167] : memref<128xf32, #tpu.memory_space<hbm>> -> memref<16xf32, #tpu.memory_space<hbm>>
        tpu.wait_dma2 semaphore(%run_scoped3A : memref<!tpu.dma_semaphore, #tpu.memory_space<semaphore_mem>>) src(%arg20 : memref<16xf32, #tpu.memory_space<vmem>>) dst(%dma_wait3A_169 : memref<16xf32, #tpu.memory_space<hbm>>)
        tpu.yield
      }) : () -> ()
    } else {
    }
    return
  }
}

</mosaic_0001>

<sc_bundles>
// kernel: _run_sc.3.cloned.1.call-start
scs
__scs_entry_jumppad:
0x0: {  	(pc) =	sbr.rel $0x88, $3  }
0x1: {  	(tag) =	ssettag $0x0;
	lr =	simm.s32 $0x1  }
0x2: {  	[smem:$0x3F9F] =	sst lr;
	_ =	strace $0xD0000000  }
0x3: {  	_ = 	snop  }
0x4: {  	_ = 	snop  }
0x5: {  	_ = 	snop  }
0x6: {  	_ = 	snop  }
0x7: {  	_ = 	snop  }
__scs_overlays_trampoline_lowered:
0x8: {  	[smem:$0x3FAE] =	sst s0  }
0x9: {  	[smem:$0x3FAF] =	sst s1  }
0xa: {  	[smem:$0x3FB0] =	sst s2  }
0xb: {  	[smem:$0x3FB1] =	sst s3  }
0xc: {  	[smem:$0x3FB2] =	sst s4  }
0xd: {  	[smem:$0x3FB3] =	sst s5  }
0xe: {  	[smem:$0x3FB4] =	sst s6  }
0xf: {  	[smem:$0x3FB5] =	sst s7  }
0x10: {  	[smem:$0x3FB6] =	sst s8  }
0x11: {  	[smem:$0x3FB7] =	sst s9;
	s0 =	simm.s32 @!p0 $0x0  }
0x12: {  	s1 =	sld [smem:$0x3F9D];
	s0 =	simm.s32 @p0 $0x1  }
0x13: {  	[smem:$0x3FB8] =	sst s0;
	s0 =	simm.s32 @!p1 $0x0  }
0x14: {  	s2 =	sld [smem:$0x3F9C];
	s0 =	simm.s32 @p1 $0x1  }
0x15: {  	[smem:$0x3FB9] =	sst s0;
	s0 =	simm.s32 @!p2 $0x0  }
0x16: {  	s3 =	sld [smem:$0x3FDB];
	s0 =	simm.s32 @p2 $0x1  }
0x17: {  	s4 =	simm.s32 $0x1BF5;
	[smem:$0x3FBB] =	sst s0  }
0x18: {  	s0 =	sld [smem:$0x3F9E];
	_ =	swait.ge [sflag:s4], $0x0  }
0x19: {  	s7 =	sld [smem:$0x3F9F]  }
0x1a: {  	s8 =	sadd.s32 $0xFFFFE003, lr  }
0x1b: {  	s9 =	sadd.s32 $0xFFFFFEF7, lr;
	s5 =	simm.s32 $0xFFFFFFFF;
	p2 =	slt.u32 s8, $0xFFFFF086  }
0x1c: {  	p1 =	slt.u32 s9, $0xF7A;
	s5 =	simm.s32 @!p2 $0x0  }
0x1d: {  	s5 =	simm.s32 @p1 $0x1;
	p0 =	seq.s32 s7, s2  }
0x1e: {  	s7 =	smul.u32 @!p0 $0xF7A, s2;
	p2 =	seq.s32 @!p0 s5, $0x0  }
0x1f: {  	s9 =	smul.u32 $0xF7A, s1;
	s8 =	simm.s32 @!p0 $0x1BF5;
	p2 =	por !p2, p0  }
0x20: {  	[sflag:s8] =	ssyncset.s32 @!p0 $0xFFFFF086;
	s6 =	sadd.s32 @!p0 s3, s7;
	s7 =	simm.s32 @!p0 $0x108  }
0x21: {  	s3 =	sadd.s32 s3, s9;
	s6 =	sadd.s32 @!p0 $0x88, s6;
	s7 =	simm.s32 @p2 $0x1082  }
0x22: {  	[simem:s7], [sflag:s8] =	dma.local @!p0 [hbm:s6], $0xF7A  }
0x23: {  	s9 =	sor.u32 $0xD0000000, s2;
	s6 =	simm.s32 $0x108;
	_ =	swait.ge @!p0 [sflag:s8], $0x0  }
0x24: {  	s3 =	sadd.s32 $0x88, s3;
	s6 =	simm.s32 @!p1 $0x1082;
	[sflag:s4] =	ssyncset.s32 $0xFFFFF086  }
0x25: {  	[simem:s6], [sflag:s4] =	dma.local [hbm:s3], $0xF7A  }
0x26: {  	[smem:$0x3F9F] =	sst s1;
	(tag) =	ssettag s2;
	_ =	strace s9  }
0x27: {  	s1 =	sld [smem:$0x3FAF]  }
0x28: {  	s2 =	sld [smem:$0x3FB0]  }
0x29: {  	s4 =	sld [smem:$0x3FB2]  }
0x2a: {  	p0 =	seq.s32 s5, $0x0;
	s5 =	sld [smem:$0x3FB3]  }
0x2b: {  	s6 =	sld [smem:$0x3FB4]  }
0x2c: {  	s7 =	sld [smem:$0x3FB5]  }
0x2d: {  	s3 =	simm.s32 $0x108;
	s8 =	sld [smem:$0x3FB6]  }
0x2e: {  	s3 =	simm.s32 @!p0 $0x1082;
	s9 =	sld [smem:$0x3FB7]  }
0x2f: {  	lr =	sadd.s32 s0, s3;
	s0 =	sld [smem:$0x3FAE]  }
0x30: {  	s3 =	sld [smem:$0x3FB1]  }
0x31: {  	[smem:$0x3FBA] =	sst s10  }
0x32: {  	s10 =	sld [smem:$0x3FB8];
	_ =	sdelay $0x3  }
0x33: {  	p0 =	seq.s32 s10, $0x1;
	s10 =	sld [smem:$0x3FBA];
	_ =	sdelay $0x3  }
0x34: {  	[smem:$0x3FBA] =	sst s10  }
0x35: {  	s10 =	sld [smem:$0x3FB9];
	_ =	sdelay $0x3  }
0x36: {  	p1 =	seq.s32 s10, $0x1;
	s10 =	sld [smem:$0x3FBA];
	_ =	sdelay $0x3  }
0x37: {  	[smem:$0x3FBA] =	sst s10  }
0x38: {  	s10 =	sld [smem:$0x3FBB]  }
0x39: {  	_ = 	snop;
	(pc) =	sbr.ind lr, $3  }
0x3a: {  	_ = 	snop  }
0x3b: {  	_ = 	snop  }
0x3c: {  	p2 =	seq.s32 s10, $0x1;
	s10 =	sld [smem:$0x3FBA]  }
0x3d: {  	_ =	shalt  }
0x3e: {  	_ =	shalt  }
0x3f: {  	_ =	shalt  }
0x40: {  	_ =	shalt  }
0x41: {  	_ =	shalt  }
0x42: {  	_ =	shalt  }
0x43: {  	_ =	shalt  }
0x44: {  	_ =	shalt  }
0x45: {  	_ =	shalt  }
0x46: {  	_ =	shalt  }
0x47: {  	_ =	shalt  }
0x48: {  	_ =	shalt  }
0x49: {  	_ =	shalt  }
0x4a: {  	_ =	shalt  }
0x4b: {  	_ =	shalt  }
0x4c: {  	_ =	shalt  }
0x4d: {  	_ =	shalt  }
0x4e: {  	_ =	shalt  }
0x4f: {  	_ =	shalt  }
0x50: {  	_ =	shalt  }
0x51: {  	_ =	shalt  }
0x52: {  	_ =	shalt  }
0x53: {  	_ =	shalt  }
0x54: {  	_ =	shalt  }
0x55: {  	_ =	shalt  }
0x56: {  	_ =	shalt  }
0x57: {  	_ =	shalt  }
0x58: {  	_ =	shalt  }
0x59: {  	_ =	shalt  }
0x5a: {  	_ =	shalt  }
0x5b: {  	_ =	shalt  }
0x5c: {  	_ =	shalt  }
0x5d: {  	_ =	shalt  }
0x5e: {  	_ =	shalt  }
0x5f: {  	_ =	shalt  }
0x60: {  	_ =	shalt  }
0x61: {  	_ =	shalt  }
0x62: {  	_ =	shalt  }
0x63: {  	_ =	shalt  }
0x64: {  	_ =	shalt  }
0x65: {  	_ =	shalt  }
0x66: {  	_ =	shalt  }
0x67: {  	_ =	shalt  }
0x68: {  	_ =	shalt  }
0x69: {  	_ =	shalt  }
0x6a: {  	_ =	shalt  }
0x6b: {  	_ =	shalt  }
0x6c: {  	_ =	shalt  }
0x6d: {  	_ =	shalt  }
0x6e: {  	_ =	shalt  }
0x6f: {  	_ =	shalt  }
0x70: {  	_ =	shalt  }
0x71: {  	_ =	shalt  }
0x72: {  	_ =	shalt  }
0x73: {  	_ =	shalt  }
0x74: {  	_ =	shalt  }
0x75: {  	_ =	shalt  }
0x76: {  	_ =	shalt  }
0x77: {  	_ =	shalt  }
0x78: {  	_ =	shalt  }
0x79: {  	_ =	shalt  }
0x7a: {  	_ =	shalt  }
0x7b: {  	_ =	shalt  }
0x7c: {  	_ =	shalt  }
0x7d: {  	_ =	shalt  }
0x7e: {  	_ =	shalt  }
0x7f: {  	_ =	shalt  }
0x80: {  	_ =	shalt  }
0x81: {  	_ =	shalt  }
0x82: {  	_ =	shalt  }
0x83: {  	_ =	shalt  }
0x84: {  	_ =	shalt  }
0x85: {  	_ =	shalt  }
0x86: {  	_ =	shalt  }
0x87: {  	_ =	shalt  }
.Lfunc_end0:
.L_simem_size_0:
called_computation_lowered:
.L_overlay_start_0:
0x88: {  	s2 =	sld [smem:$0x3FD9]  }
0x89: {  	s3 =	sld [smem:$0x3FFE];
	_ =	sdelay $0x1  }
0x8a: {  	s1 =	srdreg.scid  }
0x8b: {  	s0 =	sand.u32 $0x1, s1  }
0x8c: {  	s18 =	sshll.u32 s0, $0xA;
	s2 =	sadd.s32 s3, s2  }
0x8d: {  	s2 =	sadd.s32 s2, s18  }
0x8e: {  	[smem:$0x3FC6] =	sst s2  }
0x8f: {  	_ = 	snop  }
0x90: {  	s2 =	sld [smem:$0x3FC9]  }
0x91: {  	s19 =	sld [smem:$0x3FC8]  }
0x92: {  	s4 =	sld [smem:$0x3FD0];
	(tm) =	ssettm $0x1  }
0x93: {  	s5 =	sld [smem:$0x3FFB];
	_ =	sdelay $0x3  }
0x94: {  	_ =	strace s5  }
0x95: {  	s5 =	sld [smem:$0x3FFC];
	_ =	sdelay $0x3  }
0x96: {  	_ =	strace s5  }
0x97: {  	s5 =	sld [smem:$0x3FFD];
	_ =	sdelay $0x3  }
0x98: {  	_ =	strace s5  }
0x99: {  	_ =	strace $0x8FFFFFFF  }
0x9a: {  	s20 =	sld [smem:$0x3FDB];
	_ =	sdelay $0x1  }
0x9b: {  	s6 =	simm.s32 $_scs_section_size  }
0x9c: {  	s7 =	simm.s32 $_size__tile_overlayer_lowered;
	s8 =	simm.s32 $_tile_overlayer_lowered  }
0x9d: {  	s23 =	simm.s32 $0x1BFF;
	s22 =	sshll.u32 s8, $0x1;
	s5 =	sadd.s32 s6, s20  }
0x9e: {  	s9 =	simm.s32 $0x0;
	s21 =	sshll.u32 s7, $0x1;
	s7 =	sadd.s32 s22, s5  }
0x9f: {  	[timem:s9], [sflag:s23] =	dma.local [hbm:s7], s21  }
0xa0: {  	_ =	swait.ge [sflag:s23], s21  }
0xa1: {  	s6 =	ssub.s32 $0x0, s21;
	[sflag:s23] =	ssyncset.done $0x0  }
0xa2: {  	[sflag:s23] =	ssyncadd.s32 s6;
	_ =	sdelay $0x1  }
0xa3: {  	s24 =	simm.s32 $0x1B8B  }
0xa4: {  	_ =	swait.ge [sflag:s24], $0x1  }
0xa5: {  	[sflag:s24] =	ssyncset.done $0x0  }
0xa6: {  	s25 =	simm.s32 $0x1B8E;
	[sflag:s24] =	ssyncadd.s32 $0xFFFFFFFF  }
0xa7: {  	s26 =	simm.s32 $execute0_lowered;
	[smem:$0x3FD2] =	sst s25  }
0xa8: {  	s6 =	sshll.u32 s26, $0x1;
	_ =	strace $0x80000046;
	[dreg:$0x1] =	wrdreg $0xFFFFFFFF  }
0xa9: {  	s28 =	simm.s32 $_size_execute0_lowered;
	s5 =	sadd.s32 s5, s6;
	[dreg:$0x0] =	wrdreg $0x0  }
0xaa: {  	s6 =	sshll.u32 s28, $0x1;
	[dreg:$0x2] =	wrdreg s5  }
0xab: {  	[dreg:$0x3] =	wrdreg s6  }
0xac: {  	[dreg:$0x4] =	wrdreg $0xC0  }
0xad: {  	_ =	task [dreg:s9], $0x5FFFF  }
0xae: {  	[dreg:$0x1] =	wrdreg $0xFFFFFFFF  }
0xaf: {  	[dreg:$0x0] =	wrdreg $0x60  }
0xb0: {  	[dreg:$0x2] =	wrdreg s2  }
0xb1: {  	[dreg:$0x3] =	wrdreg s19  }
0xb2: {  	[dreg:$0x4] =	wrdreg s4  }
0xb3: {  	[dreg:$0x5] =	wrdreg $0x131800  }
0xb4: {  	[dreg:$0x6] =	wrdreg $0x132900  }
0xb5: {  	[dreg:$0x7] =	wrdreg $0x133A00  }
0xb6: {  	[dreg:$0x8] =	wrdreg $0x133B00  }
0xb7: {  	[dreg:$0x9] =	wrdreg $0x9  }
0xb8: {  	_ =	task.clear_ibuf [dreg:s9], $0xAFFFF;
	_ =	strace $0x90000046  }
0xb9: {  	s29 =	simm.s32 $0x9;
	_ =	strace $0x80000048  }
0xba: {  	_ =	swait.ge [sflag:s29], $0x1  }
0xbb: {  	[sflag:s29] =	ssyncadd.s32 $0xFFFFFFFF  }
0xbc: {  	_ =	strace $0x90000048  }
0xbd: {  	_ =	sfence  }
0xbe: {  	s30 =	sld [smem:$0x0];
	_ =	sdelay $0x2  }
0xbf: {  	s31 =	sshll.u32 s1, $0xD;
	s1 =	sshrl.u32 s1, $0x2  }
0xc0: {  	s3 =	sand.u32 $0x4000, s31;
	s1 =	sadd.s32 s1, s30  }
0xc1: {  	s0 =	sor.u32 s3, s0;
	s1 =	sshll.u32 s1, $0x11  }
0xc2: {  	s0 =	sor.u32 s1, s0  }
0xc3: {  	s0 =	sadd.s32 $0x8F2B, s0  }
0xc4: {  	[sflag:s0] =	ssyncadd.remote.s32 $0x1  }
0xc5: {  	_ =	sfence.sel $0xFFFF  }
0xc6: {  	[dreg:$0x0] =	wrdreg $0xFFFFFFFF;
	(pc) =	sbr.abs _section_cstart, $3  }
0xc7: {  	[dreg:$0x1] =	wrdreg $0xFFFFFFFF  }
0xc8: {  	_ =	task.clear_ibuf [dreg:s9], $0x2FFFF;
	_ =	strace $0x9FFFFFFF  }
0xc9: {  	(tm) =	ssettm $0x7FFFFFFF  }
tec
execute0_lowered:
.L_overlay_start_1:
0x0: {  	(tag) =	ssettag $0x1  }
0x1: {  	s3 =	rddreg [dreg:$0x0]  }
0x2: {  	s4 =	rddreg [dreg:$0x1]  }
0x3: {  	s9 =	rddreg [dreg:$0x2]  }
0x4: {  	s5 =	rddreg [dreg:$0x3]  }
0x5: {  	s7 =	rddreg [dreg:$0x4]  }
0x6: {  	s1 =	srdreg.scid;
	s8 =	rddreg [dreg:$0x5]  }
0x7: {  	s0 =	stileid.u32;
	s11 =	rddreg [dreg:$0x6]  }
0x8: {  	s17 =	simm.s32 $0x12300;
	s18 =	simm.s32 $0x12380;
	s19 =	simm.s32 $0x12400  }
0x9: {  	s20 =	simm.s32 $0x12880;
	s21 =	simm.s32 $0x12E80;
	s22 =	simm.s32 $0x13000  }
0xa: {  	s23 =	simm.s32 $0x13080;
	s24 =	simm.s32 $0x13100;
	s25 =	simm.s32 $0x0  }
0xb: {  	s6 =	sand.u32 $0x1, s1;
	s2 =	sshrl.u32 s0, $0x2;
	s15 =	sand.u32 $0x3, s0  }
0xc: {  	s16 =	smul.u32 $0x110, s0;
	s31 =	sshll.u32 s0, $0x4;
	s1 =	sshll.u32 s6, $0x2  }
0xd: {  	s13 =	smul.u32 $0x4B00, s15;
	s6 =	ssub.s32 $0x2, s6;
	p0 =	sne.s32 s15, $0x0  }
0xe: {  	s15 =	simm.s32 $0x12000;
	s10 =	sor.u32 s2, s1;
	s1 =	rddreg [dreg:$0x7]  }
0xf: {  	s2 =	simm.s32 $0x0;
	s14 =	sshrl.u32 s6, $0x1;
	s5 =	sadd.s32 s16, s5  }
0x10: {  	s12 =	smul.u32 $0x12C00, s10;
	[smem:$0x7FF] =	sst s2;
	s30 =	sshll.u32 s10, $0x6  }
0x11: {  	s14 =	ssub.s32 s6, s14;
	s6 =	sadd.s32 s16, s7;
	s7 =	sadd.s32 s31, s8  }
.Ltmp0:
0x12: {  	s8 =	sadd.s32 s31, s11;
	s10 =	sshll.u32 s10, $0x1;
	(pc) =	sbr.rel .LBB2_1-.Ltmp0, $4  }
0x13: {  	s11 =	simm.s32 $0x1;
	s16 =	simm.s32 $0x12180;
	_ =	strace $0x80000047  }
0x14: {  	s3 =	sadd.s32 s3, s30;
	s9 =	sadd.s32 s9, s10;
	s12 =	sadd.s32 s13, s12  }
0x15: {  	v0 =	vimm.f32 $-1.000000000e+10;
	v1 =	vimm.f32 $1.000000000e+10;
	s10 =	smax.u32 s14, $0x1;
	s14 =	simm.s32 $0xDC00;
	s12 =	sshrl.u32 s12, $0x3  }
0x16: {  	v38 =	vimm.s32 $0xFF;
	v63 =	vimm.s32 $0x0;
	v50 =	vimm.f32 $0.0e+00;
	s13 =	simm.s32 $0x9800;
	s4 =	sadd.s32 s4, s12;
	s12 =	simm.s32 $0x200  }
.LBB2_18:
0x17: {  	v5 =	vld [tilespmem:s29+$0x0];
	_ =	sdelay $0x3  }
0x18: {  	v3 =	vmul.f32 v3, v3  }
0x19: {  	v4 =	vmul.f32 v4, v4;
	v51 =	vsub.f32 v1, v2;
	v5 =	vsub.f32 v1, v5;
	_ =	sdelay $0x1  }
0x1a: {  	v52 =	vmin.f32 v3, v4;
	v1 =	vmul.f32 v51, v51;
	v53 =	vmul.f32 v5, v5  }
0x1b: {  	v0 =	vadd.f32 v52, v0  }
0x1c: {  	v1 =	vmin.f32 v53, v1  }
0x1d: {  	v0 =	vadd.f32 v1, v0;
	_ =	sdelay $0x1  }
0x1e: {  	(xrf2) =	vadd.scan.msk.f32 $0xffff, v0;
	_ =	sdelay $0x9  }
0x1f: {  	[tilespmem:s22], [sflag:$0x1] =	stream.linear.gather [spmem:s7], $0x40, $0x38;
	v0, _, _ =	vpop (xrf2);
	[tilespmem:$0x133C0] =	vst v63  }
0x20: {  	_ =	swait.ge [sflag:s11], $0x40  }
0x21: {  	[sflag:s11] =	ssyncset.done $0x0  }
0x22: {  	[sflag:s11] =	ssyncadd.s32 $0xFFFFFFC0  }
0x23: {  	[tilespmem:s23], [sflag:$0x1] =	stream.linear.gather [spmem:s8], $0x40, $0x38;
	[tilespmem:$0x133C0] =	vst v63  }
0x24: {  	_ =	swait.ge [sflag:s11], $0x40  }
0x25: {  	[sflag:s11] =	ssyncset.done $0x0  }
0x26: {  	[sflag:s11] =	ssyncadd.s32 $0xFFFFFFC0  }
0x27: {  	v54 =	vld [tilespmem:$0x13000]  }
0x28: {  	v55 =	vld [tilespmem:$0x13010]  }
0x29: {  	v56 =	vld [tilespmem:$0x13020]  }
0x2a: {  	v57 =	vld [tilespmem:$0x13030]  }
0x2b: {  	v58 =	vld [tilespmem:$0x13080]  }
0x2c: {  	v6 =	vld [tilespmem:$0x13090]  }
0x2d: {  	v7 =	vld [tilespmem:$0x130A0]  }
0x2e: {  	v8 =	vld [tilespmem:$0x130B0];
	_ =	sdelay $0x3  }
0x2f: {  	v1 =	vadd.f32 v55, v54;
	v59 =	vadd.f32 v57, v56  }
0x30: {  	v60 =	vadd.f32 v6, v58;
	v61 =	vadd.f32 v8, v7  }
0x31: {  	v1 =	vadd.f32 v59, v1  }
0x32: {  	v62 =	vadd.f32 v61, v60  }
0x33: {  	(xrf2) =	vadd.scan.msk.f32 $0xffff, v1  }
0x34: {  	(xrf2) =	vadd.scan.msk.f32 $0xffff, v62;
	_ =	sdelay $0x8  }
0x35: {  	v1, _, _ =	vpop (xrf2)  }
0x36: {  	v2, _, _ =	vpop (xrf2)  }
0x37: {  	v2 =	vbroadcast v2, $0xF  }
0x38: {  	vm0 =	vcmask $0xB08;
	v1 =	vbroadcast v1, $0xF  }
0x39: {  	vm14 =	vcmask $0x3F08;
	v0 =	vbroadcast v0, $0xF;
	v2 =	vnsel vm0, $0x0, v2  }
0x3a: {  	vm15 =	vcmask $0x3F04;
	v1 =	vsel vm14, v2, v1  }
0x3b: {  	v0 =	vsel vm15, v1, v0  }
0x3c: {  	[tilespmem:$0x13100] =	vst v0  }
0x3d: {  	[hbm4b:s9+s2] =	stream.linear.scatter [tilespmem:s24], [sflag:$0x1], $0x10, $0x38;
	[tilespmem:$0x133C0] =	vst v63  }
0x3e: {  	_ =	swait.ge [sflag:s11], $0x10  }
0x3f: {  	[sflag:s11] =	ssyncset.done $0x0  }
0x40: {  	[sflag:s11] =	ssyncadd.s32 $0xFFFFFFF0  }
.LBB2_19:
0x41: {  	s25 =	sadd.s32 $0x1, s25  }
0x42: {  	p1 =	sne.s32 s25, s10  }
.Ltmp1:
0x43: {  	_ = 	snop;
	(pc) =	sbr.rel @!p1 .LBB2_20-.Ltmp1, $2  }
0x44: {  	_ =	sdelay $0x2  }
0x45: {  	v0 =	vimm.f32 $-1.000000000e+10;
	v1 =	vimm.f32 $1.000000000e+10  }
.LBB2_1:
0x46: {  	[tilespmem:s2], [sflag:$0x1] =	stream.linear.gather [hbm4b:s3+s2], $0x200, $0x38;
	[tilespmem:$0x133C0] =	vst v63  }
0x47: {  	_ =	swait.ge [sflag:s11], $0x200  }
0x48: {  	[sflag:s11] =	ssyncset.done $0x0  }
0x49: {  	[sflag:s11] =	ssyncadd.s32 $0xFFFFFE00  }
0x4a: {  	[tilespmem:s12], [sflag:$0x1] =	stream.linear.gather [hbm4b:s4+s2], $0x4B00, $0x38;
	[tilespmem:$0x133C0] =	vst v63  }
0x4b: {  	_ =	swait.ge [sflag:s11], $0x4B00  }
0x4c: {  	[sflag:s11] =	ssyncset.done $0x0  }
0x4d: {  	s26 =	simm.s32 $0x0;
	[sflag:s11] =	ssyncadd.s32 $0xFFFFB500  }
.LBB2_2:
0x4e: {  	p1 =	sne.s32 s26, $0x10FC0  }
.Ltmp2:
0x4f: {  	_ = 	snop;
	(pc) =	sbr.rel @p1 .LBB2_2-.Ltmp2, $4  }
0x50: {  	_ = 	snop  }
0x51: {  	s28 =	sshra.s32 s26, $0x2  }
0x52: {  	[tilespmem:s28+$0x9800] =	vst v0  }
0x53: {  	s26 =	sadd.s32 $0x40, s26;
	[tilespmem:s28+$0xDC00] =	vst v1  }
0x54: {  	s26 =	simm.s32 $0x240  }
0x55: {  	v0 =	vld [tilespmem:s26+$0x30]  }
0x56: {  	v1 =	vld [tilespmem:s26+$0x20]  }
0x57: {  	v2 =	vld [tilespmem:s26+$0x10]  }
0x58: {  	v3 =	vld [tilespmem:s26+$0x0]  }
0x59: {  	v4 =	vld [tilespmem:s26+$0xFFFFFFF0]  }
0x5a: {  	v5 =	vld [tilespmem:s26+$0xFFFFFFD0]  }
0x5b: {  	v6 =	vld [tilespmem:s26+$0xFFFFFFC0]  }
0x5c: {  	v7 =	vld [tilespmem:s26+$0xFFFFFFE0]  }
0x5d: {  	s26 =	simm.s32 $0x0  }
0x5e: {  	v8 =	vld.idx.msk [tilespmem:v38+s26+$0x0], $0xffff;
	vm10 =	vge.f32 v0, $1.000000050e-03  }
0x5f: {  	vm0 =	vge.f32 v1, $1.000000050e-03;
	vm11 =	vge.f32 v2, $1.000000050e-03;
	vm14 =	vge.f32 v4, $1.000000050e-03  }
0x60: {  	vm1 =	vge.f32 v3, $1.000000050e-03;
	vm15 =	vge.f32 v6, $1.000000050e-03;
	vm8 =	vge.f32 v5, $1.000000050e-03  }
0x61: {  	vm12 =	vge.f32 v7, $1.000000050e-03;
	v15 =	vnsel vm10, $0x501502F9, v0;
	v17 =	vnsel vm11, $0x501502F9, v2  }
0x62: {  	v16 =	vnsel vm0, $0x501502F9, v1;
	v20 =	vnsel vm12, $0x501502F9, v7;
	v19 =	vnsel vm14, $0x501502F9, v4  }
0x63: {  	v18 =	vnsel vm1, $0x501502F9, v3;
	v21 =	vnsel vm8, $0x501502F9, v5;
	vm3 =	vlt.f32 v8, v15  }
0x64: {  	v22 =	vnsel vm15, $0x501502F9, v6;
	vm4 =	vlt.f32 v8, v16;
	v0 =	vsel vm3, $0x100, v63  }
0x65: {  	vm3 =	vlt.f32 v8, v17;
	v1 =	vsel vm4, $0x100, v63;
	v2 =	vor.u32 $0x7F, v0  }
0x66: {  	vm4 =	vlt.f32 v8, v18;
	v3 =	vsel vm3, $0x100, v63;
	v4 =	vor.u32 $0x7F, v1  }
0x67: {  	v5 =	vsel vm4, $0x100, v63;
	vm3 =	vlt.f32 v8, v22;
	v6 =	vor.u32 $0x7F, v3  }
0x68: {  	vm4 =	vlt.f32 v8, v19;
	v7 =	vor.u32 $0x7F, v5;
	v9 =	vsel vm3, $0x100, v63  }
0x69: {  	vm3 =	vlt.f32 v8, v20;
	v10 =	vsel vm4, $0x100, v63;
	v11 =	vor.u32 $0x7F, v9  }
0x6a: {  	vm4 =	vlt.f32 v8, v21;
	v8 =	vsel vm3, $0x100, v63;
	v12 =	vor.u32 $0x7F, v10;
	v2 =	vld.idx.msk [tilespmem:v2+s26+$0x0], $0xffff  }
0x6b: {  	v13 =	vsel vm4, $0x100, v63;
	v14 =	vor.u32 $0x7F, v8;
	v4 =	vld.idx.msk [tilespmem:v4+s26+$0x0], $0xffff  }
0x6c: {  	v23 =	vor.u32 $0x7F, v13;
	v6 =	vld.idx.msk [tilespmem:v6+s26+$0x0], $0xffff  }
0x6d: {  	v25 =	vor.u32 $0x80, v1;
	v26 =	vor.u32 $0x80, v0;
	v7 =	vld.idx.msk [tilespmem:v7+s26+$0x0], $0xffff  }
0x6e: {  	v24 =	vor.u32 $0x80, v3;
	v29 =	vor.u32 $0x80, v5;
	v28 =	vor.u32 $0x80, v10;
	v11 =	vld.idx.msk [tilespmem:v11+s26+$0x0], $0xffff  }
0x6f: {  	v30 =	vor.u32 $0x80, v9;
	v27 =	vor.u32 $0x80, v8;
	vm3 =	vlt.f32 v2, v15;
	v2 =	vld.idx.msk [tilespmem:v12+s26+$0x0], $0xffff  }
0x70: {  	v12 =	vor.u32 $0x80, v13;
	vm4 =	vlt.f32 v4, v16;
	v4 =	vld.idx.msk [tilespmem:v14+s26+$0x0], $0xffff;
	v0 =	vsel vm3, v26, v0  }
0x71: {  	vm3 =	vlt.f32 v6, v17;
	v6 =	vld.idx.msk [tilespmem:v23+s26+$0x0], $0xffff;
	v1 =	vsel vm4, v25, v1;
	v14 =	vor.u32 $0x3F, v0  }
0x72: {  	vm4 =	vlt.f32 v7, v18;
	v3 =	vsel vm3, v24, v3;
	v7 =	vor.u32 $0x3F, v1  }
0x73: {  	vm3 =	vlt.f32 v11, v22;
	v5 =	vsel vm4, v29, v5;
	v11 =	vor.u32 $0x3F, v3  }
0x74: {  	vm4 =	vlt.f32 v2, v19;
	v2 =	vsel vm3, v30, v9;
	v9 =	vor.u32 $0x3F, v5  }
0x75: {  	vm3 =	vlt.f32 v4, v20;
	v4 =	vsel vm4, v28, v10;
	v10 =	vor.u32 $0x3F, v2  }
0x76: {  	vm4 =	vlt.f32 v6, v21;
	v6 =	vsel vm3, v27, v8;
	v8 =	vor.u32 $0x3F, v4;
	v14 =	vld.idx.msk [tilespmem:v14+s26+$0x0], $0xffff  }
0x77: {  	v12 =	vsel vm4, v12, v13;
	v13 =	vor.u32 $0x3F, v6;
	v7 =	vld.idx.msk [tilespmem:v7+s26+$0x0], $0xffff  }
0x78: {  	v23 =	vor.u32 $0x3F, v12;
	v11 =	vld.idx.msk [tilespmem:v11+s26+$0x0], $0xffff  }
0x79: {  	v24 =	vor.u32 $0x40, v1;
	v25 =	vor.u32 $0x40, v0;
	v9 =	vld.idx.msk [tilespmem:v9+s26+$0x0], $0xffff  }
0x7a: {  	v27 =	vor.u32 $0x40, v5;
	v28 =	vor.u32 $0x40, v3;
	v30 =	vor.u32 $0x40, v2;
	v10 =	vld.idx.msk [tilespmem:v10+s26+$0x0], $0xffff  }
0x7b: {  	v26 =	vor.u32 $0x40, v4;
	v29 =	vor.u32 $0x40, v6;
	v8 =	vld.idx.msk [tilespmem:v8+s26+$0x0], $0xffff;
	vm3 =	vlt.f32 v14, v15  }
0x7c: {  	v14 =	vor.u32 $0x40, v12;
	v13 =	vld.idx.msk [tilespmem:v13+s26+$0x0], $0xffff;
	vm4 =	vlt.f32 v7, v16;
	v0 =	vsel vm3, v25, v0  }
0x7d: {  	v7 =	vld.idx.msk [tilespmem:v23+s26+$0x0], $0xffff;
	vm3 =	vlt.f32 v11, v17;
	v1 =	vsel vm4, v24, v1;
	v11 =	vor.u32 $0x1F, v0  }
0x7e: {  	v3 =	vsel vm3, v28, v3;
	vm4 =	vlt.f32 v9, v18;
	v9 =	vor.u32 $0x1F, v1  }
0x7f: {  	v23 =	vor.u32 $0x1F, v3;
	v5 =	vsel vm4, v27, v5;
	vm3 =	vlt.f32 v10, v22  }
0x80: {  	vm4 =	vlt.f32 v8, v19;
	v8 =	vor.u32 $0x1F, v5;
	v2 =	vsel vm3, v30, v2  }
0x81: {  	vm3 =	vlt.f32 v13, v20;
	v4 =	vsel vm4, v26, v4;
	v10 =	vor.u32 $0x1F, v2  }
0x82: {  	vm4 =	vlt.f32 v7, v21;
	v6 =	vsel vm3, v29, v6;
	v7 =	vor.u32 $0x1F, v4;
	v11 =	vld.idx.msk [tilespmem:v11+s26+$0x0], $0xffff  }
0x83: {  	v12 =	vsel vm4, v14, v12;
	v13 =	vor.u32 $0x1F, v6;
	v9 =	vld.idx.msk [tilespmem:v9+s26+$0x0], $0xffff  }
0x84: {  	vm1 =	vmmov vm1;
	v14 =	vor.u32 $0x1F, v12;
	v23 =	vld.idx.msk [tilespmem:v23+s26+$0x0], $0xffff  }
0x85: {  	vm0 =	vmmov vm0;
	v24 =	vor.u32 $0x20, v1;
	v25 =	vor.u32 $0x20, v0;
	v8 =	vld.idx.msk [tilespmem:v8+s26+$0x0], $0xffff  }
0x86: {  	v28 =	vor.u32 $0x20, v3;
	v27 =	vor.u32 $0x20, v5;
	v26 =	vor.u32 $0x20, v4;
	v10 =	vld.idx.msk [tilespmem:v10+s26+$0x0], $0xffff  }
0x87: {  	v30 =	vor.u32 $0x20, v6;
	v29 =	vor.u32 $0x20, v12;
	v7 =	vld.idx.msk [tilespmem:v7+s26+$0x0], $0xffff;
	vm3 =	vlt.f32 v11, v15  }
0x88: {  	v11 =	vld.idx.msk [tilespmem:v13+s26+$0x0], $0xffff;
	v13 =	vor.u32 $0x20, v2;
	vm4 =	vlt.f32 v9, v16;
	v0 =	vsel vm3, v25, v0  }
0x89: {  	v9 =	vld.idx.msk [tilespmem:v14+s26+$0x0], $0xffff;
	vm3 =	vlt.f32 v23, v17;
	v14 =	vsel vm4, v24, v1;
	v23 =	vadd.s32 $0xF, v0  }
0x8a: {  	s28 =	simm.s32 $0x2C0;
	v3 =	vsel vm3, v28, v3;
	vm4 =	vlt.f32 v8, v18;
	v8 =	vadd.s32 $0xF, v14  }
0x8b: {  	v25 =	vld [tilespmem:s28+$0x20];
	v5 =	vsel vm4, v27, v5;
	v27 =	vadd.s32 $0xF, v3;
	vm3 =	vlt.f32 v10, v22  }
0x8c: {  	v24 =	vld [tilespmem:s28+$0x30];
	vm4 =	vlt.f32 v7, v19;
	v7 =	vadd.s32 $0xF, v5;
	v2 =	vsel vm3, v13, v2  }
0x8d: {  	v10 =	vld [tilespmem:s28+$0x10];
	vm3 =	vlt.f32 v11, v20;
	v4 =	vsel vm4, v26, v4;
	v11 =	vadd.s32 $0xF, v2  }
0x8e: {  	vm4 =	vlt.f32 v9, v21;
	v6 =	vsel vm3, v30, v6;
	v9 =	vadd.s32 $0xF, v4;
	v13 =	vld.idx.msk [tilespmem:v23+s26+$0x0], $0xffff  }
0x8f: {  	v28 =	vadd.s32 $0x10, v14;
	v12 =	vsel vm4, v29, v12;
	v23 =	vadd.s32 $0xF, v6;
	v8 =	vld.idx.msk [tilespmem:v8+s26+$0x0], $0xffff  }
0x90: {  	v32 =	vadd.s32 $0x10, v3;
	v31 =	vadd.s32 $0x10, v5;
	v26 =	vadd.s32 $0xF, v12;
	v27 =	vld.idx.msk [tilespmem:v27+s26+$0x0], $0xffff  }
0x91: {  	vm2 =	vge.f32 v25, $1.000000050e-03;
	vm7 =	vge.f32 v24, $1.000000050e-03;
	v29 =	vadd.s32 $0x10, v0;
	v7 =	vld.idx.msk [tilespmem:v7+s26+$0x0], $0xffff  }
0x92: {  	v30 =	vadd.s32 $0x10, v4;
	v34 =	vadd.s32 $0x10, v6;
	vm9 =	vge.f32 v10, $1.000000050e-03;
	v11 =	vld.idx.msk [tilespmem:v11+s26+$0x0], $0xffff  }
0x93: {  	v33 =	vadd.s32 $0x10, v12;
	v59 =	vnsel vm9, $0x501502F9, v10;
	v9 =	vld.idx.msk [tilespmem:v9+s26+$0x0], $0xffff;
	vm3 =	vlt.f32 v13, v15  }
0x94: {  	v13 =	vld.idx.msk [tilespmem:v23+s26+$0x0], $0xffff;
	v23 =	vadd.s32 $0x10, v2;
	vm4 =	vlt.f32 v8, v16;
	v8 =	vsel vm3, v29, v0  }
0x95: {  	v26 =	vld.idx.msk [tilespmem:v26+s26+$0x0], $0xffff;
	vm3 =	vlt.f32 v27, v17;
	v14 =	vsel vm4, v28, v14;
	v27 =	vadd.s32 $0x7, v8  }
0x96: {  	vm4 =	vlt.f32 v7, v18;
	v3 =	vsel vm3, v32, v3;
	v7 =	vadd.s32 $0x7, v14  }
0x97: {  	v1 =	vld [tilespmem:s28+$0x0];
	v5 =	vsel vm4, v31, v5;
	v29 =	vadd.s32 $0x7, v3;
	vm3 =	vlt.f32 v11, v22  }
0x98: {  	v0 =	vld [tilespmem:s28+$0xFFFFFFC0];
	vm4 =	vlt.f32 v9, v19;
	v9 =	vadd.s32 $0x7, v5;
	v2 =	vsel vm3, v23, v2  }
0x99: {  	v28 =	vld [tilespmem:s28+$0xFFFFFFF0];
	vm3 =	vlt.f32 v13, v20;
	v4 =	vsel vm4, v30, v4;
	v13 =	vadd.s32 $0x7, v2  }
0x9a: {  	vm4 =	vlt.f32 v26, v21;
	v6 =	vsel vm3, v34, v6;
	v23 =	vadd.s32 $0x7, v4;
	v26 =	vld.idx.msk [tilespmem:v27+s26+$0x0], $0xffff  }
0x9b: {  	v10 =	vnsel vm2, $0x501502F9, v25;
	v12 =	vsel vm4, v33, v12;
	v27 =	vadd.s32 $0x7, v6;
	v7 =	vld.idx.msk [tilespmem:v7+s26+$0x0], $0xffff  }
0x9c: {  	v53 =	vadd.s32 $0x8, v8;
	v31 =	vadd.s32 $0x8, v14;
	v30 =	vadd.s32 $0x7, v12;
	v29 =	vld.idx.msk [tilespmem:v29+s26+$0x0], $0xffff  }
0x9d: {  	v35 =	vadd.s32 $0x8, v3;
	v55 =	vadd.s32 $0x8, v5;
	vm6 =	vge.f32 v0, $1.000000050e-03;
	v9 =	vld.idx.msk [tilespmem:v9+s26+$0x0], $0xffff  }
0x9e: {  	vm13 =	vge.f32 v28, $1.000000050e-03;
	vm4 =	vge.f32 v1, $1.000000050e-03;
	v54 =	vadd.s32 $0x8, v4;
	v13 =	vld.idx.msk [tilespmem:v13+s26+$0x0], $0xffff  }
0x9f: {  	v37 =	vadd.s32 $0x8, v6;
	v36 =	vadd.s32 $0x8, v12;
	v23 =	vld.idx.msk [tilespmem:v23+s26+$0x0], $0xffff;
	vm3 =	vlt.f32 v26, v15  }
0xa0: {  	v26 =	vld.idx.msk [tilespmem:v27+s26+$0x0], $0xffff;
	v27 =	vadd.s32 $0x8, v2;
	v32 =	vsel vm3, v53, v8;
	vm3 =	vlt.f32 v7, v16  }
0xa1: {  	v7 =	vld.idx.msk [tilespmem:v30+s26+$0x0], $0xffff;
	v14 =	vsel vm3, v31, v14;
	vm3 =	vlt.f32 v29, v17;
	v8 =	vadd.s32 $0x3, v32  }
0xa2: {  	v3 =	vsel vm3, v35, v3;
	vm3 =	vlt.f32 v9, v18;
	v29 =	vadd.s32 $0x3, v14  }
0xa3: {  	v11 =	vld [tilespmem:s28+$0xFFFFFFD0];
	v5 =	vsel vm3, v55, v5;
	v30 =	vadd.s32 $0x3, v3;
	vm3 =	vlt.f32 v13, v22  }
0xa4: {  	v2 =	vsel vm3, v27, v2;
	vm3 =	vlt.f32 v23, v19;
	v13 =	vadd.s32 $0x3, v5  }
0xa5: {  	v4 =	vsel vm3, v54, v4;
	vm3 =	vlt.f32 v26, v20;
	v23 =	vadd.s32 $0x3, v2  }
0xa6: {  	v6 =	vsel vm3, v37, v6;
	vm3 =	vlt.f32 v7, v21;
	v26 =	vadd.s32 $0x3, v4;
	v27 =	vld.idx.msk [tilespmem:v8+s26+$0x0], $0xffff  }
0xa7: {  	v9 =	vnsel vm7, $0x501502F9, v24;
	v12 =	vsel vm3, v36, v12;
	v31 =	vadd.s32 $0x3, v6;
	v24 =	vld.idx.msk [tilespmem:v29+s26+$0x0], $0xffff  }
0xa8: {  	v51 =	vnsel vm13, $0x501502F9, v28;
	vm5 =	vge.f32 v11, $1.000000050e-03;
	v29 =	vadd.s32 $0x3, v12;
	v25 =	vld.idx.msk [tilespmem:v30+s26+$0x0], $0xffff  }
0xa9: {  	v11 =	vnsel vm5, $0x501502F9, v11;
	v28 =	vadd.s32 $0x4, v14;
	v35 =	vadd.s32 $0x4, v3;
	v13 =	vld.idx.msk [tilespmem:v13+s26+$0x0], $0xffff  }
0xaa: {  	v34 =	vadd.s32 $0x4, v5;
	v33 =	vadd.s32 $0x4, v4;
	v7 =	vimm.s32 $0x0;
	v23 =	vld.idx.msk [tilespmem:v23+s26+$0x0], $0xffff  }
0xab: {  	v37 =	vadd.s32 $0x4, v6;
	v30 =	vadd.s32 $0x4, v32;
	v26 =	vld.idx.msk [tilespmem:v26+s26+$0x0], $0xffff;
	vm3 =	vlt.f32 v27, v15  }
0xac: {  	v7 =	vsel vm4, $0xFFFFFFFF, v7;
	v27 =	vld.idx.msk [tilespmem:v31+s26+$0x0], $0xffff;
	v30 =	vsel vm3, v30, v32;
	vm3 =	vlt.f32 v24, v16  }
0xad: {  	v31 =	vadd.s32 $0x4, v2;
	v24 =	vld.idx.msk [tilespmem:v29+s26+$0x0], $0xffff;
	v14 =	vsel vm3, v28, v14;
	vm3 =	vlt.f32 v25, v17  }
0xae: {  	v25 =	vadd.s32 $0x1, v30;
	v3 =	vsel vm3, v35, v3;
	vm3 =	vlt.f32 v13, v18  }
0xaf: {  	v28 =	vld.idx.msk [tilespmem:v38+s26+$0x0], $0xffff;
	v13 =	vadd.s32 $0x1, v14;
	v5 =	vsel vm3, v34, v5;
	vm3 =	vlt.f32 v23, v22  }
0xb0: {  	v29 =	vadd.s32 $0x1, v3;
	v23 =	vsel vm3, v31, v2;
	vm3 =	vlt.f32 v26, v19  }
0xb1: {  	v2 =	vadd.s32 $0x1, v5;
	v4 =	vsel vm3, v33, v4;
	vm3 =	vlt.f32 v27, v20  }
0xb2: {  	v36 =	vadd.s32 $0x4, v12;
	v27 =	vsel vm3, v37, v6;
	vm3 =	vlt.f32 v24, v21  }
0xb3: {  	v26 =	vadd.s32 $0x1, v23;
	v6 =	vadd.s32 $0x1, v4;
	v24 =	vld.idx.msk [tilespmem:v25+s26+$0x0], $0xffff;
	v25 =	vsel vm3, v36, v12  }
0xb4: {  	v31 =	vadd.s32 $0x1, v27;
	vm3 =	vlt.f32 v28, v9;
	v13 =	vld.idx.msk [tilespmem:v13+s26+$0x0], $0xffff;
	v12 =	vnsel vm4, $0x501502F9, v1  }
0xb5: {  	vm4 =	vlt.f32 v28, v11;
	v56 =	vadd.s32 $0x1, v25;
	v57 =	vsel vm3, $0x100, v63;
	v29 =	vld.idx.msk [tilespmem:v29+s26+$0x0], $0xffff;
	[tilespmem:$0x1FFC0] =	vst v7  }
0xb6: {  	vm3 =	vlt.f32 v28, v10;
	v7 =	vimm.s32 $0x0;
	v1 =	vld.idx.msk [tilespmem:v2+s26+$0x0], $0xffff;
	v2 =	vimm.s32 $0x0  }
0xb7: {  	v58 =	vsel vm3, $0x100, v63;
	vm3 =	vlt.f32 v28, v59;
	v2 =	vsel vm5, $0xFFFFFFFF, v2  }
0xb8: {  	v39 =	vsel vm4, $0x100, v63;
	v60 =	vsel vm3, $0x100, v63;
	vm3 =	vlt.f32 v28, v12;
	[tilespmem:$0x1FFD0] =	vst v2  }
0xb9: {  	v62 =	vsel vm3, $0x100, v63;
	vm3 =	vlt.f32 v24, v15;
	v2 =	vadd.s32 $0x2, v30;
	v26 =	vld.idx.msk [tilespmem:v26+s26+$0x0], $0xffff  }
0xba: {  	v61 =	vld.idx.msk [tilespmem:v6+s26+$0x0], $0xffff;
	v2 =	vsel vm3, v2, v30;
	vm3 =	vlt.f32 v13, v16;
	v6 =	vadd.s32 $0x2, v14  }
0xbb: {  	v24 =	vld.idx.msk [tilespmem:v31+s26+$0x0], $0xffff;
	v6 =	vsel vm3, v6, v14;
	vm3 =	vlt.f32 v29, v17;
	v14 =	vadd.s32 $0x2, v3  }
0xbc: {  	v13 =	vld.idx.msk [tilespmem:v56+s26+$0x0], $0xffff;
	v31 =	vsel vm3, v14, v3;
	vm3 =	vlt.f32 v1, v18;
	v1 =	vadd.s32 $0x2, v5  }
0xbd: {  	v7 =	vsel vm6, $0xFFFFFFFF, v7;
	v3 =	vld [tilespmem:s28+$0xFFFFFFE0];
	v14 =	vnsel vm6, $0x501502F9, v0;
	v32 =	vsel vm3, v1, v5  }
0xbe: {  	v1 =	vadd.s32 $0x2, v23;
	v5 =	vadd.s32 $0x2, v4;
	vm3 =	vlt.f32 v26, v22  }
0xbf: {  	v26 =	vor.u32 $0x7F, v57;
	v1 =	vsel vm3, v1, v23;
	vm3 =	vlt.f32 v61, v19  }
0xc0: {  	v5 =	vsel vm3, v5, v4;
	vm3 =	vlt.f32 v24, v20;
	v4 =	vadd.s32 $0x2, v27  }
0xc1: {  	v23 =	vld.idx.msk [tilespmem:v2+s26+$0x0], $0xffff;
	v29 =	vsel vm3, v4, v27;
	vm3 =	vlt.f32 v13, v21;
	v4 =	vadd.s32 $0x2, v25  }
0xc2: {  	vm5 =	vge.f32 v3, $1.000000050e-03;
	v4 =	vsel vm3, v4, v25;
	v25 =	vld.idx.msk [tilespmem:v6+s26+$0x0], $0xffff;
	[tilespmem:$0x1FFE0] =	vst v7;
	v7 =	vimm.s32 $0x0  }
0xc3: {  	v27 =	vor.u32 $0x7F, v58;
	vm3 =	vlt.f32 v28, v51;
	v0 =	vld.idx.msk [tilespmem:v31+s26+$0x0], $0xffff;
	v7 =	vsel vm5, $0xFFFFFFFF, v7  }
0xc4: {  	v49 =	vor.u32 $0x7F, v39;
	v30 =	vsel vm3, $0x100, v63;
	vm3 =	vlt.f32 v28, v14;
	v48 =	vld.idx.msk [tilespmem:v1+s26+$0x0], $0xffff;
	[tilespmem:$0x1FFF0] =	vst v7  }
0xc5: {  	v40 =	vor.u32 $0x7F, v60;
	v13 =	vnsel vm5, $0x501502F9, v3;
	v38 =	vsel vm3, $0x100, v63;
	v3 =	vld.idx.msk [tilespmem:v5+s26+$0x0], $0xffff  }
0xc6: {  	vm3 =	vlt.f32 v28, v13;
	vm4 =	vlt.f32 v23, v15;
	v7 =	vimm.s32 $0x1;
	v23 =	vld.idx.msk [tilespmem:v26+s26+$0x0], $0xffff  }
0xc7: {  	v53 =	vor.u32 $0x80, v30;
	v42 =	vsel vm3, $0x100, v63;
	v24 =	vsel vm4, $0x1, v63;
	v41 =	vld.idx.msk [tilespmem:v29+s26+$0x0], $0xffff  }
0xc8: {  	v54 =	vor.u32 $0x7F, v38;
	v26 =	vld.idx.msk [tilespmem:v27+s26+$0x0], $0xffff;
	v27 =	vor.u32 $0x7F, v30;
	vm3 =	vlt.f32 v25, v16  }
0xc9: {  	v25 =	vor.u32 $0x7F, v62;
	v43 =	vsel vm3, $0x1, v63;
	vm3 =	vlt.f32 v0, v17  }
0xca: {  	v52 =	vor.u32 $0x7F, v42;
	v44 =	vsel vm3, $0x1, v63;
	vm3 =	vlt.f32 v48, v22  }
0xcb: {  	v2 =	vadd.s32 v24, v2;
	v0 =	vld.idx.msk [tilespmem:v4+s26+$0x0], $0xffff;
	v28 =	vsel vm3, $0x1, v63;
	vm3 =	vlt.f32 v3, v19  }
0xcc: {  	v40 =	vld.idx.msk [tilespmem:v40+s26+$0x0], $0xffff;
	vm4 =	vlt.f32 v23, v9;
	v3 =	vsel vm3, $0x1, v63;
	vm3 =	vlt.f32 v41, v20  }
0xcd: {  	v1 =	vadd.s32 v28, v1;
	v28 =	vor.u32 $0x80, v58;
	v41 =	vsel vm3, $0x1, v63  }
0xce: {  	v45 =	vmax.u32 v1, $0x1;
	v46 =	vld.idx.msk [tilespmem:v25+s26+$0x0], $0xffff;
	v25 =	vor.u32 $0x80, v57;
	v47 =	vmin.u32 v1, $0xFF  }
0xcf: {  	vm3 =	vlt.f32 v26, v10;
	v3 =	vadd.s32 v3, v5;
	v45 =	vsub.s32 v45, v7  }
0xd0: {  	v27 =	vld.idx.msk [tilespmem:v27+s26+$0x0], $0xffff;
	vm5 =	vlt.f32 v0, v21;
	v23 =	vsel vm4, v25, v57;
	v0 =	vsel vm3, v28, v58  }
0xd1: {  	v25 =	vor.u32 $0x80, v60;
	vm3 =	vlt.f32 v40, v59;
	v57 =	vor.u32 $0x80, v39  }
0xd2: {  	v28 =	vld.idx.msk [tilespmem:v49+s26+$0x0], $0xffff;
	v58 =	vor.u32 $0x80, v42;
	v5 =	vadd.s32 v41, v29;
	v26 =	vsel vm5, $0x1, v63  }
0xd3: {  	v49 =	vld.idx.msk [tilespmem:v32+s26+$0x0], $0xffff;
	v25 =	vsel vm3, v25, v60;
	v60 =	vmin.u32 v3, $0xFF;
	v61 =	vmin.u32 v5, $0xFF  }
0xd4: {  	v29 =	vld.idx.msk [tilespmem:v54+s26+$0x0], $0xffff;
	v41 =	vmax.u32 v5, $0x1;
	v4 =	vadd.s32 v26, v4;
	v26 =	vor.u32 $0x80, v62  }
0xd5: {  	v55 =	vmax.u32 v4, $0x1;
	v48 =	vmin.u32 v4, $0xFF;
	vm4 =	vlt.f32 v27, v51;
	v47 =	vld.idx.msk [tilespmem:v47+s26+$0x0], $0xffff  }
0xd6: {  	v41 =	vsub.s32 v41, v7;
	v36 =	vsub.s32 v55, v7;
	v27 =	vsel vm4, v53, v30;
	v30 =	vld.idx.msk [tilespmem:v52+s26+$0x0], $0xffff  }
0xd7: {  	vm3 =	vlt.f32 v46, v12;
	v46 =	vmax.u32 v3, $0x1;
	v56 =	vld.idx.msk [tilespmem:v45+s26+$0x0], $0xffff;
	vm5 =	vlt.f32 v28, v11  }
0xd8: {  	v28 =	vsel vm3, v26, v62;
	v40 =	vsub.s32 v46, v7;
	vm3 =	vlt.f32 v49, v18;
	v34 =	vld.idx.msk [tilespmem:v60+s26+$0x0], $0xffff  }
0xd9: {  	v49 =	vor.u32 $0x80, v38;
	v26 =	vsel vm5, v57, v39;
	v35 =	vld.idx.msk [tilespmem:v61+s26+$0x0], $0xffff;
	v60 =	vadd.s32 v43, v6  }
0xda: {  	v61 =	vmin.u32 v60, $0xFF;
	v45 =	vld.idx.msk [tilespmem:v48+s26+$0x0], $0xffff;
	v48 =	vsel vm3, $0x1, v63;
	vm3 =	vmmov vm15  }
0xdb: {  	s28 =	simm.s32 $0x4D40;
	v53 =	vld.idx.msk [tilespmem:v41+s26+$0x0], $0xffff;
	vm4 =	vlt.f32 v30, v13;
	v52 =	vsel vm3, $0x3F800000, v50;
	v32 =	vadd.s32 v48, v32  }
0xdc: {  	v36 =	vld.idx.msk [tilespmem:v36+s26+$0x0], $0xffff;
	[tilespmem:s28+$0xFFFFFFD0] =	vst v4;
	v4 =	vor.u32 $0x40, v28;
	v62 =	vsub.f32 v22, v56;
	v22 =	vsub.f32 v22, v47  }
0xdd: {  	v30 =	vsel vm4, v58, v42;
	vm4 =	vlt.f32 v29, v14;
	v55 =	vmax.u32 v32, $0x1  }
0xde: {  	v40 =	vld.idx.msk [tilespmem:v40+s26+$0x0], $0xffff;
	v47 =	vimm.f32 $0.0e+00;
	[tilespmem:s28+$0xFFFFFFF0] =	vst v3;
	v3 =	vor.u32 $0x40, v27;
	v29 =	vsel vm4, v49, v38  }
0xdf: {  	v39 =	vsub.s32 v55, v7;
	v35 =	vsub.f32 v20, v35;
	vm4 =	vmmov vm14  }
0xe0: {  	[tilespmem:s28+$0xFFFFFFE0] =	vst v5;
	v24 =	vadd.f32 v52, v47;
	v52 =	vor.u32 $0x3F, v23;
	v5 =	vor.u32 $0x40, v30  }
0xe1: {  	v37 =	vmul.f32 v62, v62;
	v22 =	vmul.f32 v22, v22;
	v20 =	vsub.f32 v20, v53  }
0xe2: {  	v53 =	vmin.u32 v2, $0xFF;
	v54 =	vsub.f32 v21, v45;
	v35 =	vmul.f32 v35, v35  }
0xe3: {  	v45 =	vmax.u32 v60, $0x1;
	v22 =	vmin.f32 v37, v22;
	v36 =	vsub.f32 v21, v36  }
0xe4: {  	v21 =	vadd.s32 v44, v31;
	v31 =	vmin.u32 v32, $0xFF;
	v20 =	vmul.f32 v20, v20  }
0xe5: {  	v41 =	vsub.s32 v45, v7;
	v56 =	vmin.u32 v21, $0xFF;
	v57 =	vmax.u32 v21, $0x1  }
0xe6: {  	v22 =	vnsel vm3, $0x0, v22;
	v38 =	vmul.f32 v54, v54;
	v42 =	vsub.s32 v57, v7  }
0xe7: {  	vm3 =	vmmov vm8;
	v54 =	vmax.u32 v2, $0x1;
	v36 =	vmul.f32 v36, v36  }
0xe8: {  	v58 =	vsel vm3, $0x3F800000, v50;
	v39 =	vld.idx.msk [tilespmem:v39+s26+$0x0], $0xffff;
	v20 =	vmin.f32 v20, v35;
	v22 =	vadd.f32 v22, v47  }
0xe9: {  	v57 =	vor.u32 $0x40, v23;
	v24 =	vadd.f32 v58, v24;
	v36 =	vmin.f32 v36, v38;
	v6 =	vld.idx.msk [tilespmem:v31+s26+$0x0], $0xffff  }
0xea: {  	v36 =	vnsel vm3, $0x0, v36;
	v31 =	vsub.f32 v19, v34;
	v19 =	vsub.f32 v19, v40;
	v62 =	vld.idx.msk [tilespmem:v56+s26+$0x0], $0xffff  }
0xeb: {  	v38 =	vor.u32 $0x40, v25;
	vm3 =	vmmov vm12;
	v22 =	vadd.f32 v36, v22;
	v42 =	vld.idx.msk [tilespmem:v42+s26+$0x0], $0xffff  }
0xec: {  	v34 =	vld.idx.msk [tilespmem:v61+s26+$0x0], $0xffff;
	v20 =	vnsel vm3, $0x0, v20;
	v19 =	vmul.f32 v19, v19;
	v31 =	vmul.f32 v31, v31  }
0xed: {  	v61 =	vor.u32 $0x3F, v29;
	v20 =	vadd.f32 v20, v22;
	v22 =	vsub.s32 v54, v7  }
0xee: {  	v48 =	vld.idx.msk [tilespmem:v41+s26+$0x0], $0xffff;
	v19 =	vmin.f32 v19, v31;
	v6 =	vsub.f32 v18, v6;
	v18 =	vsub.f32 v18, v39  }
0xef: {  	v46 =	vsel vm3, $0x3F800000, v50;
	v19 =	vnsel vm4, $0x0, v19;
	v49 =	vsub.f32 v17, v62  }
0xf0: {  	v17 =	vsub.f32 v17, v42;
	v18 =	vmul.f32 v18, v18;
	v6 =	vmul.f32 v6, v6  }
0xf1: {  	v31 =	vsel vm4, $0x3F800000, v50;
	v34 =	vsub.f32 v16, v34;
	v19 =	vadd.f32 v19, v20  }
0xf2: {  	v56 =	vld.idx.msk [tilespmem:v53+s26+$0x0], $0xffff;
	v20 =	vmul.f32 v49, v49;
	v6 =	vmin.f32 v18, v6;
	v17 =	vmul.f32 v17, v17  }
0xf3: {  	v22 =	vld.idx.msk [tilespmem:v22+s26+$0x0], $0xffff;
	v55 =	vnsel vm1, $0x0, v6;
	v6 =	vsub.f32 v16, v48;
	v16 =	vadd.f32 v46, v24  }
0xf4: {  	v34 =	vmul.f32 v34, v34;
	[tilespmem:s28+$0x30] =	vst v2;
	v2 =	vor.u32 $0x3F, v30;
	v18 =	vsel vm1, $0x3F800000, v50;
	v24 =	vld.idx.msk [tilespmem:v52+s26+$0x0], $0xffff  }
0xf5: {  	vm1 =	vmmov vm11;
	v17 =	vmin.f32 v17, v20;
	v16 =	vadd.f32 v31, v16  }
0xf6: {  	v19 =	vadd.f32 v55, v19;
	v6 =	vmul.f32 v6, v6;
	v31 =	vor.u32 $0x3F, v0  }
0xf7: {  	v17 =	vnsel vm1, $0x0, v17;
	v16 =	vadd.f32 v18, v16;
	v18 =	vor.u32 $0x3F, v25  }
0xf8: {  	v20 =	vsel vm1, $0x3F800000, v50;
	v17 =	vadd.f32 v17, v19;
	v6 =	vmin.f32 v6, v34  }
0xf9: {  	v19 =	vor.u32 $0x3F, v27;
	vm1 =	vlt.f32 v24, v9;
	v58 =	vnsel vm0, $0x0, v6  }
0xfa: {  	v6 =	vsel vm1, v57, v23;
	v23 =	vsub.f32 v15, v56;
	v15 =	vsub.f32 v15, v22  }
0xfb: {  	[tilespmem:s28+$0x20] =	vst v60;
	v60 =	vor.u32 $0x3F, v26;
	v22 =	vor.u32 $0x3F, v28;
	v16 =	vadd.f32 v20, v16;
	v31 =	vld.idx.msk [tilespmem:v31+s26+$0x0], $0xffff  }
0xfc: {  	v24 =	vsel vm0, $0x3F800000, v50;
	v15 =	vmul.f32 v15, v15;
	v20 =	vmul.f32 v23, v23;
	v62 =	vld.idx.msk [tilespmem:v18+s26+$0x0], $0xffff  }
0xfd: {  	[tilespmem:s28+$0x10] =	vst v21;
	v21 =	vld.idx.msk [tilespmem:v61+s26+$0x0], $0xffff;
	vm0 =	vmmov vm10;
	v17 =	vadd.f32 v58, v17;
	v16 =	vadd.f32 v24, v16  }
0xfe: {  	[tilespmem:s28+$0xFFFFFFC0] =	vst v1;
	v1 =	vsel vm0, $0x3F800000, v50;
	v23 =	vld.idx.msk [tilespmem:v19+s26+$0x0], $0xffff;
	v19 =	vor.u32 $0x40, v29;
	v15 =	vmin.f32 v15, v20  }
0xff: {  	v24 =	vld.idx.msk [tilespmem:v2+s26+$0x0], $0xffff;
	v18 =	vor.u32 $0x40, v0;
	v36 =	vadd.f32 v1, v16;
	v15 =	vnsel vm0, $0x0, v15  }
0x100: {  	v20 =	vor.u32 $0x40, v26;
	v22 =	vld.idx.msk [tilespmem:v22+s26+$0x0], $0xffff;
	vm0 =	vlt.f32 v31, v10;
	v35 =	vadd.f32 v15, v17  }
0x101: {  	s30 =	simm.s32 $0x8;
	s31 =	simm.s32 $0x340;
	s29 =	simm.s32 $0x0;
	[tilespmem:s28+$0x0] =	vst v32;
	v17 =	vor.u32 $0x1F, v6;
	v0 =	vsel vm0, v18, v0;
	v18 =	vld.idx.msk [tilespmem:v60+s26+$0x0], $0xffff;
	vm0 =	vlt.f32 v62, v59  }
.LBB2_4:
0x102: {  	vm6 =	vmmov vm7;
	v2 =	vimm.s32 $0x0;
	vm8 =	vmmov vm2  }
0x103: {  	vm10 =	vmmov vm13;
	v7 =	vimm.s32 $0x0;
	v2 =	vsel vm6, $0xFFFFFFFF, v2  }
0x104: {  	vm12 =	vmmov vm9;
	v7 =	vsel vm10, $0xFFFFFFFF, v7;
	[tilespmem:$0x1FFA0] =	vst v2;
	v2 =	vimm.s32 $0x0  }
0x105: {  	[tilespmem:$0x1FF60] =	vst v7;
	v7 =	vld [tilespmem:$0x1FFC0];
	v2 =	vsel vm8, $0xFFFFFFFF, v2;
	vm1 =	vlt.f32 v22, v12;
	v22 =	vsel vm0, v38, v25  }
0x106: {  	v25 =	vor.u32 $0x1F, v0;
	[tilespmem:$0x1FF90] =	vst v2;
	v2 =	vimm.s32 $0x0;
	vm0 =	vlt.f32 v23, v51  }
0x107: {  	v1 =	vld [tilespmem:s31+$0x30];
	v2 =	vsel vm12, $0xFFFFFFFF, v2;
	v23 =	vsel vm1, v4, v28;
	v28 =	vor.u32 $0x1F, v22  }
0x108: {  	v17 =	vld.idx.msk [tilespmem:v17+s29+$0x0], $0xffff;
	vm1 =	vlt.f32 v24, v13;
	v24 =	vsel vm0, v3, v27;
	vm0 =	vlt.f32 v18, v11  }
0x109: {  	v4 =	vld [tilespmem:s31+$0x10];
	v27 =	vor.u32 $0x1F, v23;
	v18 =	vsel vm1, v5, v30;
	v5 =	vor.u32 $0x1F, v24  }
0x10a: {  	v3 =	vld [tilespmem:s31+$0x0];
	vm1 =	vlt.f32 v21, v14;
	v20 =	vsel vm0, v20, v26;
	vm0 =	vnez.u8 v7  }
0x10b: {  	[tilespmem:$0x1FF80] =	vst v2;
	v2 =	vld [tilespmem:s31+$0x20];
	v19 =	vsel vm1, v19, v29;
	v7 =	vimm.s32 $0x0;
	vm9 =	vmmov vm0  }
0x10c: {  	v29 =	vor.u32 $0x1F, v19;
	v25 =	vld.idx.msk [tilespmem:v25+s29+$0x0], $0xffff;
	v7 =	vsel vm9, $0xFFFFFFFF, v7  }
0x10d: {  	v31 =	vor.u32 $0x20, v0;
	v34 =	vor.u32 $0x20, v22;
	v21 =	vor.u32 $0x1F, v18;
	[tilespmem:$0x1FF70] =	vst v7;
	v7 =	vld [tilespmem:$0x1FFE0]  }
0x10e: {  	vm3 =	vlt.f32 v17, v9;
	v32 =	vor.u32 $0x20, v24;
	v33 =	vor.u32 $0x20, v23;
	v28 =	vld.idx.msk [tilespmem:v28+s29+$0x0], $0xffff  }
0x10f: {  	v26 =	vor.u32 $0x1F, v20;
	v43 =	vor.u32 $0x20, v20;
	v44 =	vor.u32 $0x20, v18;
	v27 =	vld.idx.msk [tilespmem:v27+s29+$0x0], $0xffff  }
0x110: {  	vm15 =	vge.f32 v4, $1.000000050e-03;
	vm7 =	vge.f32 v3, $1.000000050e-03;
	v30 =	vld.idx.msk [tilespmem:v5+s29+$0x0], $0xffff;
	v5 =	vor.u32 $0x20, v6  }
0x111: {  	vm14 =	vge.f32 v2, $1.000000050e-03;
	v37 =	vsel vm3, v5, v6;
	v17 =	vld.idx.msk [tilespmem:v29+s29+$0x0], $0xffff;
	v29 =	vor.u32 $0x20, v19  }
0x112: {  	v21 =	vld.idx.msk [tilespmem:v21+s29+$0x0], $0xffff;
	v48 =	vadd.s32 $0x10, v37;
	vm4 =	vlt.f32 v25, v10;
	vm0 =	vnez.u8 v7  }
0x113: {  	v7 =	vimm.s32 $0x0;
	vm3 =	vlt.f32 v28, v59;
	v28 =	vsel vm4, v31, v0  }
0x114: {  	v26 =	vld.idx.msk [tilespmem:v26+s29+$0x0], $0xffff;
	v31 =	vadd.s32 $0xF, v37;
	vm11 =	vmmov vm0;
	vm0 =	vge.f32 v1, $1.000000050e-03  }
0x115: {  	vm4 =	vlt.f32 v27, v12;
	v22 =	vsel vm3, v34, v22;
	v27 =	vadd.s32 $0xF, v28  }
0x116: {  	vm3 =	vlt.f32 v30, v51;
	v7 =	vsel vm11, $0xFFFFFFFF, v7;
	v23 =	vsel vm4, v33, v23  }
0x117: {  	v25 =	vld [tilespmem:s31+$0xFFFFFFE0];
	v30 =	vadd.s32 $0xF, v22;
	vm4 =	vlt.f32 v21, v13;
	[tilespmem:$0x1FF10] =	vst v7;
	v7 =	vimm.s32 $0x0  }
0x118: {  	v0 =	vld [tilespmem:s31+$0xFFFFFFC0];
	v21 =	vsel vm3, v32, v24;
	v24 =	vadd.s32 $0xF, v23;
	v7 =	vsel vm0, $0xFFFFFFFF, v7  }
0x119: {  	vm3 =	vlt.f32 v26, v11;
	v18 =	vsel vm4, v44, v18;
	v26 =	vadd.s32 $0xF, v21;
	[tilespmem:$0x1FEF0] =	vst v7;
	v7 =	vld [tilespmem:$0x1FFD0]  }
0x11a: {  	vm4 =	vlt.f32 v17, v14;
	v20 =	vsel vm3, v43, v20;
	v45 =	vadd.s32 $0xF, v18;
	v31 =	vld.idx.msk [tilespmem:v31+s29+$0x0], $0xffff  }
0x11b: {  	v47 =	vadd.s32 $0x10, v28;
	v19 =	vsel vm4, v29, v19;
	v29 =	vadd.s32 $0xF, v20;
	v27 =	vld.idx.msk [tilespmem:v27+s29+$0x0], $0xffff  }
0x11c: {  	v39 =	vadd.s32 $0x10, v22;
	v49 =	vadd.s32 $0x10, v21;
	v52 =	vadd.s32 $0x10, v23;
	v30 =	vld.idx.msk [tilespmem:v30+s29+$0x0], $0xffff  }
0x11d: {  	vm5 =	vge.f32 v25, $1.000000050e-03;
	v40 =	vadd.s32 $0x10, v20;
	v46 =	vadd.s32 $0xF, v19;
	v24 =	vld.idx.msk [tilespmem:v24+s29+$0x0], $0xffff  }
0x11e: {  	v41 =	vadd.s32 $0x10, v18;
	vm13 =	vge.f32 v0, $1.000000050e-03;
	v53 =	vadd.s32 $0x10, v19;
	v26 =	vld.idx.msk [tilespmem:v26+s29+$0x0], $0xffff  }
0x11f: {  	v32 =	vld.idx.msk [tilespmem:v45+s29+$0x0], $0xffff;
	vm0 =	vnez.u8 v7;
	v7 =	vimm.s32 $0x0;
	vm3 =	vlt.f32 v31, v9  }
0x120: {  	v29 =	vld.idx.msk [tilespmem:v29+s29+$0x0], $0xffff;
	vm2 =	vmmov vm0;
	vm4 =	vlt.f32 v27, v10;
	v27 =	vsel vm3, v48, v37  }
0x121: {  	v7 =	vsel vm2, $0xFFFFFFFF, v7;
	vm3 =	vlt.f32 v30, v59;
	v28 =	vsel vm4, v47, v28  }
0x122: {  	v31 =	vld.idx.msk [tilespmem:v46+s29+$0x0], $0xffff;
	v30 =	vadd.s32 $0x7, v27;
	v43 =	vadd.s32 $0x8, v27;
	vm4 =	vlt.f32 v24, v12  }
0x123: {  	[tilespmem:$0x1FF40] =	vst v7;
	v7 =	vld [tilespmem:$0x1FFF0];
	v54 =	vsel vm3, v39, v22;
	v22 =	vadd.s32 $0x7, v28;
	vm3 =	vlt.f32 v26, v51  }
0x124: {  	v42 =	vadd.s32 $0x8, v28;
	v26 =	vsel vm4, v52, v23;
	v23 =	vadd.s32 $0x7, v54  }
0x125: {  	vm4 =	vlt.f32 v32, v13;
	v32 =	vsel vm3, v49, v21;
	vm3 =	vlt.f32 v29, v11  }
0x126: {  	v5 =	vld [tilespmem:s31+$0xFFFFFFF0];
	v21 =	vsel vm10, $0x3F800000, v50;
	v46 =	vadd.s32 $0x8, v54;
	v24 =	vadd.s32 $0x7, v26  }
0x127: {  	v29 =	vsel vm4, v41, v18;
	v55 =	vadd.s32 $0x7, v32;
	vm4 =	vlt.f32 v31, v14  }
0x128: {  	v31 =	vsel vm3, v40, v20;
	v18 =	vsel vm8, $0x3F800000, v50;
	vm0 =	vnez.u8 v7  }
0x129: {  	v6 =	vld [tilespmem:s31+$0xFFFFFFD0];
	v20 =	vsel vm9, $0x3F800000, v50;
	v7 =	vimm.s32 $0x0;
	vm1 =	vmmov vm0  }
0x12a: {  	v44 =	vadd.s32 $0x8, v32;
	v45 =	vadd.s32 $0x8, v26;
	v30 =	vld.idx.msk [tilespmem:v30+s29+$0x0], $0xffff;
	v7 =	vsel vm1, $0xFFFFFFFF, v7  }
0x12b: {  	v56 =	vadd.s32 $0x7, v29;
	v58 =	vld.idx.msk [tilespmem:v22+s29+$0x0], $0xffff;
	vm0 =	vge.f32 v5, $1.000000050e-03;
	[tilespmem:$0x1FF50] =	vst v7;
	v7 =	vimm.s32 $0x0  }
0x12c: {  	v33 =	vsel vm4, v53, v19;
	v57 =	vadd.s32 $0x7, v31;
	v61 =	vld.idx.msk [tilespmem:v23+s29+$0x0], $0xffff;
	v7 =	vsel vm0, $0xFFFFFFFF, v7  }
0x12d: {  	v19 =	vsel vm12, $0x3F800000, v50;
	v47 =	vadd.s32 $0x8, v31;
	v62 =	vld.idx.msk [tilespmem:v24+s29+$0x0], $0xffff;
	[tilespmem:$0x1FF00] =	vst v7;
	v7 =	vsel vm6, $0x3F800000, v50  }
0x12e: {  	v48 =	vadd.s32 $0x8, v29;
	v60 =	vadd.s32 $0x7, v33;
	v23 =	vsel vm2, $0x3F800000, v50;
	[tilespmem:$0x1FFB0] =	vst v7;
	v7 =	vld [tilespmem:$0x1FEF0]  }
0x12f: {  	v22 =	vsel vm1, $0x3F800000, v50;
	v24 =	vsel vm11, $0x3F800000, v50;
	vm0 =	vge.f32 v6, $1.000000050e-03  }
0x130: {  	[tilespmem:$0x1FF20] =	vst v35;
	v35 =	vld.idx.msk [tilespmem:v55+s29+$0x0], $0xffff;
	vm3 =	vlt.f32 v30, v9;
	v50 =	vadd.s32 $0x8, v33;
	vm4 =	vlt.f32 v58, v10  }
0x131: {  	[tilespmem:$0x1FF30] =	vst v36;
	v36 =	vld.idx.msk [tilespmem:v56+s29+$0x0], $0xffff;
	v27 =	vsel vm3, v43, v27;
	v34 =	vnsel vm0, $0x501502F9, v6;
	v28 =	vsel vm4, v42, v28  }
0x132: {  	v37 =	vld.idx.msk [tilespmem:v57+s29+$0x0], $0xffff;
	vm3 =	vlt.f32 v61, v59;
	vm4 =	vlt.f32 v62, v12;
	v53 =	vadd.s32 $0x3, v28  }
0x133: {  	v30 =	vld.idx.msk [tilespmem:v60+s29+$0x0], $0xffff;
	v26 =	vsel vm4, v45, v26;
	vm12 =	vnez.u8 v7;
	v7 =	vimm.s32 $0x0  }
0x134: {  	v52 =	vadd.s32 $0x3, v27;
	v56 =	vadd.s32 $0x3, v26;
	v7 =	vsel vm5, $0xFFFFFFFF, v7  }
0x135: {  	v40 =	vsel vm3, v46, v54;
	vm3 =	vlt.f32 v35, v51;
	v35 =	vnsel vm7, $0x501502F9, v3;
	[tilespmem:$0x1FFF0] =	vst v7;
	v7 =	vld [tilespmem:$0x1FF00]  }
0x136: {  	v6 =	vadd.s32 $0x4, v28;
	v54 =	vadd.s32 $0x3, v40;
	vm4 =	vlt.f32 v36, v13  }
0x137: {  	v55 =	vsel vm3, v44, v32;
	vm3 =	vlt.f32 v37, v11;
	v37 =	vnsel vm14, $0x501502F9, v2;
	v61 =	vld.idx.msk [tilespmem:v53+s29+$0x0], $0xffff  }
0x138: {  	v29 =	vsel vm4, v48, v29;
	vm4 =	vlt.f32 v30, v14;
	v30 =	vsel vm3, v47, v31  }
0x139: {  	v57 =	vadd.s32 $0x3, v55;
	v58 =	vadd.s32 $0x3, v29;
	v60 =	vadd.s32 $0x3, v30;
	v3 =	vld.idx.msk [tilespmem:v56+s29+$0x0], $0xffff  }
0x13a: {  	v36 =	vnsel vm12, $0x501502F9, v1;
	v1 =	vsel vm4, v50, v33;
	vm11 =	vnez.u8 v7  }
0x13b: {  	v38 =	vld.idx.msk [tilespmem:v52+s29+$0x0], $0xffff;
	v33 =	vnsel vm15, $0x501502F9, v4;
	v32 =	vnsel vm11, $0x501502F9, v5;
	v5 =	vimm.s32 $0x0  }
0x13c: {  	vm4 =	vlt.f32 v61, v10;
	v7 =	vimm.s32 $0xFF;
	v5 =	vsel vm7, $0xFFFFFFFF, v5  }
0x13d: {  	v2 =	vadd.s32 $0x3, v1;
	v4 =	vld.idx.msk [tilespmem:v54+s29+$0x0], $0xffff;
	v6 =	vsel vm4, v6, v28;
	[tilespmem:$0x1FFC0] =	vst v5;
	v5 =	vimm.s32 $0x0  }
0x13e: {  	v62 =	vld.idx.msk [tilespmem:v58+s29+$0x0], $0xffff;
	vm4 =	vlt.f32 v3, v12;
	v3 =	vadd.s32 $0x1, v6;
	v5 =	vsel vm0, $0xFFFFFFFF, v5  }
0x13f: {  	v0 =	vnsel vm13, $0x501502F9, v0;
	v46 =	vadd.s32 $0x4, v40;
	v31 =	vnsel vm5, $0x501502F9, v25;
	[tilespmem:$0x1FFD0] =	vst v5;
	v5 =	vld.idx.msk [tilespmem:v57+s29+$0x0], $0xffff  }
0x140: {  	v25 =	vadd.s32 $0x4, v27;
	v47 =	vadd.s32 $0x4, v30;
	v39 =	vld.idx.msk [tilespmem:v60+s29+$0x0], $0xffff;
	vm3 =	vlt.f32 v38, v9  }
0x141: {  	v48 =	vadd.s32 $0x4, v29;
	v52 =	vadd.s32 $0x4, v55;
	v25 =	vsel vm3, v25, v27;
	v27 =	vld.idx.msk [tilespmem:v7+s26+$0x0], $0xffff  }
0x142: {  	v53 =	vadd.s32 $0x4, v26;
	v54 =	vadd.s32 $0x4, v1;
	v2 =	vld.idx.msk [tilespmem:v2+s29+$0x0], $0xffff;
	vm3 =	vlt.f32 v4, v59  }
0x143: {  	v4 =	vadd.s32 $0x1, v25;
	v28 =	vsel vm3, v46, v40;
	v61 =	vld.idx.msk [tilespmem:v3+s29+$0x0], $0xffff;
	v3 =	vimm.s32 $0x0  }
0x144: {  	v7 =	vimm.s32 $0x0;
	v3 =	vsel vm13, $0xFFFFFFFF, v3;
	vm3 =	vlt.f32 v5, v51  }
0x145: {  	v5 =	vsel vm4, v53, v26;
	v26 =	vadd.s32 $0x1, v28;
	vm4 =	vlt.f32 v62, v13  }
0x146: {  	vm5 =	vlt.f32 v27, v32;
	vm6 =	vlt.f32 v27, v34;
	v40 =	vsel vm3, v52, v55  }
0x147: {  	v55 =	vadd.s32 $0x1, v5;
	vm3 =	vlt.f32 v39, v11;
	v29 =	vsel vm4, v48, v29  }
0x148: {  	vm4 =	vlt.f32 v2, v14;
	v48 =	vsel vm6, $0x100, v63;
	v56 =	vadd.s32 $0x1, v40  }
0x149: {  	v58 =	vld.idx.msk [tilespmem:v4+s29+$0x0], $0xffff;
	v30 =	vsel vm3, v47, v30;
	v57 =	vadd.s32 $0x1, v29;
	vm3 =	vlt.f32 v27, v36  }
0x14a: {  	v38 =	vsel vm4, v54, v1;
	vm4 =	vlt.f32 v27, v37;
	v60 =	vadd.s32 $0x1, v30  }
0x14b: {  	v2 =	vsel vm3, $0x100, v63;
	v62 =	vadd.s32 $0x1, v38;
	vm3 =	vlt.f32 v27, v33;
	v26 =	vld.idx.msk [tilespmem:v26+s29+$0x0], $0xffff  }
0x14c: {  	v1 =	vsel vm4, $0x100, v63;
	vm4 =	vlt.f32 v27, v35;
	v52 =	vor.u32 $0x7F, v2;
	v41 =	vld.idx.msk [tilespmem:v55+s29+$0x0], $0xffff  }
0x14d: {  	[tilespmem:$0x1FFE0] =	vst v3;
	v4 =	vsel vm3, $0x100, v63;
	v53 =	vor.u32 $0x7F, v1;
	v3 =	vsel vm4, $0x100, v63;
	v39 =	vld.idx.msk [tilespmem:v56+s29+$0x0], $0xffff  }
0x14e: {  	vm3 =	vlt.f32 v58, v9;
	vm4 =	vlt.f32 v61, v10;
	v49 =	vor.u32 $0x7F, v4;
	v42 =	vld.idx.msk [tilespmem:v57+s29+$0x0], $0xffff  }
0x14f: {  	v58 =	vadd.s32 $0x2, v40;
	v54 =	vor.u32 $0x7F, v3;
	v55 =	vadd.s32 $0x2, v25;
	v44 =	vld.idx.msk [tilespmem:v60+s29+$0x0], $0xffff  }
0x150: {  	v61 =	vadd.s32 $0x2, v30;
	v56 =	vadd.s32 $0x2, v6;
	v25 =	vsel vm3, v55, v25;
	v46 =	vld.idx.msk [tilespmem:v62+s29+$0x0], $0xffff  }
0x151: {  	v6 =	vsel vm4, v56, v6;
	v43 =	vld.idx.msk [tilespmem:v52+s26+$0x0], $0xffff;
	vm3 =	vlt.f32 v26, v59;
	v26 =	vadd.s32 $0x2, v28  }
0x152: {  	v57 =	vadd.s32 $0x2, v5;
	v45 =	vld.idx.msk [tilespmem:v53+s26+$0x0], $0xffff;
	vm4 =	vlt.f32 v41, v12;
	v26 =	vsel vm3, v26, v28  }
0x153: {  	v60 =	vadd.s32 $0x2, v29;
	v28 =	vld.idx.msk [tilespmem:v49+s26+$0x0], $0xffff;
	vm3 =	vlt.f32 v39, v51;
	v5 =	vsel vm4, v57, v5  }
0x154: {  	v62 =	vadd.s32 $0x2, v38;
	v41 =	vld.idx.msk [tilespmem:v54+s26+$0x0], $0xffff;
	vm4 =	vlt.f32 v42, v13;
	v39 =	vsel vm3, v58, v40  }
0x155: {  	v42 =	vld.idx.msk [tilespmem:v25+s29+$0x0], $0xffff;
	vm3 =	vlt.f32 v44, v11;
	v29 =	vsel vm4, v60, v29;
	vm4 =	vlt.f32 v46, v14  }
0x156: {  	v40 =	vld.idx.msk [tilespmem:v6+s29+$0x0], $0xffff;
	v30 =	vsel vm3, v61, v30;
	v38 =	vsel vm4, v62, v38;
	vm4 =	vlt.f32 v27, v0  }
0x157: {  	v15 =	vor.u32 $0x7F, v48;
	vm3 =	vlt.f32 v27, v31;
	v47 =	vsel vm4, $0x100, v63;
	v44 =	vld.idx.msk [tilespmem:v26+s29+$0x0], $0xffff  }
0x158: {  	v27 =	vsel vm5, $0x100, v63;
	v49 =	vsel vm3, $0x100, v63;
	v63 =	vor.u32 $0x7F, v47;
	v46 =	vld.idx.msk [tilespmem:v5+s29+$0x0], $0xffff  }
0x159: {  	v8 =	vmovc v51;
	v52 =	vor.u32 $0x80, v1;
	v51 =	vor.u32 $0x80, v4;
	v61 =	vor.u32 $0x7F, v27;
	v50 =	vld.idx.msk [tilespmem:v39+s29+$0x0], $0xffff  }
0x15a: {  	vm5 =	vlt.f32 v45, v37;
	vm6 =	vlt.f32 v43, v36;
	v16 =	vor.u32 $0x7F, v49;
	v54 =	vld.idx.msk [tilespmem:v29+s29+$0x0], $0xffff  }
0x15b: {  	vm4 =	vlt.f32 v28, v33;
	vm8 =	vlt.f32 v42, v9;
	vm7 =	vlt.f32 v40, v10;
	v58 =	vld.idx.msk [tilespmem:v30+s29+$0x0], $0xffff  }
0x15c: {  	vm3 =	vlt.f32 v41, v35;
	v28 =	vsel vm8, $0x1, v7;
	v62 =	vld.idx.msk [tilespmem:v38+s29+$0x0], $0xffff;
	v40 =	vsel vm7, $0x1, v7  }
0x15d: {  	v41 =	vadd.s32 v28, v25;
	vm0 =	vlt.f32 v44, v59;
	v44 =	vld.idx.msk [tilespmem:v63+s26+$0x0], $0xffff;
	v63 =	vimm.s32 $0x0  }
0x15e: {  	v25 =	vld.idx.msk [tilespmem:v61+s26+$0x0], $0xffff;
	vm10 =	vlt.f32 v46, v12;
	v28 =	vsel vm0, $0x1, v7;
	vm9 =	vlt.f32 v50, v8  }
0x15f: {  	vm1 =	vlt.f32 v54, v13;
	v46 =	vsel vm10, $0x1, v7;
	v43 =	vadd.s32 v28, v26  }
0x160: {  	v15 =	vld.idx.msk [tilespmem:v15+s26+$0x0], $0xffff;
	vm2 =	vlt.f32 v58, v11;
	v28 =	vsel vm9, $0x1, v7;
	v5 =	vadd.s32 v46, v5  }
0x161: {  	v46 =	vadd.s32 v28, v39;
	v28 =	vmin.u32 v5, $0xFF;
	v54 =	vsel vm2, $0x1, v63  }
0x162: {  	v6 =	vadd.s32 v40, v6;
	vm8 =	vlt.f32 v62, v14;
	v54 =	vadd.s32 v54, v30  }
0x163: {  	v58 =	vsel vm8, $0x1, v63;
	vm8 =	vlt.f32 v25, v32;
	v25 =	vmin.u32 v54, $0xFF  }
0x164: {  	v57 =	vor.u32 $0x80, v3;
	v1 =	vsel vm5, v52, v1;
	v26 =	vmin.u32 v6, $0xFF  }
0x165: {  	v16 =	vld.idx.msk [tilespmem:v16+s26+$0x0], $0xffff;
	vm10 =	vlt.f32 v15, v34;
	v7 =	vimm.s32 $0x1;
	v50 =	vsel vm1, $0x1, v63  }
0x166: {  	v45 =	vadd.s32 v50, v29;
	v29 =	vmin.u32 v46, $0xFF;
	v15 =	vld.idx.msk [tilespmem:v28+s29+$0x0], $0xffff;
	v28 =	vmax.u32 v6, $0x1  }
0x167: {  	v30 =	vmin.u32 v45, $0xFF;
	v50 =	vadd.s32 v58, v38;
	v38 =	vsub.s32 v28, v7  }
0x168: {  	v28 =	vmax.u32 v5, $0x1;
	v52 =	vld.idx.msk [tilespmem:v25+s29+$0x0], $0xffff;
	v25 =	vsel vm4, v51, v4;
	v4 =	vmax.u32 v46, $0x1  }
0x169: {  	v61 =	vsub.s32 v28, v7;
	v28 =	vsel vm3, v57, v3;
	v57 =	vsub.s32 v4, v7  }
0x16a: {  	v53 =	vor.u32 $0x80, v2  }
0x16b: {  	vm7 =	vlt.f32 v16, v31;
	v16 =	vmin.u32 v50, $0xFF;
	v58 =	vld.idx.msk [tilespmem:v26+s29+$0x0], $0xffff;
	v26 =	vmax.u32 v41, $0x1  }
0x16c: {  	v2 =	vsel vm6, v53, v2;
	v26 =	vsub.s32 v26, v7;
	v53 =	vld.idx.msk [tilespmem:v30+s29+$0x0], $0xffff;
	v30 =	vmax.u32 v50, $0x1  }
0x16d: {  	v55 =	vor.u32 $0x80, v49;
	vm9 =	vlt.f32 v44, v0;
	v44 =	vld.idx.msk [tilespmem:v29+s29+$0x0], $0xffff;
	v51 =	vsub.s32 v30, v7  }
0x16e: {  	v29 =	vmax.u32 v43, $0x1;
	v30 =	vsel vm7, v55, v49;
	v55 =	vld.idx.msk [tilespmem:v57+s29+$0x0], $0xffff  }
0x16f: {  	v29 =	vsub.s32 v29, v7  }
0x170: {  	v16 =	vld.idx.msk [tilespmem:v16+s29+$0x0], $0xffff  }
0x171: {  	v62 =	vld.idx.msk [tilespmem:v26+s29+$0x0], $0xffff  }
0x172: {  	v51 =	vld.idx.msk [tilespmem:v51+s29+$0x0], $0xffff  }
0x173: {  	v60 =	vor.u32 $0x80, v48;
	v44 =	vsub.f32 v8, v44;
	v55 =	vsub.f32 v8, v55;
	v8 =	vld [tilespmem:$0x1FF10]  }
0x174: {  	v26 =	vsel vm10, v60, v48;
	v60 =	vld.idx.msk [tilespmem:v29+s29+$0x0], $0xffff;
	_ =	sdelay $0x1  }
0x175: {  	v17 =	vor.u32 $0x80, v47;
	v40 =	vmin.u32 v41, $0xFF  }
0x176: {  	v29 =	vsel vm9, v17, v47;
	v16 =	vsub.f32 v14, v16;
	v17 =	vsub.f32 v14, v51  }
0x177: {  	vm0 =	vnez.u8 v8;
	v8 =	vld [tilespmem:$0x1FF20]  }
0x178: {  	v16 =	vmul.f32 v16, v16;
	v47 =	vsub.f32 v59, v60;
	v60 =	vmul.f32 v17, v17;
	_ =	sdelay $0x1  }
0x179: {  	s28 =	sadd.s32 $0x80, s28;
	v3 =	vmax.u32 v54, $0x1;
	v16 =	vmin.f32 v60, v16  }
0x17a: {  	v40 =	vld.idx.msk [tilespmem:v40+s29+$0x0], $0xffff;
	[tilespmem:s28+$0x30] =	vst v41;
	v41 =	vsub.s32 v3, v7;
	v16 =	vnsel vm0, $0x0, v16  }
0x17b: {  	v16 =	vadd.f32 v16, v8;
	v8 =	vld [tilespmem:$0x1FF30]  }
0x17c: {  	v56 =	vor.u32 $0x80, v27;
	v3 =	vmax.u32 v45, $0x1  }
0x17d: {  	v27 =	vsel vm8, v56, v27;
	v48 =	vsub.s32 v3, v7;
	v56 =	vld.idx.msk [tilespmem:v38+s29+$0x0], $0xffff  }
0x17e: {  	v61 =	vld.idx.msk [tilespmem:v61+s29+$0x0], $0xffff  }
0x17f: {  	v41 =	vld.idx.msk [tilespmem:v41+s29+$0x0], $0xffff  }
0x180: {  	v24 =	vadd.f32 v24, v8;
	v8 =	vld [tilespmem:$0x1FF40];
	_ =	sdelay $0x1  }
0x181: {  	v48 =	vld.idx.msk [tilespmem:v48+s29+$0x0], $0xffff  }
0x182: {  	v52 =	vsub.f32 v11, v52  }
0x183: {  	[tilespmem:s28+$0xFFFFFFD0] =	vst v54;
	v54 =	vsub.f32 v10, v58;
	v56 =	vsub.f32 v10, v56  }
0x184: {  	v10 =	vmovc v37;
	v37 =	vsub.f32 v12, v61;
	v61 =	vsub.f32 v11, v41;
	vm0 =	vnez.u8 v8;
	v8 =	vld [tilespmem:$0x1FF50]  }
0x185: {  	v53 =	vsub.f32 v13, v53;
	v58 =	vsub.f32 v9, v62  }
0x186: {  	v62 =	vsub.f32 v13, v48;
	v13 =	vmovc v31;
	v31 =	vmul.f32 v61, v61;
	v60 =	vmul.f32 v52, v52;
	_ =	sdelay $0x1  }
0x187: {  	v31 =	vmin.f32 v31, v60  }
0x188: {  	v31 =	vnsel vm0, $0x0, v31;
	vm0 =	vnez.u8 v8;
	v8 =	vld [tilespmem:$0x1FF60];
	_ =	sdelay $0x1  }
0x189: {  	v61 =	vmul.f32 v62, v62;
	v62 =	vmul.f32 v53, v53;
	_ =	sdelay $0x1  }
0x18a: {  	v42 =	vmin.u32 v43, $0xFF;
	v23 =	vadd.f32 v23, v24;
	v24 =	vmin.f32 v61, v62  }
0x18b: {  	v15 =	vsub.f32 v12, v15;
	v24 =	vnsel vm0, $0x0, v24;
	vm0 =	vnez.u8 v8;
	v8 =	vld [tilespmem:$0x1FF70]  }
0x18c: {  	v49 =	vmul.f32 v55, v55;
	v52 =	vmul.f32 v44, v44;
	v16 =	vadd.f32 v31, v16  }
0x18d: {  	v15 =	vmul.f32 v15, v15;
	v22 =	vadd.f32 v22, v23  }
0x18e: {  	v23 =	vmin.f32 v49, v52;
	v31 =	vmul.f32 v37, v37;
	v16 =	vadd.f32 v24, v16  }
0x18f: {  	v42 =	vld.idx.msk [tilespmem:v42+s29+$0x0], $0xffff;
	v21 =	vadd.f32 v21, v22;
	v23 =	vnsel vm0, $0x0, v23  }
0x190: {  	v15 =	vmin.f32 v31, v15;
	v16 =	vadd.f32 v23, v16;
	vm0 =	vnez.u8 v8;
	v8 =	vld [tilespmem:$0x1FF80]  }
0x191: {  	v14 =	vmov v0;
	v0 =	vor.u32 $0x3F, v26;
	v15 =	vnsel vm0, $0x0, v15  }
0x192: {  	v15 =	vadd.f32 v15, v16;
	v16 =	vadd.f32 v20, v21  }
0x193: {  	vm13 =	vmmov vm11  }
0x194: {  	vm2 =	vmmov vm14;
	v42 =	vsub.f32 v59, v42;
	v16 =	vadd.f32 v19, v16  }
0x195: {  	v39 =	vor.u32 $0x40, v1;
	[tilespmem:s28+$0xFFFFFFC0] =	vst v50;
	v50 =	vor.u32 $0x3F, v2;
	s29 =	smov.u32 s26;
	vm0 =	vnez.u8 v8;
	v8 =	vld [tilespmem:$0x1FF90]  }
0x196: {  	v53 =	vmul.f32 v42, v42;
	v24 =	vmul.f32 v47, v47;
	v16 =	vadd.f32 v18, v16;
	v18 =	vld.idx.msk [tilespmem:v0+s29+$0x0], $0xffff  }
0x197: {  	v40 =	vsub.f32 v9, v40;
	[tilespmem:s28+$0xFFFFFFF0] =	vst v46;
	v46 =	vor.u32 $0x3F, v1;
	v57 =	vor.u32 $0x3F, v25;
	v0 =	vld [tilespmem:$0x1FFA0]  }
0x198: {  	v60 =	vmul.f32 v54, v54;
	v23 =	vmul.f32 v56, v56;
	v20 =	vmin.f32 v24, v53  }
0x199: {  	[tilespmem:s28+$0x20] =	vst v6;
	v62 =	vmul.f32 v40, v40;
	v21 =	vmul.f32 v58, v58;
	v20 =	vnsel vm0, $0x0, v20  }
0x19a: {  	[tilespmem:s28+$0x10] =	vst v43;
	v24 =	vmin.f32 v23, v60;
	v15 =	vadd.f32 v20, v15;
	vm0 =	vnez.u8 v8  }
0x19b: {  	v43 =	vor.u32 $0x3F, v27;
	[tilespmem:s28+$0xFFFFFFE0] =	vst v45;
	v45 =	vor.u32 $0x3F, v28;
	v12 =	vmovc v35;
	v55 =	vld.idx.msk [tilespmem:v50+s29+$0x0], $0xffff;
	v35 =	vnsel vm0, $0x0, v24  }
0x19c: {  	v31 =	vld.idx.msk [tilespmem:v46+s29+$0x0], $0xffff;
	v21 =	vmin.f32 v21, v62;
	vm3 =	vnez.u8 v0;
	v15 =	vadd.f32 v35, v15  }
0x19d: {  	s30 =	sadd.s32 $0x8, s30;
	vm7 =	vmmov vm12;
	v9 =	vmovc v36;
	v36 =	vor.u32 $0x3F, v30;
	v61 =	vld.idx.msk [tilespmem:v57+s29+$0x0], $0xffff;
	v0 =	vnsel vm3, $0x0, v21  }
0x19e: {  	p1 =	slt.u32 s30, $0x4A8;
	v4 =	vor.u32 $0x40, v28;
	v11 =	vmovc v34;
	v34 =	vor.u32 $0x3F, v29;
	v35 =	vadd.f32 v0, v15;
	v0 =	vld [tilespmem:$0x1FFB0]  }
.Ltmp3:
0x19f: {  	v3 =	vor.u32 $0x40, v27;
	v6 =	vor.u32 $0x40, v2;
	v38 =	vor.u32 $0x40, v25;
	[tilespmem:s28+$0x0] =	vst v5;
	(pc) =	sbr.rel @p1 .LBB2_4-.Ltmp3, $4  }
0x1a0: {  	vm9 =	vmmov vm15;
	v5 =	vor.u32 $0x40, v30;
	v50 =	vimm.f32 $0.0e+00;
	v22 =	vld.idx.msk [tilespmem:v45+s29+$0x0], $0xffff  }
0x1a1: {  	v59 =	vmovc v33;
	vm1 =	vlt.f32 v31, v10;
	v23 =	vld.idx.msk [tilespmem:v43+s29+$0x0], $0xffff;
	v19 =	vor.u32 $0x40, v29;
	vm0 =	vlt.f32 v55, v9  }
0x1a2: {  	v20 =	vor.u32 $0x40, v26;
	v24 =	vld.idx.msk [tilespmem:v36+s29+$0x0], $0xffff;
	v6 =	vsel vm0, v6, v2;
	vm0 =	vlt.f32 v61, v59  }
0x1a3: {  	s31 =	sadd.s32 $0x80, s31;
	v51 =	vmovc v32;
	v21 =	vld.idx.msk [tilespmem:v34+s29+$0x0], $0xffff;
	v17 =	vor.u32 $0x1F, v6;
	v36 =	vadd.f32 v0, v16;
	v0 =	vsel vm1, v39, v1  }
0x1a4: {  	_ = 	snop  }
0x1a5: {  	v1 =	vsel vm0, v38, v25;
	v2 =	vor.u32 $0x1F, v0;
	vm1 =	vlt.f32 v22, v12  }
0x1a6: {  	v15 =	vor.u32 $0x1F, v1;
	vm4 =	vlt.f32 v23, v51;
	v4 =	vsel vm1, v4, v28  }
0x1a7: {  	vm5 =	vlt.f32 v24, v13;
	v3 =	vsel vm4, v3, v27;
	v16 =	vor.u32 $0x1F, v4  }
0x1a8: {  	vm6 =	vlt.f32 v18, v11;
	v5 =	vsel vm5, v5, v30;
	v18 =	vor.u32 $0x1F, v3  }
0x1a9: {  	v17 =	vld.idx.msk [tilespmem:v17+s29+$0x0], $0xffff;
	v20 =	vsel vm6, v20, v26;
	vm8 =	vlt.f32 v21, v14;
	v58 =	vor.u32 $0x1F, v5  }
0x1aa: {  	v60 =	vor.u32 $0x1F, v20;
	v19 =	vsel vm8, v19, v29;
	v2 =	vld.idx.msk [tilespmem:v2+s29+$0x0], $0xffff  }
0x1ab: {  	v61 =	vor.u32 $0x1F, v19;
	v15 =	vld.idx.msk [tilespmem:v15+s29+$0x0], $0xffff  }
0x1ac: {  	v62 =	vor.u32 $0x20, v0;
	v33 =	vor.u32 $0x20, v6;
	v16 =	vld.idx.msk [tilespmem:v16+s29+$0x0], $0xffff  }
0x1ad: {  	v38 =	vor.u32 $0x20, v1;
	v39 =	vor.u32 $0x20, v20;
	v37 =	vor.u32 $0x20, v4;
	v18 =	vld.idx.msk [tilespmem:v18+s29+$0x0], $0xffff  }
0x1ae: {  	v34 =	vor.u32 $0x20, v3;
	v30 =	vor.u32 $0x20, v5;
	vm10 =	vlt.f32 v17, v9;
	v21 =	vld.idx.msk [tilespmem:v58+s29+$0x0], $0xffff  }
0x1af: {  	v40 =	vor.u32 $0x20, v19;
	v41 =	vsel vm10, v33, v6;
	v17 =	vld.idx.msk [tilespmem:v60+s29+$0x0], $0xffff;
	vm11 =	vlt.f32 v2, v10  }
0x1b0: {  	v42 =	vld.idx.msk [tilespmem:v61+s29+$0x0], $0xffff;
	vm12 =	vlt.f32 v15, v59;
	v0 =	vsel vm11, v62, v0;
	v15 =	vadd.s32 $0xF, v41  }
0x1b1: {  	v1 =	vsel vm12, v38, v1;
	vm14 =	vlt.f32 v16, v12;
	v16 =	vadd.s32 $0xF, v0  }
0x1b2: {  	vm15 =	vlt.f32 v18, v51;
	v4 =	vsel vm14, v37, v4;
	v18 =	vadd.s32 $0xF, v1  }
0x1b3: {  	vm4 =	vlt.f32 v21, v13;
	v3 =	vsel vm15, v34, v3;
	v43 =	vadd.s32 $0xF, v4  }
0x1b4: {  	vm5 =	vlt.f32 v17, v11;
	v5 =	vsel vm4, v30, v5;
	v17 =	vadd.s32 $0xF, v3  }
0x1b5: {  	v44 =	vsel vm5, v39, v20;
	vm6 =	vlt.f32 v42, v14;
	v15 =	vld.idx.msk [tilespmem:v15+s29+$0x0], $0xffff;
	v45 =	vadd.s32 $0xF, v5  }
0x1b6: {  	v46 =	vadd.s32 $0xF, v44;
	v19 =	vsel vm6, v40, v19;
	v16 =	vld.idx.msk [tilespmem:v16+s29+$0x0], $0xffff  }
0x1b7: {  	v47 =	vadd.s32 $0xF, v19;
	v18 =	vld.idx.msk [tilespmem:v18+s29+$0x0], $0xffff  }
0x1b8: {  	v25 =	vadd.s32 $0x10, v41;
	v21 =	vld.idx.msk [tilespmem:v43+s29+$0x0], $0xffff  }
0x1b9: {  	v24 =	vadd.s32 $0x10, v0;
	v28 =	vadd.s32 $0x10, v1;
	v29 =	vadd.s32 $0x10, v44;
	v17 =	vld.idx.msk [tilespmem:v17+s29+$0x0], $0xffff  }
0x1ba: {  	v27 =	vadd.s32 $0x10, v4;
	v26 =	vadd.s32 $0x10, v3;
	vm8 =	vlt.f32 v15, v9;
	v20 =	vld.idx.msk [tilespmem:v45+s29+$0x0], $0xffff  }
0x1bb: {  	v30 =	vadd.s32 $0x10, v5;
	v15 =	vld.idx.msk [tilespmem:v46+s29+$0x0], $0xffff;
	v2 =	vsel vm8, v25, v41;
	vm10 =	vlt.f32 v16, v10  }
0x1bc: {  	v16 =	vld.idx.msk [tilespmem:v47+s29+$0x0], $0xffff;
	vm11 =	vlt.f32 v18, v59;
	v0 =	vsel vm10, v24, v0;
	v18 =	vadd.s32 $0x7, v2  }
0x1bd: {  	vm12 =	vlt.f32 v21, v12;
	v1 =	vsel vm11, v28, v1;
	v49 =	vadd.s32 $0x7, v0  }
0x1be: {  	vm14 =	vlt.f32 v17, v51;
	v4 =	vsel vm12, v27, v4;
	v17 =	vadd.s32 $0x7, v1  }
0x1bf: {  	vm15 =	vlt.f32 v20, v13;
	v3 =	vsel vm14, v26, v3;
	v52 =	vadd.s32 $0x7, v4  }
0x1c0: {  	vm4 =	vlt.f32 v15, v11;
	v5 =	vsel vm15, v30, v5;
	v15 =	vadd.s32 $0x7, v3  }
0x1c1: {  	v6 =	vsel vm4, v29, v44;
	vm5 =	vlt.f32 v16, v14;
	v16 =	vadd.s32 $0x7, v5;
	v18 =	vld.idx.msk [tilespmem:v18+s29+$0x0], $0xffff  }
0x1c2: {  	v48 =	vadd.s32 $0x10, v19;
	v53 =	vadd.s32 $0x7, v6;
	v21 =	vld.idx.msk [tilespmem:v49+s29+$0x0], $0xffff  }
0x1c3: {  	v19 =	vsel vm5, v48, v19;
	v17 =	vld.idx.msk [tilespmem:v17+s29+$0x0], $0xffff  }
0x1c4: {  	v25 =	vadd.s32 $0x8, v2;
	v54 =	vadd.s32 $0x7, v19;
	v20 =	vld.idx.msk [tilespmem:v52+s29+$0x0], $0xffff  }
0x1c5: {  	v24 =	vadd.s32 $0x8, v0;
	v28 =	vadd.s32 $0x8, v1;
	v27 =	vadd.s32 $0x8, v4;
	v15 =	vld.idx.msk [tilespmem:v15+s29+$0x0], $0xffff  }
0x1c6: {  	v26 =	vadd.s32 $0x8, v3;
	v29 =	vadd.s32 $0x8, v6;
	v16 =	vld.idx.msk [tilespmem:v16+s29+$0x0], $0xffff;
	vm6 =	vlt.f32 v18, v9  }
0x1c7: {  	v30 =	vadd.s32 $0x8, v5;
	v18 =	vld.idx.msk [tilespmem:v53+s29+$0x0], $0xffff;
	vm8 =	vlt.f32 v21, v10;
	v2 =	vsel vm6, v25, v2  }
0x1c8: {  	vm10 =	vlt.f32 v17, v59;
	v0 =	vsel vm8, v24, v0;
	v17 =	vadd.s32 $0x3, v2  }
0x1c9: {  	v56 =	vld.idx.msk [tilespmem:v54+s29+$0x0], $0xffff;
	vm11 =	vlt.f32 v20, v12;
	v1 =	vsel vm10, v28, v1;
	v57 =	vadd.s32 $0x3, v0  }
0x1ca: {  	vm12 =	vlt.f32 v15, v51;
	v4 =	vsel vm11, v27, v4;
	v15 =	vadd.s32 $0x3, v1  }
0x1cb: {  	vm14 =	vlt.f32 v16, v13;
	v3 =	vsel vm12, v26, v3;
	v16 =	vadd.s32 $0x3, v4  }
0x1cc: {  	vm15 =	vlt.f32 v18, v11;
	v5 =	vsel vm14, v30, v5;
	v18 =	vadd.s32 $0x3, v3  }
0x1cd: {  	v6 =	vsel vm15, v29, v6;
	v58 =	vadd.s32 $0x3, v5;
	v17 =	vld.idx.msk [tilespmem:v17+s29+$0x0], $0xffff  }
0x1ce: {  	v55 =	vadd.s32 $0x8, v19;
	vm4 =	vlt.f32 v56, v14;
	v60 =	vadd.s32 $0x3, v6;
	v20 =	vld.idx.msk [tilespmem:v57+s29+$0x0], $0xffff  }
0x1cf: {  	v19 =	vsel vm4, v55, v19;
	v15 =	vld.idx.msk [tilespmem:v15+s29+$0x0], $0xffff  }
0x1d0: {  	v25 =	vadd.s32 $0x4, v2;
	v61 =	vadd.s32 $0x3, v19;
	v16 =	vld.idx.msk [tilespmem:v16+s29+$0x0], $0xffff  }
0x1d1: {  	v24 =	vadd.s32 $0x4, v0;
	v28 =	vadd.s32 $0x4, v1;
	v27 =	vadd.s32 $0x4, v4;
	v18 =	vld.idx.msk [tilespmem:v18+s29+$0x0], $0xffff  }
0x1d2: {  	v26 =	vadd.s32 $0x4, v3;
	v29 =	vadd.s32 $0x4, v6;
	v21 =	vld.idx.msk [tilespmem:v58+s29+$0x0], $0xffff;
	vm5 =	vlt.f32 v17, v9  }
0x1d3: {  	v30 =	vadd.s32 $0x4, v5;
	v17 =	vld.idx.msk [tilespmem:v60+s29+$0x0], $0xffff;
	vm6 =	vlt.f32 v20, v10;
	v2 =	vsel vm5, v25, v2  }
0x1d4: {  	vm8 =	vlt.f32 v15, v59;
	v0 =	vsel vm6, v24, v0;
	v15 =	vadd.s32 $0x1, v2  }
0x1d5: {  	v25 =	vld.idx.msk [tilespmem:v61+s29+$0x0], $0xffff;
	vm10 =	vlt.f32 v16, v12;
	v1 =	vsel vm8, v28, v1;
	v16 =	vadd.s32 $0x1, v0  }
0x1d6: {  	vm11 =	vlt.f32 v18, v51;
	v4 =	vsel vm10, v27, v4;
	v18 =	vadd.s32 $0x1, v1  }
0x1d7: {  	vm12 =	vlt.f32 v21, v13;
	v3 =	vsel vm11, v26, v3;
	v31 =	vadd.s32 $0x1, v4  }
0x1d8: {  	vm14 =	vlt.f32 v17, v11;
	v5 =	vsel vm12, v30, v5;
	v17 =	vadd.s32 $0x1, v3  }
0x1d9: {  	v6 =	vsel vm14, v29, v6;
	v32 =	vadd.s32 $0x1, v5;
	v15 =	vld.idx.msk [tilespmem:v15+s29+$0x0], $0xffff  }
0x1da: {  	v62 =	vadd.s32 $0x4, v19;
	vm15 =	vlt.f32 v25, v14;
	v33 =	vadd.s32 $0x1, v6;
	v16 =	vld.idx.msk [tilespmem:v16+s29+$0x0], $0xffff  }
0x1db: {  	v19 =	vsel vm15, v62, v19;
	v18 =	vld.idx.msk [tilespmem:v18+s29+$0x0], $0xffff  }
0x1dc: {  	v34 =	vadd.s32 $0x1, v19;
	v21 =	vld.idx.msk [tilespmem:v31+s29+$0x0], $0xffff  }
0x1dd: {  	v17 =	vld.idx.msk [tilespmem:v17+s29+$0x0], $0xffff  }
0x1de: {  	v20 =	vld.idx.msk [tilespmem:v32+s29+$0x0], $0xffff;
	vm4 =	vlt.f32 v15, v9;
	v15 =	vadd.s32 $0x2, v2  }
0x1df: {  	v22 =	vld.idx.msk [tilespmem:v33+s29+$0x0], $0xffff;
	vm5 =	vlt.f32 v16, v10;
	v16 =	vadd.s32 $0x2, v0;
	v2 =	vsel vm4, v15, v2  }
0x1e0: {  	vm6 =	vlt.f32 v18, v59;
	v18 =	vadd.s32 $0x2, v1;
	v0 =	vsel vm5, v16, v0  }
0x1e1: {  	v15 =	vld.idx.msk [tilespmem:v34+s29+$0x0], $0xffff;
	v16 =	vadd.s32 $0x2, v4;
	vm8 =	vlt.f32 v21, v12;
	v1 =	vsel vm6, v18, v1  }
0x1e2: {  	vm10 =	vlt.f32 v17, v51;
	v17 =	vadd.s32 $0x2, v3;
	v4 =	vsel vm8, v16, v4  }
0x1e3: {  	v58 =	vld [tilespmem:$0x1FFC0];
	v16 =	vadd.s32 $0x2, v5;
	vm11 =	vlt.f32 v20, v13;
	v3 =	vsel vm10, v17, v3  }
0x1e4: {  	vm12 =	vlt.f32 v22, v11;
	v17 =	vadd.s32 $0x2, v6;
	v5 =	vsel vm11, v16, v5;
	v16 =	vld.idx.msk [tilespmem:v2+s29+$0x0], $0xffff  }
0x1e5: {  	v6 =	vsel vm12, v17, v6;
	v17 =	vld.idx.msk [tilespmem:v0+s29+$0x0], $0xffff  }
0x1e6: {  	vm14 =	vlt.f32 v15, v14;
	v15 =	vadd.s32 $0x2, v19;
	v18 =	vld.idx.msk [tilespmem:v1+s29+$0x0], $0xffff  }
0x1e7: {  	v15 =	vsel vm14, v15, v19;
	v19 =	vld.idx.msk [tilespmem:v4+s29+$0x0], $0xffff;
	_ =	sdelay $0x1  }
0x1e8: {  	vm0 =	vmmov vm2;
	vm1 =	vmmov vm9;
	vm9 =	vnez.u8 v58;
	v37 =	vld.idx.msk [tilespmem:v3+s29+$0x0], $0xffff  }
0x1e9: {  	v58 =	vsel vm0, $0x3F800000, v50;
	vm2 =	vmmov vm9;
	vm12 =	vlt.f32 v16, v9  }
0x1ea: {  	vm15 =	vlt.f32 v17, v10;
	v16 =	vsel vm12, $0x1, v63;
	vm4 =	vlt.f32 v18, v59  }
0x1eb: {  	v38 =	vld.idx.msk [tilespmem:v5+s29+$0x0], $0xffff;
	v17 =	vsel vm15, $0x1, v63;
	v2 =	vadd.s32 v16, v2;
	vm3 =	vlt.f32 v19, v12  }
0x1ec: {  	v60 =	vld [tilespmem:$0x1FFE0];
	v16 =	vsel vm4, $0x1, v63;
	v17 =	vadd.s32 v17, v0;
	v18 =	vmin.u32 v2, $0xFF  }
0x1ed: {  	v40 =	vld.idx.msk [tilespmem:v15+s29+$0x0], $0xffff;
	v49 =	vmax.u32 v2, $0x1;
	vm8 =	vlt.f32 v37, v51;
	v41 =	vmin.u32 v17, $0xFF  }
0x1ee: {  	v61 =	vld [tilespmem:$0x1FFD0];
	v19 =	vsel vm3, $0x1, v63;
	v0 =	vadd.s32 v16, v1;
	v24 =	vsub.s32 v49, v7  }
0x1ef: {  	v39 =	vld.idx.msk [tilespmem:v6+s29+$0x0], $0xffff;
	v52 =	vmax.u32 v17, $0x1;
	v4 =	vadd.s32 v19, v4;
	v19 =	vmin.u32 v0, $0xFF  }
0x1f0: {  	v62 =	vld [tilespmem:$0x1FFF0];
	vm6 =	vlt.f32 v38, v13;
	v16 =	vsel vm8, $0x1, v63;
	v25 =	vsub.s32 v52, v7  }
0x1f1: {  	v53 =	vmax.u32 v0, $0x1;
	v3 =	vadd.s32 v16, v3;
	v16 =	vmin.u32 v4, $0xFF;
	v18 =	vld.idx.msk [tilespmem:v18+s29+$0x0], $0xffff  }
0x1f2: {  	vm14 =	vlt.f32 v40, v14;
	v42 =	vsel vm6, $0x1, v63;
	v26 =	vsub.s32 v53, v7;
	v1 =	vld.idx.msk [tilespmem:v41+s29+$0x0], $0xffff  }
0x1f3: {  	v5 =	vadd.s32 v42, v5;
	v44 =	vmin.u32 v3, $0xFF;
	v45 =	vsel vm14, $0x1, v63;
	v24 =	vld.idx.msk [tilespmem:v24+s29+$0x0], $0xffff  }
0x1f4: {  	vm5 =	vlt.f32 v39, v11;
	v46 =	vmin.u32 v5, $0xFF;
	v15 =	vadd.s32 v45, v15;
	v19 =	vld.idx.msk [tilespmem:v19+s29+$0x0], $0xffff  }
0x1f5: {  	v43 =	vsel vm5, $0x1, v63;
	v48 =	vmin.u32 v15, $0xFF;
	v55 =	vmax.u32 v15, $0x1;
	v25 =	vld.idx.msk [tilespmem:v25+s29+$0x0], $0xffff  }
0x1f6: {  	v32 =	vsel vm2, $0x3F800000, v50;
	v6 =	vadd.s32 v43, v6;
	v28 =	vsub.s32 v55, v7;
	v16 =	vld.idx.msk [tilespmem:v16+s29+$0x0], $0xffff  }
0x1f7: {  	vm10 =	vnez.u8 v60;
	v47 =	vmin.u32 v6, $0xFF;
	v57 =	vmax.u32 v6, $0x1;
	v26 =	vld.idx.msk [tilespmem:v26+s29+$0x0], $0xffff  }
0x1f8: {  	vm12 =	vnez.u8 v61;
	v31 =	vmax.u32 v5, $0x1;
	v30 =	vsub.s32 v57, v7;
	v20 =	vld.idx.msk [tilespmem:v44+s29+$0x0], $0xffff  }
0x1f9: {  	vm15 =	vmmov vm13;
	vm13 =	vmmov vm12;
	v31 =	vsub.s32 v31, v7;
	v21 =	vld.idx.msk [tilespmem:v46+s29+$0x0], $0xffff  }
0x1fa: {  	vm11 =	vmmov vm10;
	v34 =	vsel vm13, $0x3F800000, v50;
	v56 =	vmax.u32 v3, $0x1;
	v23 =	vld.idx.msk [tilespmem:v48+s29+$0x0], $0xffff  }
0x1fb: {  	v43 =	vsel vm11, $0x3F800000, v50;
	v29 =	vsub.s32 v56, v7;
	v18 =	vsub.f32 v9, v18;
	v28 =	vld.idx.msk [tilespmem:v28+s29+$0x0], $0xffff  }
0x1fc: {  	v54 =	vmax.u32 v4, $0x1;
	v22 =	vld.idx.msk [tilespmem:v47+s29+$0x0], $0xffff;
	v46 =	vadd.f32 v43, v36;
	v1 =	vsub.f32 v10, v1  }
0x1fd: {  	v27 =	vsub.s32 v54, v7;
	v30 =	vld.idx.msk [tilespmem:v30+s29+$0x0], $0xffff;
	v63 =	vsub.f32 v9, v24;
	v19 =	vsub.f32 v59, v19  }
0x1fe: {  	v33 =	vsel vm1, $0x3F800000, v50;
	v31 =	vld.idx.msk [tilespmem:v31+s29+$0x0], $0xffff;
	v39 =	vsub.f32 v10, v25;
	v47 =	vadd.f32 v34, v46  }
0x1ff: {  	v40 =	vsel vm15, $0x3F800000, v50;
	v16 =	vsub.f32 v12, v16;
	v8 =	vsub.f32 v59, v26  }
0x200: {  	vm14 =	vnez.u8 v62;
	v29 =	vld.idx.msk [tilespmem:v29+s29+$0x0], $0xffff;
	v23 =	vsub.f32 v14, v23;
	v38 =	vsub.f32 v14, v28  }
0x201: {  	vm4 =	vmmov vm14;
	v20 =	vsub.f32 v51, v20;
	v22 =	vsub.f32 v11, v22  }
0x202: {  	v27 =	vld.idx.msk [tilespmem:v27+s29+$0x0], $0xffff;
	v42 =	vsub.f32 v11, v30;
	v23 =	vmul.f32 v23, v23;
	v14 =	vmul.f32 v38, v38  }
0x203: {  	v37 =	vsel vm4, $0x3F800000, v50;
	v21 =	vsub.f32 v13, v21;
	v44 =	vsub.f32 v13, v31  }
0x204: {  	v22 =	vmul.f32 v22, v22;
	v11 =	vmul.f32 v42, v42;
	v14 =	vmin.f32 v14, v23  }
0x205: {  	v45 =	vsub.f32 v51, v29;
	v21 =	vmul.f32 v21, v21;
	v14 =	vnsel vm11, $0x0, v14  }
0x206: {  	v13 =	vmul.f32 v44, v44;
	v11 =	vmin.f32 v11, v22;
	v14 =	vadd.f32 v14, v35  }
0x207: {  	v41 =	vsub.f32 v12, v27;
	v20 =	vmul.f32 v20, v20;
	v11 =	vnsel vm13, $0x0, v11  }
0x208: {  	v7 =	vmul.f32 v45, v45;
	v13 =	vmin.f32 v13, v21;
	v11 =	vadd.f32 v11, v14  }
0x209: {  	v48 =	vadd.f32 v37, v47;
	v16 =	vmul.f32 v16, v16;
	v13 =	vnsel vm4, $0x0, v13  }
0x20a: {  	v12 =	vmul.f32 v41, v41;
	v7 =	vmin.f32 v7, v20;
	v11 =	vadd.f32 v13, v11  }
0x20b: {  	v49 =	vmul.f32 v19, v19;
	v51 =	vadd.f32 v40, v48;
	v7 =	vnsel vm15, $0x0, v7  }
0x20c: {  	s28 =	sadd.s32 $0x80, s28;
	v8 =	vmul.f32 v8, v8;
	v12 =	vmin.f32 v12, v16;
	v7 =	vadd.f32 v7, v11  }
0x20d: {  	[tilespmem:s28+$0x30] =	vst v2;
	v1 =	vmul.f32 v1, v1;
	v53 =	vadd.f32 v32, v51;
	v52 =	vnsel vm2, $0x0, v12  }
0x20e: {  	[tilespmem:s28+$0x20] =	vst v17;
	v10 =	vmul.f32 v39, v39;
	v8 =	vmin.f32 v8, v49;
	v2 =	vadd.f32 v52, v7  }
0x20f: {  	[tilespmem:s28+$0x10] =	vst v0;
	v56 =	vmul.f32 v18, v18;
	v54 =	vnsel vm1, $0x0, v8;
	v57 =	vadd.f32 v33, v53  }
0x210: {  	[tilespmem:s28+$0x0] =	vst v4;
	v55 =	vmul.f32 v63, v63;
	v1 =	vmin.f32 v10, v1;
	v2 =	vadd.f32 v54, v2  }
0x211: {  	[tilespmem:s28+$0xFFFFFFF0] =	vst v3;
	v1 =	vnsel vm0, $0x0, v1;
	vm15 =	vmmov vm7;
	v59 =	vadd.f32 v58, v57  }
0x212: {  	[tilespmem:s28+$0xFFFFFFD0] =	vst v6;
	v60 =	vmin.f32 v55, v56;
	v61 =	vsel vm15, $0x3F800000, v50;
	v1 =	vadd.f32 v1, v2  }
0x213: {  	[tilespmem:s28+$0xFFFFFFE0] =	vst v5;
	v3 =	vnsel vm15, $0x0, v60;
	v63 =	vadd.f32 v61, v59  }
0x214: {  	[tilespmem:s28+$0xFFFFFFC0] =	vst v15;
	v62 =	vadd.f32 v3, v1  }
0x215: {  	[tilespmem:$0x1FEE0] =	vst v63  }
0x216: {  	s28 =	simm.s32 $0x0;
	v16 =	vlaneseq.u32;
	[tilespmem:$0x1FED0] =	vst v62  }
.LBB2_6:
0x217: {  	s29 =	sshra.s32 s28, $0x2  }
0x218: {  	v0 =	vld [tilespmem:s29+$0x4D00]  }
0x219: {  	v1 =	vld [tilespmem:s29+$0x4D10]  }
0x21a: {  	v2 =	vld [tilespmem:s29+$0x4D20]  }
0x21b: {  	v3 =	vld [tilespmem:s29+$0x4D30];
	_ =	sdelay $0x1  }
0x21c: {  	v0 =	vshll.u32 v0, $0x6  }
0x21d: {  	v4 =	vor.u32 $0x10, v16;
	v1 =	vshll.u32 v1, $0x6;
	v0 =	vor.u32 v16, v0  }
0x21e: {  	v55 =	vor.u32 $0x20, v16;
	v5 =	vld [tilespmem:s29+$0x200];
	v2 =	vshll.u32 v2, $0x6;
	v1 =	vor.u32 v4, v1  }
0x21f: {  	v56 =	vor.u32 $0x30, v16;
	v6 =	vld [tilespmem:s29+$0x210];
	v3 =	vshll.u32 v3, $0x6;
	v2 =	vor.u32 v55, v2  }
0x220: {  	v7 =	vld [tilespmem:s29+$0x220];
	v3 =	vor.u32 v56, v3  }
0x221: {  	v57 =	vld [tilespmem:s29+$0x230]  }
0x222: {  	v8 =	vld.idx.msk [tilespmem:v0+s13+$0x0], $0xffff  }
0x223: {  	v9 =	vld.idx.msk [tilespmem:v1+s13+$0x0], $0xffff  }
0x224: {  	v10 =	vld.idx.msk [tilespmem:v2+s13+$0x0], $0xffff  }
0x225: {  	v11 =	vld.idx.msk [tilespmem:v3+s13+$0x0], $0xffff  }
0x226: {  	vm0 =	vge.f32 v5, $1.000000050e-03;
	v12 =	vld.idx.msk [tilespmem:v0+s14+$0x0], $0xffff  }
0x227: {  	vm13 =	vge.f32 v6, $1.000000050e-03;
	v5 =	vnsel vm0, $0x501502F9, v5;
	v13 =	vld.idx.msk [tilespmem:v1+s14+$0x0], $0xffff  }
0x228: {  	vm14 =	vge.f32 v7, $1.000000050e-03;
	v6 =	vnsel vm13, $0x501502F9, v6;
	v14 =	vld.idx.msk [tilespmem:v2+s14+$0x0], $0xffff;
	v8 =	vmax.f32 v8, v5  }
0x229: {  	vm15 =	vge.f32 v57, $1.000000050e-03;
	v7 =	vnsel vm14, $0x501502F9, v7;
	v15 =	vld.idx.msk [tilespmem:v3+s14+$0x0], $0xffff;
	v58 =	vmax.f32 v9, v6;
	[tilespmem:v0+s13+$0x0] =	vst.idx.msk $0xffff, v8  }
0x22a: {  	v4 =	vnsel vm15, $0x501502F9, v57;
	v59 =	vmax.f32 v10, v7;
	[tilespmem:v1+s13+$0x0] =	vst.idx.msk $0xffff, v58  }
0x22b: {  	p1 =	sne.s32 s28, $0x12B00;
	v60 =	vmax.f32 v11, v4;
	[tilespmem:v2+s13+$0x0] =	vst.idx.msk $0xffff, v59  }
.Ltmp4:
0x22c: {  	v5 =	vmin.f32 v12, v5;
	[tilespmem:v3+s13+$0x0] =	vst.idx.msk $0xffff, v60;
	(pc) =	sbr.rel @p1 .LBB2_6-.Ltmp4, $4  }
0x22d: {  	v61 =	vmin.f32 v13, v6;
	[tilespmem:v0+s14+$0x0] =	vst.idx.msk $0xffff, v5  }
0x22e: {  	v62 =	vmin.f32 v14, v7;
	[tilespmem:v1+s14+$0x0] =	vst.idx.msk $0xffff, v61  }
0x22f: {  	v63 =	vmin.f32 v15, v4;
	[tilespmem:v2+s14+$0x0] =	vst.idx.msk $0xffff, v62  }
0x230: {  	s28 =	sadd.s32 $0x100, s28;
	[tilespmem:v3+s14+$0x0] =	vst.idx.msk $0xffff, v63  }
0x231: {  	v0 =	vmov s26;
	v31 =	vmul.u32 $0x40, v16  }
0x232: {  	v0 =	vshll.u32 v0, $0x6  }
0x233: {  	v15 =	vor.u32 v31, v0  }
0x234: {  	v0 =	vor.u32 $0x38, v15;
	_ =	sdelay $0x4  }
0x235: {  	v44 =	vld.idx.msk [tilespmem:v0+s14+$0x0], $0xffff  }
0x236: {  	v1 =	vor.u32 $0x39, v15;
	v0 =	vld.idx.msk [tilespmem:v0+s13+$0x0], $0xffff;
	_ =	sdelay $0x3  }
0x237: {  	v4 =	vor.u32 $0x3B, v15  }
0x238: {  	[tilespmem:$0x1FB10] =	vst v0;
	v0 =	vld.idx.msk [tilespmem:v1+s13+$0x0], $0xffff  }
0x239: {  	v3 =	vor.u32 $0x3A, v15;
	_ =	sdelay $0x2  }
0x23a: {  	v5 =	vor.u32 $0x3C, v15;
	v2 =	vld.idx.msk [tilespmem:v4+s14+$0x0], $0xffff  }
0x23b: {  	v39 =	vld.idx.msk [tilespmem:v1+s14+$0x0], $0xffff;
	[tilespmem:$0x1FB20] =	vst v0;
	v0 =	vor.u32 $0x30, v15  }
0x23c: {  	v1 =	vld.idx.msk [tilespmem:v3+s13+$0x0], $0xffff;
	_ =	sdelay $0x2  }
0x23d: {  	[tilespmem:$0x1FA80] =	vst v2;
	v2 =	vld.idx.msk [tilespmem:v5+s14+$0x0], $0xffff  }
0x23e: {  	v6 =	vor.u32 $0x3D, v15;
	v56 =	vld.idx.msk [tilespmem:v0+s14+$0x0], $0xffff  }
0x23f: {  	[tilespmem:$0x1FBD0] =	vst v1;
	v1 =	vor.u32 $0x31, v15;
	v0 =	vld.idx.msk [tilespmem:v0+s13+$0x0], $0xffff;
	_ =	sdelay $0x2  }
0x240: {  	v37 =	vld.idx.msk [tilespmem:v3+s14+$0x0], $0xffff  }
0x241: {  	[tilespmem:$0x1FAA0] =	vst v2;
	v2 =	vld.idx.msk [tilespmem:v6+s14+$0x0], $0xffff  }
0x242: {  	v3 =	vor.u32 $0x32, v15;
	[tilespmem:$0x1FAF0] =	vst v0;
	v0 =	vld.idx.msk [tilespmem:v1+s13+$0x0], $0xffff;
	_ =	sdelay $0x3  }
0x243: {  	[tilespmem:$0x1FAB0] =	vst v2;
	v2 =	vld.idx.msk [tilespmem:v4+s13+$0x0], $0xffff  }
0x244: {  	v4 =	vor.u32 $0x33, v15;
	[tilespmem:$0x1FB00] =	vst v0;
	v0 =	vld.idx.msk [tilespmem:v3+s13+$0x0], $0xffff;
	_ =	sdelay $0x3  }
0x245: {  	[tilespmem:$0x1FBE0] =	vst v2;
	v2 =	vld.idx.msk [tilespmem:v5+s13+$0x0], $0xffff  }
0x246: {  	v5 =	vor.u32 $0x34, v15;
	[tilespmem:$0x1FBA0] =	vst v0;
	v0 =	vld.idx.msk [tilespmem:v4+s13+$0x0], $0xffff;
	_ =	sdelay $0x4  }
0x247: {  	v8 =	vor.u32 $0x35, v15;
	[tilespmem:$0x1FBB0] =	vst v0;
	v0 =	vld.idx.msk [tilespmem:v5+s13+$0x0], $0xffff;
	_ =	sdelay $0x4  }
0x248: {  	v9 =	vor.u32 $0x36, v15;
	[tilespmem:$0x1FBC0] =	vst v0;
	v0 =	vld.idx.msk [tilespmem:v8+s13+$0x0], $0xffff;
	_ =	sdelay $0x4  }
0x249: {  	v16 =	vor.u32 $0x28, v15;
	[tilespmem:$0x1FC60] =	vst v0;
	v0 =	vld.idx.msk [tilespmem:v9+s13+$0x0], $0xffff;
	_ =	sdelay $0x3  }
0x24a: {  	v48 =	vld.idx.msk [tilespmem:v3+s14+$0x0], $0xffff  }
0x24b: {  	v3 =	vor.u32 $0x29, v15;
	[tilespmem:$0x1FC70] =	vst v0;
	v0 =	vld.idx.msk [tilespmem:v16+s13+$0x0], $0xffff;
	_ =	sdelay $0x2  }
0x24c: {  	v42 =	vld.idx.msk [tilespmem:v4+s14+$0x0], $0xffff  }
0x24d: {  	[tilespmem:$0x1FBF0] =	vst v2;
	v2 =	vld.idx.msk [tilespmem:v6+s13+$0x0], $0xffff  }
0x24e: {  	v4 =	vor.u32 $0x2A, v15;
	[tilespmem:$0x1FAD0] =	vst v0;
	v0 =	vld.idx.msk [tilespmem:v3+s13+$0x0], $0xffff;
	_ =	sdelay $0x3  }
0x24f: {  	[tilespmem:$0x1FC80] =	vst v2;
	v2 =	vld.idx.msk [tilespmem:v5+s14+$0x0], $0xffff  }
0x250: {  	v5 =	vor.u32 $0x2B, v15;
	[tilespmem:$0x1FAE0] =	vst v0;
	v0 =	vld.idx.msk [tilespmem:v4+s13+$0x0], $0xffff;
	_ =	sdelay $0x4  }
0x251: {  	v19 =	vor.u32 $0x2C, v15;
	[tilespmem:$0x1FB70] =	vst v0;
	v0 =	vld.idx.msk [tilespmem:v5+s13+$0x0], $0xffff;
	_ =	sdelay $0x3  }
0x252: {  	[tilespmem:$0x1FA90] =	vst v2;
	v2 =	vld.idx.msk [tilespmem:v9+s14+$0x0], $0xffff  }
0x253: {  	v9 =	vor.u32 $0x2D, v15;
	[tilespmem:$0x1FB80] =	vst v0;
	v0 =	vld.idx.msk [tilespmem:v19+s13+$0x0], $0xffff  }
0x254: {  	v20 =	vor.u32 $0x2E, v15  }
0x255: {  	v24 =	vor.u32 $0x20, v15;
	v33 =	vld.idx.msk [tilespmem:v8+s14+$0x0], $0xffff  }
0x256: {  	v25 =	vor.u32 $0x21, v15;
	v57 =	vld.idx.msk [tilespmem:v16+s14+$0x0], $0xffff  }
0x257: {  	v26 =	vor.u32 $0x22, v15;
	v45 =	vld.idx.msk [tilespmem:v19+s14+$0x0], $0xffff  }
0x258: {  	[tilespmem:$0x1FB90] =	vst v0;
	v0 =	vld.idx.msk [tilespmem:v9+s13+$0x0], $0xffff  }
0x259: {  	v27 =	vor.u32 $0x24, v15;
	v38 =	vld.idx.msk [tilespmem:v20+s14+$0x0], $0xffff  }
0x25a: {  	v34 =	vor.u32 $0x26, v15;
	v53 =	vld.idx.msk [tilespmem:v24+s14+$0x0], $0xffff  }
0x25b: {  	v60 =	vld.idx.msk [tilespmem:v25+s14+$0x0], $0xffff  }
0x25c: {  	v61 =	vld.idx.msk [tilespmem:v26+s14+$0x0], $0xffff  }
0x25d: {  	[tilespmem:$0x1FC40] =	vst v0;
	v0 =	vld.idx.msk [tilespmem:v20+s13+$0x0], $0xffff  }
0x25e: {  	v36 =	vor.u32 $0x1A, v15;
	v63 =	vld.idx.msk [tilespmem:v27+s14+$0x0], $0xffff  }
0x25f: {  	v35 =	vor.u32 $0x19, v15;
	v54 =	vld.idx.msk [tilespmem:v34+s14+$0x0], $0xffff  }
0x260: {  	v47 =	vor.u32 $0x11, v15;
	v40 =	vld.idx.msk [tilespmem:v24+s13+$0x0], $0xffff  }
0x261: {  	v41 =	vld.idx.msk [tilespmem:v25+s13+$0x0], $0xffff;
	v24 =	vor.u32 $0x18, v15  }
0x262: {  	v19 =	vor.u32 $0x23, v15;
	[tilespmem:$0x1FC50] =	vst v0;
	v0 =	vld.idx.msk [tilespmem:v26+s13+$0x0], $0xffff  }
0x263: {  	v22 =	vld.idx.msk [tilespmem:v36+s14+$0x0], $0xffff  }
0x264: {  	v52 =	vld.idx.msk [tilespmem:v35+s13+$0x0], $0xffff  }
0x265: {  	v13 =	vld.idx.msk [tilespmem:v47+s14+$0x0], $0xffff  }
0x266: {  	v50 =	vor.u32 $0x12, v15;
	v18 =	vld.idx.msk [tilespmem:v24+s14+$0x0], $0xffff  }
0x267: {  	[tilespmem:$0x1FB40] =	vst v0;
	v0 =	vld.idx.msk [tilespmem:v19+s13+$0x0], $0xffff  }
0x268: {  	v51 =	vld.idx.msk [tilespmem:v24+s13+$0x0], $0xffff;
	v24 =	vor.u32 $0x1D, v15  }
0x269: {  	v49 =	vld.idx.msk [tilespmem:v1+s14+$0x0], $0xffff;
	v1 =	vor.u32 $0x14, v15  }
0x26a: {  	v47 =	vld.idx.msk [tilespmem:v47+s13+$0x0], $0xffff  }
0x26b: {  	v14 =	vld.idx.msk [tilespmem:v50+s14+$0x0], $0xffff  }
0x26c: {  	v20 =	vor.u32 $0x25, v15;
	[tilespmem:$0x1FB50] =	vst v0;
	v0 =	vld.idx.msk [tilespmem:v27+s13+$0x0], $0xffff  }
0x26d: {  	v25 =	vld.idx.msk [tilespmem:v24+s14+$0x0], $0xffff  }
0x26e: {  	v21 =	vld.idx.msk [tilespmem:v1+s14+$0x0], $0xffff  }
0x26f: {  	v32 =	vld.idx.msk [tilespmem:v1+s13+$0x0], $0xffff  }
0x270: {  	v12 =	vor.u32 $0xB, v15;
	v58 =	vld.idx.msk [tilespmem:v3+s14+$0x0], $0xffff  }
0x271: {  	[tilespmem:$0x1FB60] =	vst v0;
	v0 =	vld.idx.msk [tilespmem:v20+s13+$0x0], $0xffff  }
0x272: {  	v59 =	vld.idx.msk [tilespmem:v4+s14+$0x0], $0xffff  }
0x273: {  	v55 =	vld.idx.msk [tilespmem:v5+s14+$0x0], $0xffff  }
0x274: {  	v1 =	vor.u32 $0x9, v15;
	[tilespmem:$0x1FAC0] =	vst v2;
	v2 =	vld.idx.msk [tilespmem:v15+s14+$0x0], $0xffff  }
0x275: {  	v8 =	vld.idx.msk [tilespmem:v12+s14+$0x0], $0xffff  }
0x276: {  	[tilespmem:$0x1FC20] =	vst v0;
	v0 =	vld.idx.msk [tilespmem:v34+s13+$0x0], $0xffff  }
0x277: {  	v12 =	vld.idx.msk [tilespmem:v12+s13+$0x0], $0xffff  }
0x278: {  	v43 =	vld.idx.msk [tilespmem:v9+s14+$0x0], $0xffff  }
0x279: {  	v5 =	vld.idx.msk [tilespmem:v1+s14+$0x0], $0xffff;
	v27 =	vor.u32 $0x1B, v15  }
0x27a: {  	v62 =	vld.idx.msk [tilespmem:v19+s14+$0x0], $0xffff  }
0x27b: {  	[tilespmem:$0x1FC30] =	vst v0;
	v0 =	vld.idx.msk [tilespmem:v36+s13+$0x0], $0xffff  }
0x27c: {  	v9 =	vor.u32 $0xA, v15;
	v30 =	vld.idx.msk [tilespmem:v20+s14+$0x0], $0xffff  }
0x27d: {  	v20 =	vld.idx.msk [tilespmem:v35+s14+$0x0], $0xffff  }
0x27e: {  	v46 =	vor.u32 $0x1C, v15;
	v23 =	vld.idx.msk [tilespmem:v27+s14+$0x0], $0xffff  }
0x27f: {  	v35 =	vld.idx.msk [tilespmem:v27+s13+$0x0], $0xffff;
	v27 =	vor.u32 $0x1E, v15  }
0x280: {  	[tilespmem:$0x1FB30] =	vst v0;
	v0 =	vld.idx.msk [tilespmem:v24+s13+$0x0], $0xffff  }
0x281: {  	v6 =	vld.idx.msk [tilespmem:v9+s14+$0x0], $0xffff  }
0x282: {  	v9 =	vld.idx.msk [tilespmem:v9+s13+$0x0], $0xffff  }
0x283: {  	v26 =	vld.idx.msk [tilespmem:v46+s14+$0x0], $0xffff;
	v34 =	vor.u32 $0x10, v15  }
0x284: {  	v28 =	vld.idx.msk [tilespmem:v27+s14+$0x0], $0xffff  }
0x285: {  	[tilespmem:$0x1FC00] =	vst v0;
	v0 =	vld.idx.msk [tilespmem:v27+s13+$0x0], $0xffff  }
0x286: {  	v3 =	vor.u32 $0x2, v15;
	v36 =	vld.idx.msk [tilespmem:v46+s13+$0x0], $0xffff  }
0x287: {  	v46 =	vld.idx.msk [tilespmem:v50+s13+$0x0], $0xffff;
	v50 =	vor.u32 $0x8, v15  }
0x288: {  	v11 =	vld.idx.msk [tilespmem:v34+s14+$0x0], $0xffff  }
0x289: {  	v29 =	vld.idx.msk [tilespmem:v34+s13+$0x0], $0xffff  }
0x28a: {  	v24 =	vld.idx.msk [tilespmem:v1+s13+$0x0], $0xffff;
	[tilespmem:$0x1FC10] =	vst v0;
	v0 =	vor.u32 $0x13, v15  }
0x28b: {  	v1 =	vld.idx.msk [tilespmem:v3+s14+$0x0], $0xffff  }
0x28c: {  	v10 =	vor.u32 $0x3, v15;
	v4 =	vld.idx.msk [tilespmem:v50+s14+$0x0], $0xffff  }
0x28d: {  	v19 =	vor.u32 $0xC, v15;
	v50 =	vld.idx.msk [tilespmem:v50+s13+$0x0], $0xffff  }
0x28e: {  	v3 =	vld.idx.msk [tilespmem:v3+s13+$0x0], $0xffff  }
0x28f: {  	v17 =	vld.idx.msk [tilespmem:v0+s14+$0x0], $0xffff  }
0x290: {  	v1 =	vmin.f32 v1, v6;
	v34 =	vld.idx.msk [tilespmem:v0+s13+$0x0], $0xffff;
	v0 =	vor.u32 $0x1, v15  }
0x291: {  	v2 =	vmin.f32 v2, v4;
	v4 =	vld.idx.msk [tilespmem:v10+s14+$0x0], $0xffff;
	v1 =	vmin.f32 v1, v14  }
0x292: {  	v6 =	vld.idx.msk [tilespmem:v19+s14+$0x0], $0xffff;
	v1 =	vmin.f32 v1, v22  }
0x293: {  	v19 =	vld.idx.msk [tilespmem:v19+s13+$0x0], $0xffff;
	v2 =	vmin.f32 v2, v11;
	v11 =	vor.u32 $0x4, v15;
	v1 =	vmin.f32 v1, v61  }
0x294: {  	v2 =	vmin.f32 v2, v18;
	v1 =	vmin.f32 v1, v59;
	v59 =	vld [tilespmem:$0x1FAB0]  }
0x295: {  	v18 =	vor.u32 $0xD, v15;
	v2 =	vmin.f32 v2, v53;
	v7 =	vld.idx.msk [tilespmem:v0+s14+$0x0], $0xffff  }
0x296: {  	v2 =	vmin.f32 v2, v57;
	v27 =	vld.idx.msk [tilespmem:v0+s13+$0x0], $0xffff;
	v0 =	vor.u32 $0x15, v15  }
0x297: {  	v2 =	vmin.f32 v2, v56;
	v56 =	vld [tilespmem:$0x1FA90]  }
0x298: {  	v14 =	vld.idx.msk [tilespmem:v11+s14+$0x0], $0xffff  }
0x299: {  	v11 =	vld.idx.msk [tilespmem:v11+s13+$0x0], $0xffff  }
0x29a: {  	v4 =	vmin.f32 v4, v8;
	v8 =	vld.idx.msk [tilespmem:v18+s14+$0x0], $0xffff  }
0x29b: {  	v16 =	vld.idx.msk [tilespmem:v0+s14+$0x0], $0xffff  }
0x29c: {  	v5 =	vmin.f32 v7, v5;
	v53 =	vld.idx.msk [tilespmem:v0+s13+$0x0], $0xffff;
	v0 =	vor.u32 $0x5, v15  }
0x29d: {  	v18 =	vld.idx.msk [tilespmem:v18+s13+$0x0], $0xffff;
	v7 =	vor.u32 $0xE, v15;
	v5 =	vmin.f32 v5, v13  }
0x29e: {  	v3 =	vmax.f32 v3, v9;
	v9 =	vmax.f32 v11, v19;
	v19 =	vld [tilespmem:$0x1FBA0];
	v5 =	vmin.f32 v5, v20  }
0x29f: {  	v24 =	vmax.f32 v27, v24;
	v27 =	vld [tilespmem:$0x1FAC0];
	v5 =	vmin.f32 v5, v60  }
0x2a0: {  	v13 =	vor.u32 $0x6, v15;
	v5 =	vmin.f32 v5, v58;
	v58 =	vld [tilespmem:$0x1FAA0]  }
0x2a1: {  	v22 =	vld.idx.msk [tilespmem:v0+s14+$0x0], $0xffff  }
0x2a2: {  	v4 =	vmin.f32 v4, v17;
	v17 =	vld.idx.msk [tilespmem:v7+s14+$0x0], $0xffff  }
0x2a3: {  	v20 =	vor.u32 $0x16, v15;
	v0 =	vld.idx.msk [tilespmem:v0+s13+$0x0], $0xffff  }
0x2a4: {  	v7 =	vld.idx.msk [tilespmem:v7+s13+$0x0], $0xffff  }
0x2a5: {  	v1 =	vmin.f32 v1, v48;
	v5 =	vmin.f32 v5, v49;
	v48 =	vld.idx.msk [tilespmem:v13+s14+$0x0], $0xffff  }
0x2a6: {  	v2 =	vmin.f32 v2, v44;
	v5 =	vmin.f32 v5, v39;
	v13 =	vld.idx.msk [tilespmem:v13+s13+$0x0], $0xffff  }
0x2a7: {  	v49 =	vmin.f32 v2, v5;
	v2 =	vmin.f32 v14, v6;
	v5 =	vld.idx.msk [tilespmem:v10+s13+$0x0], $0xffff;
	v6 =	vor.u32 $0xF, v15  }
0x2a8: {  	v10 =	vld.idx.msk [tilespmem:v20+s14+$0x0], $0xffff;
	v14 =	vor.u32 $0x7, v15  }
0x2a9: {  	v20 =	vld.idx.msk [tilespmem:v20+s13+$0x0], $0xffff  }
0x2aa: {  	v2 =	vmin.f32 v2, v21;
	v21 =	vld [tilespmem:$0x1FA80]  }
0x2ab: {  	v4 =	vmin.f32 v4, v23;
	v7 =	vmax.f32 v13, v7;
	v13 =	vld [tilespmem:$0x1FC00]  }
0x2ac: {  	v4 =	vmin.f32 v4, v62;
	v2 =	vmin.f32 v2, v26;
	v26 =	vld.idx.msk [tilespmem:v6+s14+$0x0], $0xffff  }
0x2ad: {  	v4 =	vmin.f32 v4, v55;
	v8 =	vmin.f32 v22, v8;
	v22 =	vor.u32 $0x1F, v15;
	v55 =	vld.idx.msk [tilespmem:v14+s14+$0x0], $0xffff  }
0x2ae: {  	v8 =	vmin.f32 v8, v16;
	v16 =	vor.u32 $0x17, v15;
	v11 =	vld.idx.msk [tilespmem:v14+s13+$0x0], $0xffff  }
0x2af: {  	v6 =	vld.idx.msk [tilespmem:v6+s13+$0x0], $0xffff  }
0x2b0: {  	v5 =	vmax.f32 v5, v12;
	v12 =	vld [tilespmem:$0x1FB30]  }
0x2b1: {  	v14 =	vld [tilespmem:$0x1FB40]  }
0x2b2: {  	v0 =	vmax.f32 v0, v18;
	v8 =	vmin.f32 v8, v25;
	v25 =	vor.u32 $0x27, v15;
	v60 =	vld.idx.msk [tilespmem:v22+s14+$0x0], $0xffff  }
0x2b3: {  	v0 =	vmax.f32 v0, v53;
	v57 =	vld.idx.msk [tilespmem:v16+s14+$0x0], $0xffff  }
0x2b4: {  	v3 =	vmax.f32 v3, v46;
	v0 =	vmax.f32 v0, v13;
	v13 =	vld [tilespmem:$0x1FC10]  }
0x2b5: {  	v1 =	vmin.f32 v1, v37;
	v4 =	vmin.f32 v4, v42;
	v3 =	vmax.f32 v3, v12;
	v12 =	vld.idx.msk [tilespmem:v16+s13+$0x0], $0xffff  }
0x2b6: {  	v23 =	vor.u32 $0x3E, v15;
	v2 =	vmin.f32 v2, v63;
	v4 =	vmin.f32 v4, v21;
	v16 =	vld [tilespmem:$0x1FB70]  }
0x2b7: {  	v17 =	vmin.f32 v48, v17;
	v2 =	vmin.f32 v2, v45;
	v1 =	vmin.f32 v1, v4;
	v4 =	vld.idx.msk [tilespmem:v25+s14+$0x0], $0xffff  }
0x2b8: {  	v2 =	vmin.f32 v2, v56;
	v7 =	vmax.f32 v7, v20;
	v8 =	vmin.f32 v8, v30;
	v30 =	vld.idx.msk [tilespmem:v15+s13+$0x0], $0xffff  }
0x2b9: {  	v2 =	vmin.f32 v2, v58;
	v26 =	vmin.f32 v55, v26;
	v7 =	vmax.f32 v7, v13;
	v13 =	vld [tilespmem:$0x1FC20]  }
0x2ba: {  	v8 =	vmin.f32 v8, v43;
	v3 =	vmax.f32 v3, v14;
	v14 =	vld [tilespmem:$0x1FB50];
	v26 =	vmin.f32 v26, v57  }
0x2bb: {  	v8 =	vmin.f32 v8, v33;
	v26 =	vmin.f32 v26, v60;
	v3 =	vmax.f32 v3, v16;
	v16 =	vld [tilespmem:$0x1FB80]  }
0x2bc: {  	v5 =	vmax.f32 v5, v34;
	v8 =	vmin.f32 v8, v59;
	v4 =	vmin.f32 v26, v4;
	v26 =	vld [tilespmem:$0x1FAD0]  }
0x2bd: {  	v2 =	vmin.f32 v2, v8;
	v8 =	vmax.f32 v30, v50;
	v3 =	vmax.f32 v3, v19;
	v19 =	vld [tilespmem:$0x1FBB0]  }
0x2be: {  	v5 =	vmax.f32 v5, v35;
	v8 =	vmax.f32 v8, v29;
	v0 =	vmax.f32 v0, v13;
	v13 =	vld [tilespmem:$0x1FC30]  }
0x2bf: {  	v10 =	vmin.f32 v17, v10;
	v8 =	vmax.f32 v8, v51;
	v5 =	vmax.f32 v5, v14;
	v14 =	vld [tilespmem:$0x1FB60]  }
0x2c0: {  	v17 =	vor.u32 $0x2F, v15;
	v8 =	vmax.f32 v8, v40;
	v5 =	vmax.f32 v5, v16;
	v16 =	vld [tilespmem:$0x1FB90]  }
0x2c1: {  	v8 =	vmax.f32 v8, v26;
	v26 =	vld [tilespmem:$0x1FAE0]  }
0x2c2: {  	v9 =	vmax.f32 v9, v32;
	v10 =	vmin.f32 v10, v28;
	v5 =	vmax.f32 v5, v19;
	v19 =	vld [tilespmem:$0x1FBC0]  }
0x2c3: {  	v24 =	vmax.f32 v24, v47;
	v10 =	vmin.f32 v10, v54;
	v7 =	vmax.f32 v7, v13;
	v13 =	vld [tilespmem:$0x1FC40]  }
0x2c4: {  	v9 =	vmax.f32 v9, v36;
	v24 =	vmax.f32 v24, v52;
	v21 =	vld.idx.msk [tilespmem:v23+s14+$0x0], $0xffff;
	v10 =	vmin.f32 v10, v38  }
0x2c5: {  	v24 =	vmax.f32 v24, v41;
	v10 =	vmin.f32 v10, v27;
	v27 =	vld.idx.msk [tilespmem:v17+s14+$0x0], $0xffff;
	v9 =	vmax.f32 v9, v14  }
0x2c6: {  	v9 =	vmax.f32 v9, v16;
	v24 =	vmax.f32 v24, v26;
	v26 =	vld [tilespmem:$0x1FAF0]  }
0x2c7: {  	v9 =	vmax.f32 v9, v19;
	v19 =	vld [tilespmem:$0x1FBD0]  }
0x2c8: {  	v0 =	vmax.f32 v0, v13;
	v13 =	vld [tilespmem:$0x1FC50]  }
0x2c9: {  	v28 =	vor.u32 $0x37, v15;
	v15 =	vor.u32 $0x3F, v15;
	v17 =	vld.idx.msk [tilespmem:v17+s13+$0x0], $0xffff  }
0x2ca: {  	v6 =	vmax.f32 v11, v6;
	v11 =	vld.idx.msk [tilespmem:v23+s13+$0x0], $0xffff  }
0x2cb: {  	v8 =	vmax.f32 v8, v26;
	v26 =	vld [tilespmem:$0x1FB00]  }
0x2cc: {  	v3 =	vmax.f32 v3, v19;
	v19 =	vld [tilespmem:$0x1FBE0]  }
0x2cd: {  	v7 =	vmax.f32 v7, v13;
	v13 =	vld [tilespmem:$0x1FC60]  }
0x2ce: {  	v30 =	vld.idx.msk [tilespmem:v15+s14+$0x0], $0xffff  }
0x2cf: {  	v29 =	vld.idx.msk [tilespmem:v28+s14+$0x0], $0xffff  }
0x2d0: {  	v24 =	vmax.f32 v24, v26;
	v26 =	vld [tilespmem:$0x1FB10]  }
0x2d1: {  	v5 =	vmax.f32 v5, v19;
	v19 =	vld [tilespmem:$0x1FBF0]  }
0x2d2: {  	v0 =	vmax.f32 v0, v13;
	v13 =	vld [tilespmem:$0x1FC70]  }
0x2d3: {  	v14 =	vld.idx.msk [tilespmem:v22+s13+$0x0], $0xffff  }
0x2d4: {  	v16 =	vld.idx.msk [tilespmem:v25+s13+$0x0], $0xffff  }
0x2d5: {  	v8 =	vmax.f32 v8, v26;
	v26 =	vld [tilespmem:$0x1FB20]  }
0x2d6: {  	v9 =	vmax.f32 v9, v19;
	v19 =	vld.idx.msk [tilespmem:v28+s13+$0x0], $0xffff  }
0x2d7: {  	v6 =	vmax.f32 v6, v12;
	v7 =	vmax.f32 v7, v13;
	v13 =	vld [tilespmem:$0x1FC80]  }
0x2d8: {  	v12 =	vld.idx.msk [tilespmem:v15+s13+$0x0], $0xffff;
	v4 =	vmin.f32 v4, v27;
	v6 =	vmax.f32 v6, v14  }
0x2d9: {  	v10 =	vmin.f32 v10, v21;
	v4 =	vmin.f32 v4, v29;
	v6 =	vmax.f32 v6, v16  }
0x2da: {  	s31 =	simm.s32 $0x10;
	v4 =	vmin.f32 v4, v30;
	v6 =	vmax.f32 v6, v17;
	v3 =	vmax.f32 v3, v5  }
0x2db: {  	v7 =	vmax.f32 v7, v11;
	v11 =	vmov s31;
	v24 =	vmax.f32 v24, v26  }
0x2dc: {  	v6 =	vmax.f32 v6, v19;
	v5 =	vshll.u32 v11, $0x6;
	v0 =	vmax.f32 v0, v13  }
0x2dd: {  	v6 =	vmax.f32 v6, v12;
	v9 =	vmax.f32 v9, v0;
	v0 =	vor.u32 v31, v5  }
0x2de: {  	v8 =	vmax.f32 v8, v24;
	v6 =	vmax.f32 v7, v6;
	v5 =	vor.u32 $0x38, v0  }
0x2df: {  	v4 =	vmin.f32 v10, v4;
	v3 =	vmax.f32 v8, v3;
	v6 =	vmax.f32 v9, v6  }
0x2e0: {  	s26 =	simm.s32 $0x12000;
	v1 =	vmin.f32 v49, v1;
	v2 =	vmin.f32 v2, v4;
	v3 =	vmax.f32 v3, v6  }
0x2e1: {  	s28 =	simm.s32 $0x12180;
	v1 =	vmin.f32 v1, v2;
	[tilespmem:s26+$0x0] =	vst v3  }
0x2e2: {  	[tilespmem:s28+$0x0] =	vst v1  }
0x2e3: {  	v8 =	vor.u32 $0x39, v0;
	v1 =	vld.idx.msk [tilespmem:v5+s14+$0x0], $0xffff;
	_ =	sdelay $0x4  }
0x2e4: {  	v6 =	vor.u32 $0x3A, v0;
	[tilespmem:$0x1FDA0] =	vst v1;
	v1 =	vld.idx.msk [tilespmem:v8+s14+$0x0], $0xffff;
	_ =	sdelay $0x4  }
0x2e5: {  	v3 =	vor.u32 $0x3B, v0;
	[tilespmem:$0x1FDD0] =	vst v1;
	v1 =	vld.idx.msk [tilespmem:v6+s14+$0x0], $0xffff;
	_ =	sdelay $0x4  }
0x2e6: {  	v10 =	vor.u32 $0x3C, v0;
	[tilespmem:$0x1FDE0] =	vst v1;
	v1 =	vld.idx.msk [tilespmem:v3+s14+$0x0], $0xffff;
	_ =	sdelay $0x4  }
0x2e7: {  	v11 =	vor.u32 $0x3D, v0;
	[tilespmem:$0x1FE00] =	vst v1;
	v1 =	vld.idx.msk [tilespmem:v10+s14+$0x0], $0xffff;
	_ =	sdelay $0x3  }
0x2e8: {  	v40 =	vld.idx.msk [tilespmem:v8+s13+$0x0], $0xffff  }
0x2e9: {  	v8 =	vor.u32 $0x31, v0;
	[tilespmem:$0x1FE70] =	vst v1;
	v1 =	vld.idx.msk [tilespmem:v11+s14+$0x0], $0xffff;
	_ =	sdelay $0x3  }
0x2ea: {  	[tilespmem:$0x1FC90] =	vst v31;
	v31 =	vld.idx.msk [tilespmem:v3+s13+$0x0], $0xffff  }
0x2eb: {  	v3 =	vor.u32 $0x32, v0;
	[tilespmem:$0x1FE80] =	vst v1;
	v1 =	vld.idx.msk [tilespmem:v8+s14+$0x0], $0xffff;
	_ =	sdelay $0x4  }
0x2ec: {  	v15 =	vor.u32 $0x33, v0;
	[tilespmem:$0x1FDB0] =	vst v1;
	v1 =	vld.idx.msk [tilespmem:v3+s14+$0x0], $0xffff;
	_ =	sdelay $0x2  }
0x2ed: {  	v13 =	vor.u32 $0x3E, v0;
	_ =	sdelay $0x1  }
0x2ee: {  	v16 =	vor.u32 $0x34, v0;
	[tilespmem:$0x1FDC0] =	vst v1;
	v1 =	vld.idx.msk [tilespmem:v15+s14+$0x0], $0xffff;
	_ =	sdelay $0x2  }
0x2ef: {  	v37 =	vld.idx.msk [tilespmem:v13+s14+$0x0], $0xffff  }
0x2f0: {  	v28 =	vld.idx.msk [tilespmem:v13+s13+$0x0], $0xffff  }
0x2f1: {  	v13 =	vor.u32 $0x35, v0;
	[tilespmem:$0x1FDF0] =	vst v1;
	v1 =	vld.idx.msk [tilespmem:v16+s14+$0x0], $0xffff;
	_ =	sdelay $0x4  }
0x2f2: {  	v17 =	vor.u32 $0x36, v0;
	[tilespmem:$0x1FE40] =	vst v1;
	v1 =	vld.idx.msk [tilespmem:v13+s14+$0x0], $0xffff;
	_ =	sdelay $0x4  }
0x2f3: {  	[tilespmem:$0x1FE50] =	vst v1;
	v1 =	vld.idx.msk [tilespmem:v17+s14+$0x0], $0xffff;
	_ =	sdelay $0x3  }
0x2f4: {  	v34 =	vld.idx.msk [tilespmem:v13+s13+$0x0], $0xffff  }
0x2f5: {  	v13 =	vor.u32 $0x2C, v0;
	[tilespmem:$0x1FEA0] =	vst v1;
	v1 =	vld.idx.msk [tilespmem:v8+s13+$0x0], $0xffff;
	_ =	sdelay $0x4  }
0x2f6: {  	v21 =	vor.u32 $0x2D, v0;
	[tilespmem:$0x1FCA0] =	vst v1;
	v1 =	vld.idx.msk [tilespmem:v13+s14+$0x0], $0xffff;
	_ =	sdelay $0x2  }
0x2f7: {  	v38 =	vld.idx.msk [tilespmem:v5+s13+$0x0], $0xffff;
	v5 =	vor.u32 $0x30, v0;
	_ =	sdelay $0x1  }
0x2f8: {  	v23 =	vor.u32 $0x2E, v0;
	[tilespmem:$0x1FE20] =	vst v1;
	v1 =	vld.idx.msk [tilespmem:v21+s14+$0x0], $0xffff;
	_ =	sdelay $0x2  }
0x2f9: {  	v22 =	vld.idx.msk [tilespmem:v5+s14+$0x0], $0xffff  }
0x2fa: {  	v51 =	vld.idx.msk [tilespmem:v5+s13+$0x0], $0xffff  }
0x2fb: {  	v5 =	vor.u32 $0x28, v0;
	[tilespmem:$0x1FE30] =	vst v1;
	v1 =	vld.idx.msk [tilespmem:v23+s14+$0x0], $0xffff;
	_ =	sdelay $0x3  }
0x2fc: {  	v43 =	vld.idx.msk [tilespmem:v3+s13+$0x0], $0xffff  }
0x2fd: {  	v3 =	vor.u32 $0x29, v0;
	[tilespmem:$0x1FE90] =	vst v1;
	v1 =	vld.idx.msk [tilespmem:v5+s13+$0x0], $0xffff;
	_ =	sdelay $0x4  }
0x2fe: {  	v8 =	vor.u32 $0x2A, v0;
	[tilespmem:$0x1FCB0] =	vst v1;
	v1 =	vld.idx.msk [tilespmem:v3+s13+$0x0], $0xffff;
	_ =	sdelay $0x4  }
0x2ff: {  	v20 =	vor.u32 $0x2B, v0;
	[tilespmem:$0x1FCC0] =	vst v1;
	v1 =	vld.idx.msk [tilespmem:v8+s13+$0x0], $0xffff;
	_ =	sdelay $0x4  }
0x300: {  	[tilespmem:$0x1FCD0] =	vst v1;
	v1 =	vld.idx.msk [tilespmem:v20+s13+$0x0], $0xffff;
	_ =	sdelay $0x3  }
0x301: {  	v24 =	vld.idx.msk [tilespmem:v20+s14+$0x0], $0xffff  }
0x302: {  	v20 =	vor.u32 $0x24, v0;
	[tilespmem:$0x1FCE0] =	vst v1;
	v1 =	vld.idx.msk [tilespmem:v13+s13+$0x0], $0xffff;
	_ =	sdelay $0x4  }
0x303: {  	v61 =	vor.u32 $0x26, v0;
	[tilespmem:$0x1FCF0] =	vst v1;
	v1 =	vld.idx.msk [tilespmem:v20+s14+$0x0], $0xffff;
	_ =	sdelay $0x3  }
0x304: {  	v30 =	vld.idx.msk [tilespmem:v3+s14+$0x0], $0xffff  }
0x305: {  	v3 =	vor.u32 $0x20, v0;
	[tilespmem:$0x1FE10] =	vst v1;
	v1 =	vld.idx.msk [tilespmem:v61+s14+$0x0], $0xffff;
	_ =	sdelay $0x3  }
0x306: {  	v25 =	vld.idx.msk [tilespmem:v5+s14+$0x0], $0xffff  }
0x307: {  	v5 =	vor.u32 $0x21, v0;
	[tilespmem:$0x1FE60] =	vst v1;
	v1 =	vld.idx.msk [tilespmem:v3+s13+$0x0], $0xffff;
	_ =	sdelay $0x3  }
0x308: {  	v35 =	vld.idx.msk [tilespmem:v8+s14+$0x0], $0xffff  }
0x309: {  	v8 =	vor.u32 $0x22, v0;
	[tilespmem:$0x1FD00] =	vst v1;
	v1 =	vld.idx.msk [tilespmem:v5+s13+$0x0], $0xffff;
	_ =	sdelay $0x4  }
0x30a: {  	v13 =	vor.u32 $0x23, v0;
	[tilespmem:$0x1FD10] =	vst v1;
	v1 =	vld.idx.msk [tilespmem:v8+s13+$0x0], $0xffff;
	_ =	sdelay $0x4  }
0x30b: {  	[tilespmem:$0x1FD20] =	vst v1;
	v1 =	vld.idx.msk [tilespmem:v13+s13+$0x0], $0xffff;
	_ =	sdelay $0x3  }
0x30c: {  	v46 =	vld.idx.msk [tilespmem:v21+s13+$0x0], $0xffff  }
0x30d: {  	v21 =	vor.u32 $0x25, v0;
	[tilespmem:$0x1FD30] =	vst v1;
	v1 =	vld.idx.msk [tilespmem:v20+s13+$0x0], $0xffff;
	_ =	sdelay $0x3  }
0x30e: {  	v41 =	vld.idx.msk [tilespmem:v3+s14+$0x0], $0xffff  }
0x30f: {  	v3 =	vor.u32 $0x18, v0;
	[tilespmem:$0x1FD40] =	vst v1;
	v1 =	vld.idx.msk [tilespmem:v21+s13+$0x0], $0xffff;
	_ =	sdelay $0x3  }
0x310: {  	v42 =	vld.idx.msk [tilespmem:v5+s14+$0x0], $0xffff  }
0x311: {  	v5 =	vor.u32 $0x19, v0;
	[tilespmem:$0x1FD50] =	vst v1;
	v1 =	vld.idx.msk [tilespmem:v3+s13+$0x0], $0xffff;
	_ =	sdelay $0x3  }
0x312: {  	v48 =	vld.idx.msk [tilespmem:v8+s14+$0x0], $0xffff  }
0x313: {  	v8 =	vor.u32 $0x1A, v0;
	[tilespmem:$0x1FEB0] =	vst v1;
	v1 =	vld.idx.msk [tilespmem:v5+s13+$0x0], $0xffff;
	_ =	sdelay $0x1  }
0x314: {  	v33 =	vld.idx.msk [tilespmem:v10+s13+$0x0], $0xffff  }
0x315: {  	v27 =	vld.idx.msk [tilespmem:v11+s13+$0x0], $0xffff  }
0x316: {  	v44 =	vld.idx.msk [tilespmem:v15+s13+$0x0], $0xffff  }
0x317: {  	v62 =	vor.u32 $0x1B, v0;
	[tilespmem:$0x1FEC0] =	vst v1;
	v1 =	vld.idx.msk [tilespmem:v8+s13+$0x0], $0xffff  }
0x318: {  	v32 =	vld.idx.msk [tilespmem:v61+s13+$0x0], $0xffff  }
0x319: {  	v50 =	vld.idx.msk [tilespmem:v5+s14+$0x0], $0xffff;
	v5 =	vor.u32 $0x1D, v0  }
0x31a: {  	v49 =	vld.idx.msk [tilespmem:v13+s14+$0x0], $0xffff  }
0x31b: {  	v13 =	vld.idx.msk [tilespmem:v3+s14+$0x0], $0xffff  }
0x31c: {  	v3 =	vor.u32 $0x1C, v0;
	[tilespmem:$0x1FD60] =	vst v1;
	v1 =	vld.idx.msk [tilespmem:v62+s13+$0x0], $0xffff  }
0x31d: {  	v56 =	vld.idx.msk [tilespmem:v8+s14+$0x0], $0xffff  }
0x31e: {  	v8 =	vor.u32 $0x1E, v0;
	v60 =	vld.idx.msk [tilespmem:v5+s14+$0x0], $0xffff  }
0x31f: {  	v39 =	vld.idx.msk [tilespmem:v5+s13+$0x0], $0xffff;
	v5 =	vor.u32 $0x11, v0  }
0x320: {  	v58 =	vld.idx.msk [tilespmem:v62+s14+$0x0], $0xffff  }
0x321: {  	[tilespmem:$0x1FD70] =	vst v1;
	v1 =	vld.idx.msk [tilespmem:v3+s13+$0x0], $0xffff  }
0x322: {  	v59 =	vld.idx.msk [tilespmem:v3+s14+$0x0], $0xffff;
	v3 =	vor.u32 $0x10, v0  }
0x323: {  	v19 =	vld.idx.msk [tilespmem:v8+s14+$0x0], $0xffff  }
0x324: {  	v63 =	vld.idx.msk [tilespmem:v5+s14+$0x0], $0xffff  }
0x325: {  	v54 =	vld.idx.msk [tilespmem:v5+s13+$0x0], $0xffff;
	v5 =	vor.u32 $0x14, v0  }
0x326: {  	[tilespmem:$0x1FD80] =	vst v1;
	v1 =	vld.idx.msk [tilespmem:v8+s13+$0x0], $0xffff;
	v8 =	vor.u32 $0x12, v0  }
0x327: {  	v52 =	vld.idx.msk [tilespmem:v3+s14+$0x0], $0xffff  }
0x328: {  	v62 =	vld.idx.msk [tilespmem:v3+s13+$0x0], $0xffff;
	v3 =	vor.u32 $0x13, v0  }
0x329: {  	v55 =	vld.idx.msk [tilespmem:v21+s14+$0x0], $0xffff  }
0x32a: {  	v21 =	vld.idx.msk [tilespmem:v5+s14+$0x0], $0xffff  }
0x32b: {  	v53 =	vor.u32 $0x8, v0;
	v12 =	vld.idx.msk [tilespmem:v8+s14+$0x0], $0xffff  }
0x32c: {  	v61 =	vld.idx.msk [tilespmem:v8+s13+$0x0], $0xffff  }
0x32d: {  	v18 =	vld.idx.msk [tilespmem:v3+s14+$0x0], $0xffff  }
0x32e: {  	v57 =	vld.idx.msk [tilespmem:v3+s13+$0x0], $0xffff;
	v3 =	vor.u32 $0x1, v0  }
0x32f: {  	v8 =	vld.idx.msk [tilespmem:v5+s13+$0x0], $0xffff;
	v5 =	vor.u32 $0x9, v0  }
0x330: {  	v7 =	vld.idx.msk [tilespmem:v53+s14+$0x0], $0xffff  }
0x331: {  	v29 =	vld.idx.msk [tilespmem:v6+s13+$0x0], $0xffff  }
0x332: {  	v10 =	vor.u32 $0xA, v0;
	[tilespmem:$0x1FD90] =	vst v1;
	v1 =	vld.idx.msk [tilespmem:v0+s14+$0x0], $0xffff  }
0x333: {  	v14 =	vor.u32 $0xB, v0;
	v9 =	vld.idx.msk [tilespmem:v3+s14+$0x0], $0xffff  }
0x334: {  	v11 =	vor.u32 $0x3, v0;
	v6 =	vld.idx.msk [tilespmem:v5+s14+$0x0], $0xffff  }
0x335: {  	v20 =	vld.idx.msk [tilespmem:v3+s13+$0x0], $0xffff;
	v3 =	vor.u32 $0x2, v0  }
0x336: {  	v47 =	vld.idx.msk [tilespmem:v23+s13+$0x0], $0xffff  }
0x337: {  	v4 =	vld.idx.msk [tilespmem:v10+s14+$0x0], $0xffff  }
0x338: {  	v1 =	vmin.f32 v1, v7;
	v7 =	vld.idx.msk [tilespmem:v14+s14+$0x0], $0xffff  }
0x339: {  	v6 =	vmin.f32 v9, v6;
	v9 =	vld.idx.msk [tilespmem:v11+s14+$0x0], $0xffff  }
0x33a: {  	v2 =	vld.idx.msk [tilespmem:v3+s14+$0x0], $0xffff  }
0x33b: {  	v23 =	vld.idx.msk [tilespmem:v53+s13+$0x0], $0xffff;
	v53 =	vor.u32 $0x15, v0  }
0x33c: {  	v45 =	vld.idx.msk [tilespmem:v16+s13+$0x0], $0xffff;
	v1 =	vmin.f32 v1, v52  }
0x33d: {  	v36 =	vld.idx.msk [tilespmem:v17+s13+$0x0], $0xffff;
	v1 =	vmin.f32 v1, v13  }
0x33e: {  	v15 =	vld.idx.msk [tilespmem:v5+s13+$0x0], $0xffff;
	v5 =	vor.u32 $0xD, v0;
	v1 =	vmin.f32 v1, v41;
	v7 =	vmin.f32 v9, v7  }
0x33f: {  	v2 =	vmin.f32 v2, v4;
	v4 =	vmin.f32 v6, v63;
	v7 =	vmin.f32 v7, v18;
	v18 =	vld [tilespmem:$0x1FDC0]  }
0x340: {  	v17 =	vld.idx.msk [tilespmem:v53+s14+$0x0], $0xffff;
	v1 =	vmin.f32 v1, v25;
	v2 =	vmin.f32 v2, v12;
	v4 =	vmin.f32 v4, v50  }
0x341: {  	v13 =	vld.idx.msk [tilespmem:v3+s13+$0x0], $0xffff;
	v1 =	vmin.f32 v1, v22;
	v2 =	vmin.f32 v2, v56;
	v22 =	vmin.f32 v4, v42  }
0x342: {  	v16 =	vor.u32 $0xC, v0;
	v2 =	vmin.f32 v2, v48;
	v30 =	vmin.f32 v22, v30;
	v22 =	vld.idx.msk [tilespmem:v10+s13+$0x0], $0xffff  }
0x343: {  	v52 =	vor.u32 $0x5, v0;
	v10 =	vld [tilespmem:$0x1FDB0];
	v2 =	vmin.f32 v2, v35  }
0x344: {  	v2 =	vmin.f32 v2, v18;
	v18 =	vld [tilespmem:$0x1FDD0]  }
0x345: {  	v26 =	vor.u32 $0x4, v0;
	v25 =	vld.idx.msk [tilespmem:v5+s14+$0x0], $0xffff  }
0x346: {  	v50 =	vor.u32 $0x6, v0;
	v4 =	vld [tilespmem:$0x1FDA0]  }
0x347: {  	v3 =	vor.u32 $0xE, v0;
	v6 =	vld.idx.msk [tilespmem:v16+s14+$0x0], $0xffff  }
0x348: {  	v9 =	vld.idx.msk [tilespmem:v52+s14+$0x0], $0xffff;
	v10 =	vmin.f32 v30, v10  }
0x349: {  	v10 =	vmin.f32 v10, v18;
	v18 =	vld [tilespmem:$0x1FDE0]  }
0x34a: {  	v12 =	vld.idx.msk [tilespmem:v26+s14+$0x0], $0xffff  }
0x34b: {  	v63 =	vld.idx.msk [tilespmem:v50+s14+$0x0], $0xffff;
	v1 =	vmin.f32 v1, v4;
	v4 =	vor.u32 $0x16, v0  }
0x34c: {  	v30 =	vld.idx.msk [tilespmem:v3+s14+$0x0], $0xffff  }
0x34d: {  	v56 =	vmin.f32 v1, v10;
	v10 =	vld [tilespmem:$0x1FDF0]  }
0x34e: {  	v2 =	vmin.f32 v2, v18;
	v18 =	vld.idx.msk [tilespmem:v11+s13+$0x0], $0xffff  }
0x34f: {  	v11 =	vld [tilespmem:$0x1FE00]  }
0x350: {  	v7 =	vmin.f32 v7, v58;
	v1 =	vmin.f32 v12, v6;
	v6 =	vmin.f32 v9, v25;
	v9 =	vld.idx.msk [tilespmem:v4+s14+$0x0], $0xffff  }
0x351: {  	v7 =	vmin.f32 v7, v49  }
0x352: {  	v7 =	vmin.f32 v7, v24;
	v6 =	vmin.f32 v6, v17  }
0x353: {  	v6 =	vmin.f32 v6, v60;
	v60 =	vld.idx.msk [tilespmem:v16+s13+$0x0], $0xffff;
	v10 =	vmin.f32 v7, v10  }
0x354: {  	v16 =	vld [tilespmem:$0x1FE10];
	v10 =	vmin.f32 v10, v11;
	v11 =	vmin.f32 v63, v30  }
0x355: {  	v9 =	vmin.f32 v11, v9;
	v11 =	vld [tilespmem:$0x1FE20];
	_ =	sdelay $0x1  }
0x356: {  	v24 =	vld.idx.msk [tilespmem:v14+s13+$0x0], $0xffff;
	v1 =	vmin.f32 v1, v21  }
0x357: {  	v41 =	vor.u32 $0x2F, v0;
	v48 =	vor.u32 $0x27, v0;
	v1 =	vmin.f32 v1, v59;
	v59 =	vld.idx.msk [tilespmem:v26+s13+$0x0], $0xffff  }
0x358: {  	v14 =	vor.u32 $0x7, v0;
	v12 =	vor.u32 $0xF, v0;
	v1 =	vmin.f32 v1, v16;
	v16 =	vld [tilespmem:$0x1FE30]  }
0x359: {  	v25 =	vor.u32 $0x3F, v0;
	v26 =	vor.u32 $0x37, v0;
	v1 =	vmin.f32 v1, v11;
	v11 =	vld.idx.msk [tilespmem:v0+s13+$0x0], $0xffff  }
0x35a: {  	v6 =	vmin.f32 v6, v55;
	v55 =	vor.u32 $0x1F, v0;
	v7 =	vor.u32 $0x17, v0;
	v0 =	vld [tilespmem:$0x1FE60];
	_ =	sdelay $0x3  }
0x35b: {  	v9 =	vmin.f32 v9, v19;
	v6 =	vmin.f32 v6, v16;
	v16 =	vld [tilespmem:$0x1FE40]  }
0x35c: {  	v0 =	vmin.f32 v9, v0;
	v9 =	vld [tilespmem:$0x1FE70];
	_ =	sdelay $0x3  }
0x35d: {  	v1 =	vmin.f32 v1, v16;
	v16 =	vld [tilespmem:$0x1FE50]  }
0x35e: {  	v1 =	vmin.f32 v1, v9;
	v9 =	vld [tilespmem:$0x1FE80];
	_ =	sdelay $0x3  }
0x35f: {  	v21 =	vld.idx.msk [tilespmem:v14+s14+$0x0], $0xffff;
	v6 =	vmin.f32 v6, v16  }
0x360: {  	v6 =	vmin.f32 v6, v9;
	v9 =	vld [tilespmem:$0x1FE90]  }
0x361: {  	v17 =	vld.idx.msk [tilespmem:v12+s14+$0x0], $0xffff  }
0x362: {  	v16 =	vld.idx.msk [tilespmem:v7+s14+$0x0], $0xffff;
	_ =	sdelay $0x2  }
0x363: {  	v9 =	vmin.f32 v0, v9;
	v0 =	vmin.f32 v2, v10;
	v2 =	vld [tilespmem:$0x1FEA0]  }
0x364: {  	v53 =	vld.idx.msk [tilespmem:v53+s13+$0x0], $0xffff;
	v1 =	vmin.f32 v1, v6;
	v6 =	vmax.f32 v11, v23;
	v11 =	vmin.f32 v21, v17  }
0x365: {  	v17 =	vmax.f32 v6, v62;
	v6 =	vmin.f32 v11, v16;
	v11 =	vld [tilespmem:$0x1FEC0];
	v10 =	vmax.f32 v20, v15  }
0x366: {  	v15 =	vmax.f32 v10, v54;
	v10 =	vld [tilespmem:$0x1FEB0]  }
0x367: {  	v54 =	vld.idx.msk [tilespmem:v55+s14+$0x0], $0xffff  }
0x368: {  	v2 =	vmin.f32 v9, v2;
	v9 =	vld.idx.msk [tilespmem:v48+s14+$0x0], $0xffff  }
0x369: {  	v58 =	vld.idx.msk [tilespmem:v41+s14+$0x0], $0xffff  }
0x36a: {  	v30 =	vld.idx.msk [tilespmem:v26+s14+$0x0], $0xffff  }
0x36b: {  	s29 =	simm.s32 $0x20;
	v19 =	vld.idx.msk [tilespmem:v25+s14+$0x0], $0xffff;
	v11 =	vmax.f32 v15, v11;
	v10 =	vmax.f32 v17, v10  }
.LBB2_8:
0x36c: {  	v15 =	vld [tilespmem:$0x1FD00];
	v6 =	vmin.f32 v6, v54  }
0x36d: {  	v6 =	vmin.f32 v6, v9;
	v9 =	vld [tilespmem:$0x1FCB0];
	_ =	sdelay $0x3  }
0x36e: {  	v10 =	vmax.f32 v10, v15;
	v15 =	vld [tilespmem:$0x1FD10]  }
0x36f: {  	v9 =	vmax.f32 v10, v9;
	v10 =	vld [tilespmem:$0x1FCC0];
	_ =	sdelay $0x3  }
0x370: {  	v11 =	vmax.f32 v11, v15  }
0x371: {  	v10 =	vmax.f32 v11, v10;
	v11 =	vld [tilespmem:$0x1FCA0]  }
0x372: {  	v4 =	vld.idx.msk [tilespmem:v4+s13+$0x0], $0xffff  }
0x373: {  	v5 =	vld.idx.msk [tilespmem:v5+s13+$0x0], $0xffff  }
0x374: {  	v3 =	vld.idx.msk [tilespmem:v3+s13+$0x0], $0xffff;
	v16 =	vmax.f32 v59, v60  }
0x375: {  	v8 =	vmax.f32 v16, v8;
	v16 =	vld [tilespmem:$0x1FD60]  }
0x376: {  	v17 =	vld [tilespmem:$0x1FD20];
	v9 =	vmax.f32 v9, v51;
	v10 =	vmax.f32 v10, v11  }
0x377: {  	v12 =	vld.idx.msk [tilespmem:v12+s13+$0x0], $0xffff;
	v9 =	vmax.f32 v9, v38;
	v10 =	vmax.f32 v10, v40  }
0x378: {  	v13 =	vmax.f32 v13, v22;
	v9 =	vmax.f32 v9, v10;
	v10 =	vld.idx.msk [tilespmem:v14+s13+$0x0], $0xffff  }
0x379: {  	v13 =	vmax.f32 v13, v61;
	v14 =	vmax.f32 v18, v24;
	v18 =	vld [tilespmem:$0x1FCD0]  }
0x37a: {  	v13 =	vmax.f32 v13, v16;
	v16 =	vld [tilespmem:$0x1FD70]  }
0x37b: {  	v13 =	vmax.f32 v13, v17;
	v17 =	vld [tilespmem:$0x1FD30]  }
0x37c: {  	v11 =	vld.idx.msk [tilespmem:v50+s13+$0x0], $0xffff  }
0x37d: {  	v7 =	vld.idx.msk [tilespmem:v7+s13+$0x0], $0xffff  }
0x37e: {  	v13 =	vmax.f32 v13, v18;
	v18 =	vld [tilespmem:$0x1FCE0]  }
0x37f: {  	v15 =	vld.idx.msk [tilespmem:v52+s13+$0x0], $0xffff;
	v14 =	vmax.f32 v14, v57  }
0x380: {  	v14 =	vmax.f32 v14, v16;
	v16 =	vld [tilespmem:$0x1FD80]  }
0x381: {  	v14 =	vmax.f32 v14, v17;
	v17 =	vld [tilespmem:$0x1FD40];
	v3 =	vmax.f32 v11, v3;
	v10 =	vmax.f32 v10, v12  }
0x382: {  	v3 =	vmax.f32 v3, v4;
	v4 =	vmax.f32 v10, v7;
	v7 =	vld [tilespmem:$0x1FD90]  }
0x383: {  	v14 =	vmax.f32 v14, v18;
	v18 =	vld [tilespmem:$0x1FCF0];
	_ =	sdelay $0x1  }
0x384: {  	v8 =	vmax.f32 v8, v16;
	v16 =	vld.idx.msk [tilespmem:v55+s13+$0x0], $0xffff  }
0x385: {  	v2 =	vmin.f32 v2, v37;
	v8 =	vmax.f32 v8, v17;
	v17 =	vld.idx.msk [tilespmem:v48+s13+$0x0], $0xffff  }
0x386: {  	v6 =	vmin.f32 v6, v58;
	v5 =	vmax.f32 v15, v5;
	v3 =	vmax.f32 v3, v7;
	v7 =	vld [tilespmem:$0x1FD50]  }
0x387: {  	v6 =	vmin.f32 v6, v30;
	v5 =	vmax.f32 v5, v53;
	v8 =	vmax.f32 v8, v18;
	v18 =	vld.idx.msk [tilespmem:v41+s13+$0x0], $0xffff  }
0x388: {  	v6 =	vmin.f32 v6, v19;
	v19 =	vld.idx.msk [tilespmem:v26+s13+$0x0], $0xffff;
	v5 =	vmax.f32 v5, v39;
	v13 =	vmax.f32 v13, v43  }
0x389: {  	v11 =	vld.idx.msk [tilespmem:v25+s13+$0x0], $0xffff;
	v13 =	vmax.f32 v13, v29;
	v14 =	vmax.f32 v14, v44;
	v3 =	vmax.f32 v3, v32  }
0x38a: {  	v14 =	vmax.f32 v14, v31;
	v4 =	vmax.f32 v4, v16;
	v3 =	vmax.f32 v3, v47  }
0x38b: {  	v4 =	vmax.f32 v4, v17;
	v3 =	vmax.f32 v3, v36;
	v5 =	vmax.f32 v5, v7  }
0x38c: {  	v3 =	vmax.f32 v3, v28;
	v5 =	vmax.f32 v5, v46;
	v4 =	vmax.f32 v4, v18  }
0x38d: {  	v8 =	vmax.f32 v8, v45;
	v5 =	vmax.f32 v5, v34;
	v4 =	vmax.f32 v4, v19  }
0x38e: {  	v8 =	vmax.f32 v8, v33;
	v5 =	vmax.f32 v5, v27;
	v4 =	vmax.f32 v4, v11  }
0x38f: {  	v7 =	vmax.f32 v13, v14;
	v5 =	vmax.f32 v8, v5;
	v3 =	vmax.f32 v3, v4  }
0x390: {  	v2 =	vmin.f32 v2, v6;
	v4 =	vmax.f32 v9, v7;
	v3 =	vmax.f32 v5, v3  }
0x391: {  	v0 =	vmin.f32 v56, v0;
	s26 =	sadd.s32 $0x10, s26;
	v1 =	vmin.f32 v1, v2;
	v2 =	vmax.f32 v4, v3  }
0x392: {  	s28 =	sadd.s32 $0x10, s28;
	v0 =	vmin.f32 v0, v1;
	[tilespmem:s26+$0x0] =	vst v2  }
0x393: {  	[tilespmem:s28+$0x0] =	vst v0;
	v0 =	vld [tilespmem:$0x1FC90];
	_ =	sdelay $0x2  }
0x394: {  	v3 =	vmov s29  }
0x395: {  	v1 =	vshll.u32 v3, $0x6  }
0x396: {  	v53 =	vor.u32 v0, v1  }
0x397: {  	v0 =	vor.u32 $0x38, v53;
	_ =	sdelay $0x4  }
0x398: {  	v5 =	vld.idx.msk [tilespmem:v0+s14+$0x0], $0xffff  }
0x399: {  	v1 =	vor.u32 $0x39, v53;
	v0 =	vld.idx.msk [tilespmem:v0+s13+$0x0], $0xffff;
	_ =	sdelay $0x4  }
0x39a: {  	v2 =	vor.u32 $0x3A, v53;
	[tilespmem:$0x1F890] =	vst v0;
	v0 =	vld.idx.msk [tilespmem:v1+s13+$0x0], $0xffff;
	_ =	sdelay $0x4  }
0x39b: {  	v3 =	vor.u32 $0x3B, v53;
	[tilespmem:$0x1F8E0] =	vst v0;
	v0 =	vld.idx.msk [tilespmem:v2+s13+$0x0], $0xffff;
	_ =	sdelay $0x3  }
0x39c: {  	v7 =	vld.idx.msk [tilespmem:v2+s14+$0x0], $0xffff  }
0x39d: {  	v4 =	vor.u32 $0x3C, v53;
	[tilespmem:$0x1F9E0] =	vst v0;
	v0 =	vld.idx.msk [tilespmem:v3+s13+$0x0], $0xffff;
	_ =	sdelay $0x2  }
0x39e: {  	v6 =	vld.idx.msk [tilespmem:v1+s14+$0x0], $0xffff;
	[tilespmem:$0x1F830] =	vst v5  }
0x39f: {  	[tilespmem:$0x1F8A0] =	vst v7;
	v7 =	vor.u32 $0x3F, v53  }
0x3a0: {  	v5 =	vor.u32 $0x3D, v53;
	[tilespmem:$0x1F940] =	vst v0;
	v0 =	vld.idx.msk [tilespmem:v4+s13+$0x0], $0xffff;
	_ =	sdelay $0x2  }
0x3a1: {  	[tilespmem:$0x1F880] =	vst v6  }
0x3a2: {  	[tilespmem:$0x1FA60] =	vst v7;
	v7 =	vld.idx.msk [tilespmem:v7+s14+$0x0], $0xffff  }
0x3a3: {  	v6 =	vor.u32 $0x3E, v53;
	[tilespmem:$0x1F820] =	vst v0;
	v0 =	vld.idx.msk [tilespmem:v5+s13+$0x0], $0xffff;
	_ =	sdelay $0x3  }
0x3a4: {  	[tilespmem:$0x1F920] =	vst v7  }
0x3a5: {  	v7 =	vor.u32 $0x30, v53;
	[tilespmem:$0x1F9D0] =	vst v0;
	v0 =	vld.idx.msk [tilespmem:v6+s13+$0x0], $0xffff;
	_ =	sdelay $0x4  }
0x3a6: {  	v2 =	vor.u32 $0x31, v53;
	[tilespmem:$0x1F9F0] =	vst v0;
	v0 =	vld.idx.msk [tilespmem:v7+s14+$0x0], $0xffff;
	_ =	sdelay $0x3  }
0x3a7: {  	v8 =	vld.idx.msk [tilespmem:v3+s14+$0x0], $0xffff  }
0x3a8: {  	v3 =	vor.u32 $0x32, v53;
	[tilespmem:$0x1F810] =	vst v0;
	v0 =	vld.idx.msk [tilespmem:v2+s14+$0x0], $0xffff;
	_ =	sdelay $0x3  }
0x3a9: {  	[tilespmem:$0x1F930] =	vst v8;
	v8 =	vld.idx.msk [tilespmem:v4+s14+$0x0], $0xffff  }
0x3aa: {  	v4 =	vor.u32 $0x33, v53;
	[tilespmem:$0x1F860] =	vst v0;
	v0 =	vld.idx.msk [tilespmem:v3+s14+$0x0], $0xffff;
	_ =	sdelay $0x3  }
0x3ab: {  	[tilespmem:$0x1F9A0] =	vst v8;
	v8 =	vld.idx.msk [tilespmem:v5+s14+$0x0], $0xffff  }
0x3ac: {  	v5 =	vor.u32 $0x34, v53;
	[tilespmem:$0x1F870] =	vst v0;
	v0 =	vld.idx.msk [tilespmem:v4+s14+$0x0], $0xffff;
	_ =	sdelay $0x4  }
0x3ad: {  	v9 =	vor.u32 $0x35, v53;
	[tilespmem:$0x1F910] =	vst v0;
	v0 =	vld.idx.msk [tilespmem:v5+s14+$0x0], $0xffff;
	_ =	sdelay $0x4  }
0x3ae: {  	v10 =	vor.u32 $0x36, v53;
	[tilespmem:$0x1F970] =	vst v0;
	v0 =	vld.idx.msk [tilespmem:v9+s14+$0x0], $0xffff;
	_ =	sdelay $0x4  }
0x3af: {  	v59 =	vor.u32 $0x37, v53;
	[tilespmem:$0x1F980] =	vst v0;
	v0 =	vld.idx.msk [tilespmem:v10+s14+$0x0], $0xffff;
	_ =	sdelay $0x4  }
0x3b0: {  	[tilespmem:$0x1FA10] =	vst v0;
	v0 =	vld.idx.msk [tilespmem:v59+s14+$0x0], $0xffff;
	_ =	sdelay $0x4  }
0x3b1: {  	[tilespmem:$0x1FA40] =	vst v0;
	v0 =	vld.idx.msk [tilespmem:v7+s13+$0x0], $0xffff;
	_ =	sdelay $0x4  }
0x3b2: {  	[tilespmem:$0x1F8B0] =	vst v0;
	v0 =	vld.idx.msk [tilespmem:v2+s13+$0x0], $0xffff;
	_ =	sdelay $0x4  }
0x3b3: {  	[tilespmem:$0x1FCA0] =	vst v0;
	v0 =	vld.idx.msk [tilespmem:v3+s13+$0x0], $0xffff;
	_ =	sdelay $0x4  }
0x3b4: {  	[tilespmem:$0x1FA00] =	vst v0;
	v0 =	vld.idx.msk [tilespmem:v4+s13+$0x0], $0xffff;
	_ =	sdelay $0x4  }
0x3b5: {  	[tilespmem:$0x1F8C0] =	vst v0;
	v0 =	vld.idx.msk [tilespmem:v9+s13+$0x0], $0xffff;
	_ =	sdelay $0x4  }
0x3b6: {  	v4 =	vor.u32 $0x2A, v53;
	[tilespmem:$0x1F840] =	vst v0;
	v0 =	vld.idx.msk [tilespmem:v10+s13+$0x0], $0xffff;
	_ =	sdelay $0x3  }
0x3b7: {  	v13 =	vld.idx.msk [tilespmem:v5+s13+$0x0], $0xffff  }
0x3b8: {  	v5 =	vor.u32 $0x2B, v53;
	[tilespmem:$0x1F8F0] =	vst v0;
	v0 =	vld.idx.msk [tilespmem:v4+s14+$0x0], $0xffff;
	_ =	sdelay $0x4  }
0x3b9: {  	v9 =	vor.u32 $0x2C, v53;
	[tilespmem:$0x1F850] =	vst v0;
	v0 =	vld.idx.msk [tilespmem:v5+s14+$0x0], $0xffff;
	_ =	sdelay $0x4  }
0x3ba: {  	v12 =	vor.u32 $0x2D, v53;
	[tilespmem:$0x1F8D0] =	vst v0;
	v0 =	vld.idx.msk [tilespmem:v9+s14+$0x0], $0xffff;
	_ =	sdelay $0x4  }
0x3bb: {  	v14 =	vor.u32 $0x2E, v53;
	[tilespmem:$0x1F950] =	vst v0;
	v0 =	vld.idx.msk [tilespmem:v12+s14+$0x0], $0xffff;
	_ =	sdelay $0x4  }
0x3bc: {  	v7 =	vor.u32 $0x28, v53;
	[tilespmem:$0x1F960] =	vst v0;
	v0 =	vld.idx.msk [tilespmem:v14+s14+$0x0], $0xffff;
	_ =	sdelay $0x4  }
0x3bd: {  	v3 =	vor.u32 $0x29, v53;
	[tilespmem:$0x1F9C0] =	vst v0;
	v0 =	vld.idx.msk [tilespmem:v7+s13+$0x0], $0xffff;
	_ =	sdelay $0x4  }
0x3be: {  	[tilespmem:$0x1FCB0] =	vst v0;
	v0 =	vld.idx.msk [tilespmem:v3+s13+$0x0], $0xffff;
	_ =	sdelay $0x4  }
0x3bf: {  	[tilespmem:$0x1FCC0] =	vst v0;
	v0 =	vld.idx.msk [tilespmem:v4+s13+$0x0], $0xffff;
	_ =	sdelay $0x4  }
0x3c0: {  	[tilespmem:$0x1FCD0] =	vst v0;
	v0 =	vld.idx.msk [tilespmem:v5+s13+$0x0], $0xffff;
	_ =	sdelay $0x4  }
0x3c1: {  	[tilespmem:$0x1FCE0] =	vst v0;
	v0 =	vld.idx.msk [tilespmem:v9+s13+$0x0], $0xffff;
	_ =	sdelay $0x3  }
0x3c2: {  	v41 =	vor.u32 $0x2F, v53  }
0x3c3: {  	[tilespmem:$0x1FCF0] =	vst v0;
	v0 =	vld.idx.msk [tilespmem:v12+s13+$0x0], $0xffff  }
0x3c4: {  	v55 =	vor.u32 $0x1F, v53  }
0x3c5: {  	v61 =	vor.u32 $0x12, v53  }
0x3c6: {  	v29 =	vor.u32 $0x14, v53;
	v50 =	vld.idx.msk [tilespmem:v53+s14+$0x0], $0xffff  }
0x3c7: {  	v58 =	vld.idx.msk [tilespmem:v41+s14+$0x0], $0xffff  }
0x3c8: {  	v19 =	vor.u32 $0x26, v53;
	[tilespmem:$0x1FA50] =	vst v0;
	v0 =	vld.idx.msk [tilespmem:v14+s13+$0x0], $0xffff  }
0x3c9: {  	v31 =	vor.u32 $0x15, v53;
	v54 =	vld.idx.msk [tilespmem:v55+s14+$0x0], $0xffff  }
0x3ca: {  	v33 =	vld.idx.msk [tilespmem:v61+s14+$0x0], $0xffff  }
0x3cb: {  	v39 =	vor.u32 $0x9, v53;
	v36 =	vld.idx.msk [tilespmem:v29+s14+$0x0], $0xffff  }
0x3cc: {  	v40 =	vor.u32 $0x1, v53;
	v56 =	vld.idx.msk [tilespmem:v3+s14+$0x0], $0xffff  }
0x3cd: {  	v3 =	vor.u32 $0x20, v53;
	[tilespmem:$0x1FA20] =	vst v0;
	v0 =	vld.idx.msk [tilespmem:v19+s14+$0x0], $0xffff  }
0x3ce: {  	v42 =	vor.u32 $0xA, v53;
	v37 =	vld.idx.msk [tilespmem:v31+s14+$0x0], $0xffff  }
0x3cf: {  	v16 =	vor.u32 $0x2, v53;
	v61 =	vld.idx.msk [tilespmem:v61+s13+$0x0], $0xffff  }
0x3d0: {  	v43 =	vor.u32 $0xB, v53;
	v17 =	vld.idx.msk [tilespmem:v39+s14+$0x0], $0xffff  }
0x3d1: {  	v44 =	vld.idx.msk [tilespmem:v40+s14+$0x0], $0xffff  }
0x3d2: {  	v4 =	vor.u32 $0x21, v53;
	[tilespmem:$0x1F990] =	vst v0;
	v0 =	vld.idx.msk [tilespmem:v3+s13+$0x0], $0xffff  }
0x3d3: {  	v15 =	vor.u32 $0x3, v53;
	v45 =	vld.idx.msk [tilespmem:v42+s14+$0x0], $0xffff  }
0x3d4: {  	v46 =	vor.u32 $0xC, v53;
	v35 =	vld.idx.msk [tilespmem:v16+s14+$0x0], $0xffff  }
0x3d5: {  	v47 =	vor.u32 $0x4, v53;
	v20 =	vld.idx.msk [tilespmem:v43+s14+$0x0], $0xffff  }
0x3d6: {  	[tilespmem:$0x1F9B0] =	vst v8;
	v8 =	vld.idx.msk [tilespmem:v6+s14+$0x0], $0xffff  }
0x3d7: {  	v5 =	vor.u32 $0x22, v53;
	[tilespmem:$0x1FD00] =	vst v0;
	v0 =	vld.idx.msk [tilespmem:v4+s13+$0x0], $0xffff  }
0x3d8: {  	v21 =	vld.idx.msk [tilespmem:v15+s14+$0x0], $0xffff  }
0x3d9: {  	v25 =	vor.u32 $0x1E, v53;
	v49 =	vld.idx.msk [tilespmem:v46+s14+$0x0], $0xffff  }
0x3da: {  	v51 =	vld.idx.msk [tilespmem:v47+s14+$0x0], $0xffff  }
0x3db: {  	[tilespmem:$0x1F900] =	vst v8;
	v8 =	vld.idx.msk [tilespmem:v7+s14+$0x0], $0xffff;
	v7 =	vor.u32 $0x23, v53  }
0x3dc: {  	[tilespmem:$0x1FD10] =	vst v0;
	v0 =	vld.idx.msk [tilespmem:v5+s13+$0x0], $0xffff  }
0x3dd: {  	v35 =	vmin.f32 v35, v45;
	v45 =	vmov v13;
	v13 =	vld [tilespmem:$0x1F830]  }
0x3de: {  	v10 =	vld.idx.msk [tilespmem:v25+s14+$0x0], $0xffff  }
0x3df: {  	v62 =	vld.idx.msk [tilespmem:v3+s14+$0x0], $0xffff;
	v3 =	vor.u32 $0x18, v53  }
0x3e0: {  	v48 =	vor.u32 $0x27, v53;
	v2 =	vld.idx.msk [tilespmem:v7+s14+$0x0], $0xffff  }
0x3e1: {  	v12 =	vor.u32 $0x24, v53;
	[tilespmem:$0x1FD20] =	vst v0;
	v0 =	vld.idx.msk [tilespmem:v7+s13+$0x0], $0xffff  }
0x3e2: {  	v23 =	vld.idx.msk [tilespmem:v4+s14+$0x0], $0xffff  }
0x3e3: {  	v22 =	vld.idx.msk [tilespmem:v5+s14+$0x0], $0xffff;
	v14 =	vor.u32 $0x25, v53  }
0x3e4: {  	v1 =	vld.idx.msk [tilespmem:v3+s13+$0x0], $0xffff;
	v5 =	vor.u32 $0x1A, v53  }
0x3e5: {  	v9 =	vld.idx.msk [tilespmem:v48+s14+$0x0], $0xffff  }
0x3e6: {  	[tilespmem:$0x1FD30] =	vst v0;
	v0 =	vld.idx.msk [tilespmem:v12+s13+$0x0], $0xffff  }
0x3e7: {  	v18 =	vld.idx.msk [tilespmem:v12+s14+$0x0], $0xffff;
	v4 =	vor.u32 $0x19, v53  }
0x3e8: {  	v60 =	vld.idx.msk [tilespmem:v14+s14+$0x0], $0xffff  }
0x3e9: {  	[tilespmem:$0x1FA70] =	vst v1;
	v7 =	vor.u32 $0x1B, v53;
	v1 =	vld.idx.msk [tilespmem:v5+s13+$0x0], $0xffff  }
0x3ea: {  	v27 =	vld.idx.msk [tilespmem:v5+s14+$0x0], $0xffff;
	v5 =	vor.u32 $0x11, v53  }
0x3eb: {  	[tilespmem:$0x1FD40] =	vst v0;
	v0 =	vld.idx.msk [tilespmem:v14+s13+$0x0], $0xffff  }
0x3ec: {  	v26 =	vld.idx.msk [tilespmem:v4+s14+$0x0], $0xffff  }
0x3ed: {  	v11 =	vld.idx.msk [tilespmem:v4+s13+$0x0], $0xffff  }
0x3ee: {  	v12 =	vor.u32 $0x1C, v53;
	[tilespmem:$0x1FD60] =	vst v1;
	v1 =	vld.idx.msk [tilespmem:v7+s13+$0x0], $0xffff  }
0x3ef: {  	v32 =	vld.idx.msk [tilespmem:v5+s14+$0x0], $0xffff  }
0x3f0: {  	[tilespmem:$0x1FD50] =	vst v0;
	v0 =	vld.idx.msk [tilespmem:v19+s13+$0x0], $0xffff  }
0x3f1: {  	v30 =	vld.idx.msk [tilespmem:v5+s13+$0x0], $0xffff;
	v5 =	vor.u32 $0xD, v53  }
0x3f2: {  	v28 =	vld.idx.msk [tilespmem:v7+s14+$0x0], $0xffff  }
0x3f3: {  	v14 =	vor.u32 $0x1D, v53;
	v63 =	vld.idx.msk [tilespmem:v12+s14+$0x0], $0xffff  }
0x3f4: {  	[tilespmem:$0x1FD70] =	vst v1;
	v1 =	vld.idx.msk [tilespmem:v12+s13+$0x0], $0xffff  }
0x3f5: {  	v17 =	vmin.f32 v44, v17;
	[tilespmem:$0x1FA30] =	vst v0;
	v0 =	vld.idx.msk [tilespmem:v3+s14+$0x0], $0xffff;
	v3 =	vor.u32 $0x10, v53  }
0x3f6: {  	v33 =	vmin.f32 v35, v33;
	v44 =	vld.idx.msk [tilespmem:v5+s14+$0x0], $0xffff;
	v17 =	vmin.f32 v17, v32  }
0x3f7: {  	v38 =	vor.u32 $0x8, v53;
	v17 =	vmin.f32 v17, v26;
	v26 =	vmin.f32 v33, v27;
	v33 =	vld [tilespmem:$0x1F820]  }
0x3f8: {  	v24 =	vld.idx.msk [tilespmem:v14+s14+$0x0], $0xffff  }
0x3f9: {  	v19 =	vld.idx.msk [tilespmem:v14+s13+$0x0], $0xffff  }
0x3fa: {  	v14 =	vld.idx.msk [tilespmem:v3+s14+$0x0], $0xffff  }
0x3fb: {  	v6 =	vld.idx.msk [tilespmem:v3+s13+$0x0], $0xffff  }
0x3fc: {  	v12 =	vor.u32 $0x13, v53;
	v3 =	vld.idx.msk [tilespmem:v38+s14+$0x0], $0xffff  }
0x3fd: {  	v27 =	vld.idx.msk [tilespmem:v53+s13+$0x0], $0xffff  }
0x3fe: {  	v7 =	vor.u32 $0x17, v53;
	v17 =	vmin.f32 v17, v23;
	v23 =	vld [tilespmem:$0x1F850]  }
0x3ff: {  	v22 =	vmin.f32 v26, v22;
	v26 =	vld [tilespmem:$0x1F870]  }
0x400: {  	[tilespmem:$0x1FD80] =	vst v1;
	v1 =	vld.idx.msk [tilespmem:v25+s13+$0x0], $0xffff  }
0x401: {  	v34 =	vld.idx.msk [tilespmem:v12+s14+$0x0], $0xffff;
	v3 =	vmin.f32 v50, v3  }
0x402: {  	v4 =	vor.u32 $0x16, v53;
	v57 =	vld.idx.msk [tilespmem:v12+s13+$0x0], $0xffff;
	v12 =	vmin.f32 v3, v14  }
0x403: {  	v25 =	vld.idx.msk [tilespmem:v7+s14+$0x0], $0xffff;
	v0 =	vmin.f32 v12, v0  }
0x404: {  	v22 =	vmin.f32 v22, v23;
	v23 =	vld [tilespmem:$0x1F860];
	v0 =	vmin.f32 v0, v62  }
0x405: {  	v3 =	vor.u32 $0xE, v53;
	v0 =	vmin.f32 v0, v8;
	v8 =	vld [tilespmem:$0x1F810]  }
0x406: {  	v20 =	vmin.f32 v21, v20;
	v22 =	vmin.f32 v22, v26;
	v26 =	vld [tilespmem:$0x1F880];
	v50 =	vor.u32 $0x6, v53  }
0x407: {  	[tilespmem:$0x1FD90] =	vst v1;
	v1 =	vld.idx.msk [tilespmem:v4+s14+$0x0], $0xffff;
	v20 =	vmin.f32 v20, v34  }
0x408: {  	v34 =	vld [tilespmem:$0x1F840];
	v20 =	vmin.f32 v20, v28  }
0x409: {  	v2 =	vmin.f32 v20, v2;
	v20 =	vld [tilespmem:$0x1F8A0]  }
0x40a: {  	v21 =	vld.idx.msk [tilespmem:v3+s14+$0x0], $0xffff;
	v0 =	vmin.f32 v0, v8  }
0x40b: {  	v52 =	vor.u32 $0x5, v53;
	v0 =	vmin.f32 v0, v13;
	v13 =	vmin.f32 v17, v56;
	v17 =	vld.idx.msk [tilespmem:v50+s14+$0x0], $0xffff  }
0x40c: {  	v28 =	vld.idx.msk [tilespmem:v40+s13+$0x0], $0xffff  }
0x40d: {  	v40 =	vld [tilespmem:$0x1F8E0]  }
0x40e: {  	v20 =	vmin.f32 v22, v20;
	v22 =	vld [tilespmem:$0x1F8D0]  }
0x40f: {  	v32 =	vld [tilespmem:$0x1FA30]  }
0x410: {  	v62 =	vld.idx.msk [tilespmem:v52+s14+$0x0], $0xffff;
	v13 =	vmin.f32 v13, v23;
	v17 =	vmin.f32 v17, v21  }
0x411: {  	v13 =	vmin.f32 v13, v26;
	v1 =	vmin.f32 v17, v1;
	v17 =	vld [tilespmem:$0x1F950]  }
0x412: {  	v56 =	vmin.f32 v0, v13;
	v0 =	vmin.f32 v51, v49;
	v1 =	vmin.f32 v1, v10;
	v10 =	vld [tilespmem:$0x1F970]  }
0x413: {  	v2 =	vmin.f32 v2, v22;
	v22 =	vld [tilespmem:$0x1F910];
	v0 =	vmin.f32 v0, v36  }
0x414: {  	v14 =	vor.u32 $0x7, v53;
	v12 =	vor.u32 $0xF, v53;
	v53 =	vld.idx.msk [tilespmem:v31+s13+$0x0], $0xffff;
	v0 =	vmin.f32 v0, v63  }
0x415: {  	v31 =	vld [tilespmem:$0x1F940];
	v0 =	vmin.f32 v0, v18  }
0x416: {  	v0 =	vmin.f32 v0, v17;
	v17 =	vld [tilespmem:$0x1F960]  }
0x417: {  	v13 =	vmin.f32 v62, v44;
	v0 =	vmin.f32 v0, v10;
	v10 =	vld [tilespmem:$0x1F980]  }
0x418: {  	v2 =	vmin.f32 v2, v22;
	v22 =	vld [tilespmem:$0x1F930];
	v13 =	vmin.f32 v13, v37  }
0x419: {  	v8 =	vld.idx.msk [tilespmem:v29+s13+$0x0], $0xffff;
	v13 =	vmin.f32 v13, v24  }
0x41a: {  	v29 =	vld.idx.msk [tilespmem:v39+s13+$0x0], $0xffff;
	v13 =	vmin.f32 v13, v60  }
0x41b: {  	v17 =	vmin.f32 v13, v17;
	v13 =	vld.idx.msk [tilespmem:v16+s13+$0x0], $0xffff  }
0x41c: {  	v16 =	vmin.f32 v17, v10;
	v10 =	vld [tilespmem:$0x1F990]  }
0x41d: {  	v39 =	vmov v19;
	v19 =	vld [tilespmem:$0x1F920]  }
0x41e: {  	v23 =	vld.idx.msk [tilespmem:v12+s14+$0x0], $0xffff  }
0x41f: {  	v26 =	vld.idx.msk [tilespmem:v38+s13+$0x0], $0xffff  }
0x420: {  	v38 =	vld [tilespmem:$0x1F890]  }
0x421: {  	v1 =	vmin.f32 v1, v10;
	v10 =	vld [tilespmem:$0x1F9A0]  }
0x422: {  	v2 =	vmin.f32 v2, v22;
	v22 =	vld.idx.msk [tilespmem:v42+s13+$0x0], $0xffff  }
0x423: {  	v51 =	vld [tilespmem:$0x1F8B0]  }
0x424: {  	v44 =	vld [tilespmem:$0x1F8C0]  }
0x425: {  	v36 =	vld [tilespmem:$0x1F8F0]  }
0x426: {  	v17 =	vmin.f32 v0, v10;
	v0 =	vld [tilespmem:$0x1F9B0]  }
0x427: {  	v37 =	vld [tilespmem:$0x1F900]  }
0x428: {  	v63 =	vld.idx.msk [tilespmem:v14+s14+$0x0], $0xffff  }
0x429: {  	v24 =	vld.idx.msk [tilespmem:v43+s13+$0x0], $0xffff  }
0x42a: {  	v43 =	vld [tilespmem:$0x1FA00]  }
0x42b: {  	v16 =	vmin.f32 v16, v0;
	v0 =	vld [tilespmem:$0x1F9C0]  }
0x42c: {  	v18 =	vld.idx.msk [tilespmem:v15+s13+$0x0], $0xffff  }
0x42d: {  	v60 =	vld.idx.msk [tilespmem:v46+s13+$0x0], $0xffff  }
0x42e: {  	v46 =	vld [tilespmem:$0x1FA50]  }
0x42f: {  	v10 =	vld [tilespmem:$0x1FA70]  }
0x430: {  	v15 =	vmin.f32 v1, v0;
	v1 =	vmin.f32 v17, v16;
	v16 =	vmax.f32 v27, v26;
	v27 =	vld [tilespmem:$0x1F9D0]  }
0x431: {  	v0 =	vmin.f32 v20, v2;
	v2 =	vld [tilespmem:$0x1FA10]  }
0x432: {  	p1 =	sne.s32 s29, $0x100;
	v17 =	vmax.f32 v28, v29;
	v29 =	vld [tilespmem:$0x1F9E0]  }
.Ltmp5:
0x433: {  	v28 =	vld [tilespmem:$0x1F9F0];
	(pc) =	sbr.rel @p1 .LBB2_8-.Ltmp5, $4  }
0x434: {  	v26 =	vmov v59;
	v59 =	vld.idx.msk [tilespmem:v47+s13+$0x0], $0xffff  }
0x435: {  	v47 =	vld [tilespmem:$0x1FA20];
	v16 =	vmax.f32 v16, v6  }
0x436: {  	v17 =	vmax.f32 v17, v30;
	v30 =	vld [tilespmem:$0x1FA40];
	v2 =	vmin.f32 v15, v2;
	v15 =	vmin.f32 v63, v23  }
0x437: {  	s29 =	sadd.s32 $0x10, s29;
	v10 =	vmax.f32 v16, v10;
	v11 =	vmax.f32 v17, v11;
	v6 =	vmin.f32 v15, v25;
	v25 =	vld [tilespmem:$0x1FA60]  }
0x438: {  	v6 =	vmin.f32 v6, v54;
	v15 =	vld [tilespmem:$0x1FD00]  }
0x439: {  	v6 =	vmin.f32 v6, v9;
	v9 =	vld [tilespmem:$0x1FCB0];
	_ =	sdelay $0x3  }
0x43a: {  	v23 =	vld [tilespmem:$0x1FD10];
	v10 =	vmax.f32 v10, v15  }
0x43b: {  	v9 =	vmax.f32 v10, v9;
	v10 =	vld [tilespmem:$0x1FCC0];
	_ =	sdelay $0x1  }
0x43c: {  	v4 =	vld.idx.msk [tilespmem:v4+s13+$0x0], $0xffff  }
0x43d: {  	v5 =	vld.idx.msk [tilespmem:v5+s13+$0x0], $0xffff  }
0x43e: {  	v3 =	vld.idx.msk [tilespmem:v3+s13+$0x0], $0xffff;
	v11 =	vmax.f32 v11, v23  }
0x43f: {  	v10 =	vmax.f32 v11, v10;
	v11 =	vld [tilespmem:$0x1FCA0]  }
0x440: {  	v14 =	vld.idx.msk [tilespmem:v14+s13+$0x0], $0xffff  }
0x441: {  	v35 =	vld [tilespmem:$0x1FD60]  }
0x442: {  	v2 =	vmin.f32 v2, v37;
	v37 =	vld [tilespmem:$0x1FD70]  }
0x443: {  	v12 =	vld.idx.msk [tilespmem:v12+s13+$0x0], $0xffff  }
0x444: {  	v42 =	vld [tilespmem:$0x1FD30];
	v9 =	vmax.f32 v9, v51;
	v10 =	vmax.f32 v10, v11  }
0x445: {  	v49 =	vld [tilespmem:$0x1FD40];
	v9 =	vmax.f32 v9, v38;
	v10 =	vmax.f32 v10, v40  }
0x446: {  	v9 =	vmax.f32 v9, v10;
	v10 =	vld.idx.msk [tilespmem:v50+s13+$0x0], $0xffff  }
0x447: {  	v7 =	vld.idx.msk [tilespmem:v7+s13+$0x0], $0xffff  }
0x448: {  	v51 =	vld [tilespmem:$0x1FCE0]  }
0x449: {  	v6 =	vmin.f32 v6, v58;
	v38 =	vld [tilespmem:$0x1FD80]  }
0x44a: {  	v6 =	vmin.f32 v6, v30;
	v11 =	vld.idx.msk [tilespmem:v52+s13+$0x0], $0xffff  }
0x44b: {  	v30 =	vmax.f32 v18, v24;
	v52 =	vld [tilespmem:$0x1FCF0];
	v3 =	vmax.f32 v10, v3;
	v10 =	vmax.f32 v14, v12  }
0x44c: {  	v15 =	vmax.f32 v30, v57;
	v57 =	vmax.f32 v10, v7;
	v10 =	vld [tilespmem:$0x1FD90]  }
0x44d: {  	v13 =	vmax.f32 v13, v22;
	v16 =	vmax.f32 v59, v60;
	v40 =	vld [tilespmem:$0x1FD20]  }
0x44e: {  	v13 =	vmax.f32 v13, v61;
	v8 =	vmax.f32 v16, v8;
	v15 =	vmax.f32 v15, v37;
	v50 =	vld [tilespmem:$0x1FCD0]  }
0x44f: {  	v54 =	vld.idx.msk [tilespmem:v55+s13+$0x0], $0xffff;
	v6 =	vmin.f32 v6, v19;
	v13 =	vmax.f32 v13, v35;
	v15 =	vmax.f32 v15, v42  }
0x450: {  	v17 =	vld.idx.msk [tilespmem:v48+s13+$0x0], $0xffff;
	v15 =	vmax.f32 v15, v51;
	v8 =	vmax.f32 v8, v38;
	v3 =	vmax.f32 v3, v4  }
0x451: {  	v15 =	vmax.f32 v15, v44;
	v8 =	vmax.f32 v8, v49;
	v3 =	vmax.f32 v3, v10;
	v10 =	vld [tilespmem:$0x1FD50]  }
0x452: {  	v55 =	vld.idx.msk [tilespmem:v41+s13+$0x0], $0xffff;
	v15 =	vmax.f32 v15, v31;
	v8 =	vmax.f32 v8, v52;
	v13 =	vmax.f32 v13, v40  }
0x453: {  	v5 =	vmax.f32 v11, v5;
	v11 =	vld.idx.msk [tilespmem:v26+s13+$0x0], $0xffff;
	v8 =	vmax.f32 v8, v45;
	v13 =	vmax.f32 v13, v50  }
0x454: {  	v58 =	vld.idx.msk [tilespmem:v25+s13+$0x0], $0xffff;
	v5 =	vmax.f32 v5, v53;
	v8 =	vmax.f32 v8, v33;
	v13 =	vmax.f32 v13, v43  }
0x455: {  	v5 =	vmax.f32 v5, v39;
	v13 =	vmax.f32 v13, v29;
	v4 =	vmax.f32 v57, v54  }
0x456: {  	v4 =	vmax.f32 v4, v17;
	v3 =	vmax.f32 v3, v32;
	v5 =	vmax.f32 v5, v10  }
0x457: {  	v4 =	vmax.f32 v4, v55;
	v3 =	vmax.f32 v3, v47;
	v5 =	vmax.f32 v5, v46  }
0x458: {  	v4 =	vmax.f32 v4, v11;
	v3 =	vmax.f32 v3, v36;
	v5 =	vmax.f32 v5, v34  }
0x459: {  	v4 =	vmax.f32 v4, v58;
	v3 =	vmax.f32 v3, v28;
	v5 =	vmax.f32 v5, v27  }
0x45a: {  	v62 =	vld [tilespmem:$0x1FED0];
	v59 =	vmax.f32 v13, v15;
	v3 =	vmax.f32 v3, v4;
	v5 =	vmax.f32 v8, v5  }
0x45b: {  	v63 =	vld [tilespmem:$0x1FEE0];
	v2 =	vmin.f32 v2, v6;
	v60 =	vmax.f32 v9, v59;
	v3 =	vmax.f32 v5, v3  }
0x45c: {  	v0 =	vmin.f32 v56, v0;
	s26 =	sadd.s32 $0x10, s26;
	v1 =	vmin.f32 v1, v2;
	v61 =	vmax.f32 v60, v3  }
0x45d: {  	s31 =	sadd.s32 $0x10, s28;
	v0 =	vmin.f32 v0, v1;
	[tilespmem:s26+$0x0] =	vst v61  }
0x45e: {  	[tilespmem:s31+$0x0] =	vst v0  }
0x45f: {  	[tilespmem:$0x12300] =	vst v62  }
0x460: {  	[tilespmem:$0x12380] =	vst v63  }
0x461: {  	[spmem:s5] =	stream.linear.scatter [tilespmem:s15], [sflag:$0x1], $0x110, $0x38;
	[tilespmem:$0x133C0] =	vst v63  }
0x462: {  	_ =	swait.ge [sflag:s11], $0x110  }
0x463: {  	[sflag:s11] =	ssyncset.done $0x0  }
0x464: {  	[sflag:s11] =	ssyncadd.s32 $0xFFFFFEF0  }
0x465: {  	[spmem:s6] =	stream.linear.scatter [tilespmem:s16], [sflag:$0x1], $0x110, $0x38;
	[tilespmem:$0x133C0] =	vst v63  }
0x466: {  	_ =	swait.ge [sflag:s11], $0x110  }
0x467: {  	[sflag:s11] =	ssyncset.done $0x0  }
0x468: {  	[sflag:s11] =	ssyncadd.s32 $0xFFFFFEF0  }
0x469: {  	[spmem:s7] =	stream.linear.scatter [tilespmem:s17], [sflag:$0x1], $0x10, $0x38;
	[tilespmem:$0x133C0] =	vst v63  }
0x46a: {  	_ =	swait.ge [sflag:s11], $0x10  }
0x46b: {  	[sflag:s11] =	ssyncset.done $0x0  }
0x46c: {  	[sflag:s11] =	ssyncadd.s32 $0xFFFFFFF0  }
0x46d: {  	[spmem:s8] =	stream.linear.scatter [tilespmem:s18], [sflag:$0x1], $0x10, $0x38;
	[tilespmem:$0x133C0] =	vst v63  }
.Ltmp6:
0x46e: {  	_ =	swait.ge [sflag:s11], $0x10;
	(pc) =	sbr.rel @p0 .LBB2_19-.Ltmp6, $4  }
0x46f: {  	[sflag:s11] =	ssyncset.done $0x0  }
0x470: {  	[sflag:s11] =	ssyncadd.s32 $0xFFFFFFF0  }
0x471: {  	v38 =	vimm.s32 $0xFF;
	[bflag:$0x0] =	sbarrier.arrive $0xFFFF  }
0x472: {  	v50 =	vimm.f32 $0.0e+00;
	v9 =	vlaneseq.u32;
	v63 =	vimm.s32 $0x0  }
0x473: {  	[tilespmem:s19], [sflag:$0x1] =	stream.linear.gather [spmem:s5], $0x440, $0x38;
	[tilespmem:$0x133C0] =	vst v63  }
0x474: {  	_ =	swait.ge [sflag:s11], $0x440  }
0x475: {  	[sflag:s11] =	ssyncset.done $0x0  }
0x476: {  	[sflag:s11] =	ssyncadd.s32 $0xFFFFFBC0  }
0x477: {  	[tilespmem:s20], [sflag:$0x1] =	stream.linear.gather [spmem:s6], $0x440, $0x38;
	[tilespmem:$0x133C0] =	vst v63  }
0x478: {  	_ =	swait.ge [sflag:s11], $0x440  }
0x479: {  	[sflag:s11] =	ssyncset.done $0x0  }
0x47a: {  	s28 =	simm.s32 $0x0;
	[sflag:s11] =	ssyncadd.s32 $0xFFFFFBC0  }
0x47b: {  	v1 =	vld [tilespmem:s28+$0x12880]  }
0x47c: {  	v3 =	vld [tilespmem:s28+$0x12990]  }
0x47d: {  	v5 =	vld [tilespmem:s28+$0x12AA0]  }
0x47e: {  	v6 =	vld [tilespmem:s28+$0x12BB0]  }
0x47f: {  	v7 =	vld [tilespmem:s28+$0x12400]  }
0x480: {  	v8 =	vld [tilespmem:s28+$0x12510]  }
0x481: {  	v2 =	vld [tilespmem:s28+$0x12620]  }
0x482: {  	s29 =	simm.s32 $0x10;
	v4 =	vld [tilespmem:s28+$0x12730]  }
0x483: {  	v0 =	vld [tilespmem:s29+$0x12880];
	v3 =	vmin.f32 v1, v3;
	v5 =	vmin.f32 v5, v6  }
0x484: {  	v1 =	vld [tilespmem:s29+$0x12990];
	v6 =	vmin.f32 v3, v5  }
0x485: {  	s26 =	simm.s32 $0x40;
	s30 =	simm.s32 $0x80;
	v3 =	vld [tilespmem:s29+$0x12AA0];
	v5 =	vmax.f32 v7, v8;
	[tilespmem:s28+$0x12E80] =	vst v6  }
.LBB2_11:
0x486: {  	p1 =	sne.s32 s30, $0x400;
	v6 =	vld [tilespmem:s29+$0x12BB0]  }
0x487: {  	v7 =	vld [tilespmem:s29+$0x12400];
	v2 =	vmax.f32 v2, v4  }
0x488: {  	v8 =	vld [tilespmem:s29+$0x12510];
	v4 =	vmax.f32 v5, v2  }
.Ltmp7:
0x489: {  	v2 =	vld [tilespmem:s29+$0x12620];
	[tilespmem:s28+$0x12D00] =	vst v4;
	s28 =	smov.u32 s29;
	(pc) =	sbr.rel @p1 .LBB2_11-.Ltmp7, $4  }
0x48a: {  	s29 =	sshra.s32 s30, $0x2;
	v4 =	vld [tilespmem:s28+$0x12730]  }
0x48b: {  	v5 =	vmin.f32 v0, v1;
	v0 =	vld [tilespmem:s29+$0x12880];
	v3 =	vmin.f32 v3, v6  }
0x48c: {  	v1 =	vld [tilespmem:s29+$0x12990];
	v6 =	vmin.f32 v5, v3  }
0x48d: {  	s30 =	sadd.s32 $0x40, s30;
	v3 =	vld [tilespmem:s29+$0x12AA0];
	v5 =	vmax.f32 v7, v8;
	[tilespmem:s28+$0x12E80] =	vst v6  }
0x48e: {  	v6 =	vld [tilespmem:s29+$0x12BB0]  }
0x48f: {  	v7 =	vld [tilespmem:s29+$0x12400];
	v2 =	vmax.f32 v2, v4  }
0x490: {  	v58 =	vld [tilespmem:s29+$0x12510];
	v2 =	vmax.f32 v5, v2  }
0x491: {  	v59 =	vld [tilespmem:s29+$0x12620];
	[tilespmem:s28+$0x12D00] =	vst v2  }
0x492: {  	v2 =	vld [tilespmem:s29+$0x12730];
	_ =	sdelay $0x3  }
0x493: {  	v0 =	vmin.f32 v0, v1;
	v60 =	vmin.f32 v3, v6  }
0x494: {  	v61 =	vmax.f32 v7, v58;
	v0 =	vmin.f32 v0, v60;
	v2 =	vmax.f32 v59, v2  }
0x495: {  	[tilespmem:s29+$0x12E80] =	vst v0;
	v62 =	vmax.f32 v61, v2  }
0x496: {  	s28 =	simm.s32 $0x0;
	[tilespmem:s29+$0x12D00] =	vst v62  }
0x497: {  	v0 =	vld [tilespmem:s28+$0x12D00];
	_ =	sdelay $0x4  }
0x498: {  	(xrf0) =	vmax.scan.msk.f32 $0xffff, v0;
	_ =	sdelay $0x5  }
0x499: {  	s31 =	simm.f32 $-1.000000000e+10;
	v0, _, _ =	vpop (xrf0)  }
0x49a: {  	v0 =	vmax.f32 v0, s31  }
0x49b: {  	(xrf0) =	vmax.scan.msk.f32 $0xffff, v0;
	_ =	sdelay $0x2  }
0x49c: {  	[tilespmem:s28+$0x12D00] =	vst v0;
	s28 =	simm.s32 $0x80  }
.LBB2_13:
0x49d: {  	p1 =	sne.s32 s28, $0x400;
	_ =	sdelay $0x1  }
0x49e: {  	v0, _, _ =	vpop (xrf0)  }
0x49f: {  	(v2sf) =	vpush v0, $0xF;
	_ =	sdelay $0x2  }
0x4a0: {  	s29 =	sshra.s32 s26, $0x2;
	s26 =	smov.u32 s28  }
0x4a1: {  	v0 =	vld [tilespmem:s29+$0x12D00];
	_ =	sdelay $0x4  }
0x4a2: {  	(xrf0) =	vmax.scan.msk.f32 $0xffff, v0;
	_ =	sdelay $0x5  }
0x4a3: {  	v0, _, _ =	vpop (xrf0);
	s30 =	spop (v2sf)  }
.Ltmp8:
0x4a4: {  	v0 =	vmax.f32 v0, s30;
	(pc) =	sbr.rel @p1 .LBB2_13-.Ltmp8, $2  }
0x4a5: {  	[tilespmem:s29+$0x12D00] =	vst v0;
	(xrf0) =	vmax.scan.msk.f32 $0xffff, v0;
	_ =	sdelay $0x2  }
0x4a6: {  	s28 =	sadd.s32 $0x40, s28  }
0x4a7: {  	_ =	sdelay $0x1  }
0x4a8: {  	v0, _, _ =	vpop (xrf0)  }
0x4a9: {  	(v2sf) =	vpush v0, $0xF;
	_ =	sdelay $0x2  }
0x4aa: {  	s26 =	sshra.s32 s26, $0x2  }
0x4ab: {  	v0 =	vld [tilespmem:s26+$0x12D00];
	_ =	sdelay $0x4  }
0x4ac: {  	(xrf0) =	vmax.scan.msk.f32 $0xffff, v0;
	_ =	sdelay $0x5  }
0x4ad: {  	v0, _, _ =	vpop (xrf0);
	s28 =	spop (v2sf)  }
0x4ae: {  	v0 =	vmax.f32 v0, s28  }
0x4af: {  	(xrf0) =	vmax.scan.msk.f32 $0xffff, v0;
	_ =	sdelay $0x3  }
0x4b0: {  	[tilespmem:s26+$0x12D00] =	vst v0;
	s26 =	simm.s32 $0x100  }
0x4b1: {  	v1 =	vld [tilespmem:s26+$0x12E80]  }
0x4b2: {  	v0, _, _ =	vpop (xrf0)  }
0x4b3: {  	v2 =	vmul.u32 $0xFFFFFFFF, v9;
	(v2sf) =	vpush v0, $0xF;
	_ =	sdelay $0x1  }
0x4b4: {  	v0 =	vadd.s32 $0xF, v2  }
0x4b5: {  	v1 =	vperm.xlane v1, v0;
	_ =	sdelay $0x1  }
0x4b6: {  	v1 =	vsub.f32 $0.0e+00, v1;
	_ =	sdelay $0x1  }
0x4b7: {  	(xrf0) =	vmax.scan.msk.f32 $0xffff, v1;
	_ =	sdelay $0x5  }
0x4b8: {  	v1, _, _ =	vpop (xrf0)  }
0x4b9: {  	v1 =	vsub.f32 $0.0e+00, v1  }
0x4ba: {  	s30 =	simm.f32 $1.000000000e+10;
	s28 =	spop (v2sf)  }
0x4bb: {  	s29 =	simm.s32 $0x380;
	v1 =	vmin.f32 v1, s30;
	s28 =	simm.s32 $0x3C0  }
.LBB2_15:
0x4bc: {  	p1 =	sne.s32 s29, $0x0;
	v2 =	vperm.xlane v1, v0;
	(xrf0) =	vmin.scan.msk.f32 $0xffff, v1;
	_ =	sdelay $0x1  }
0x4bd: {  	[tilespmem:s26+$0x12E80] =	vst v2;
	_ =	sdelay $0x1  }
0x4be: {  	s26 =	sshra.s32 s28, $0x2;
	s28 =	smov.u32 s29  }
0x4bf: {  	v1 =	vld [tilespmem:s26+$0x12E80]  }
0x4c0: {  	v2, _, _ =	vpop (xrf0)  }
0x4c1: {  	(v2sf) =	vpush v2, $0xF;
	_ =	sdelay $0x2  }
0x4c2: {  	v1 =	vperm.xlane v1, v0;
	_ =	sdelay $0x1  }
0x4c3: {  	v1 =	vsub.f32 $0.0e+00, v1;
	_ =	sdelay $0x1  }
0x4c4: {  	(xrf0) =	vmax.scan.msk.f32 $0xffff, v1;
	_ =	sdelay $0x4  }
.Ltmp9:
0x4c5: {  	(pc) =	sbr.rel @p1 .LBB2_15-.Ltmp9, $4  }
0x4c6: {  	v1, _, _ =	vpop (xrf0)  }
0x4c7: {  	v1 =	vsub.f32 $0.0e+00, v1  }
0x4c8: {  	s30 =	spop (v2sf)  }
0x4c9: {  	s29 =	sadd.s32 $0xFFFFFFC0, s29;
	v1 =	vmin.f32 v1, s30  }
0x4ca: {  	(xrf0) =	vmin.scan.msk.f32 $0xffff, v1;
	_ =	sdelay $0x1  }
0x4cb: {  	v1 =	vperm.xlane v1, v0;
	_ =	sdelay $0x1  }
0x4cc: {  	s31 =	sshra.s32 s28, $0x2;
	[tilespmem:s26+$0x12E80] =	vst v1  }
0x4cd: {  	v1 =	vld [tilespmem:s31+$0x12E80]  }
0x4ce: {  	v2, _, _ =	vpop (xrf0)  }
0x4cf: {  	(v2sf) =	vpush v2, $0xF;
	_ =	sdelay $0x2  }
0x4d0: {  	v1 =	vperm.xlane v1, v0;
	_ =	sdelay $0x1  }
0x4d1: {  	v1 =	vsub.f32 $0.0e+00, v1;
	_ =	sdelay $0x1  }
0x4d2: {  	(xrf0) =	vmax.scan.msk.f32 $0xffff, v1;
	_ =	sdelay $0x5  }
0x4d3: {  	v1, _, _ =	vpop (xrf0)  }
0x4d4: {  	v1 =	vsub.f32 $0.0e+00, v1  }
0x4d5: {  	s28 =	spop (v2sf)  }
0x4d6: {  	v1 =	vmin.f32 v1, s28  }
0x4d7: {  	(xrf0) =	vmin.scan.msk.f32 $0xffff, v1;
	_ =	sdelay $0x5  }
0x4d8: {  	v2, _, _ =	vpop (xrf0)  }
0x4d9: {  	(v2sf) =	vpush v2, $0xF;
	_ =	sdelay $0x4  }
0x4da: {  	s28 =	simm.s32 $0x1  }
0x4db: {  	v0 =	vperm.xlane v1, v0;
	v2 =	vadd.s32 s28, v9;
	_ =	sdelay $0x1  }
0x4dc: {  	s30 =	simm.s32 $0x0;
	[tilespmem:s31+$0x12E80] =	vst v0  }
0x4dd: {  	s31 =	simm.s32 $0x12D00;
	v4 =	vld [tilespmem:s30+$0x0]  }
0x4de: {  	v3 =	vld [tilespmem:s31+$0x0];
	s28 =	simm.s32 $0x11  }
0x4df: {  	v5 =	vld.idx.msk [tilespmem:v2+s21+$0x0], $0xffff;
	v2 =	vadd.s32 s28, v9;
	_ =	sdelay $0x2  }
0x4e0: {  	s26 =	simm.s32 $0x10  }
0x4e1: {  	v1 =	vld [tilespmem:s26+$0x0];
	s28 =	spop (v2sf)  }
0x4e2: {  	s29 =	simm.s32 $0x12D10;
	v0 =	vimm.f32 $0.0e+00;
	v3 =	vsub.f32 v4, v3;
	v2 =	vld.idx.msk [tilespmem:v2+s21+$0x0], $0xffff;
	v4 =	vsub.f32 v4, v5;
	s28 =	simm.s32 $0x21  }
.LBB2_17:
0x4e3: {  	v5 =	vadd.s32 s28, v9;
	p1 =	sne.s32 s28, $0xF1;
	s28 =	sadd.s32 $0x10, s28;
	v6 =	vld [tilespmem:s29+$0x0]  }
.Ltmp10:
0x4e4: {  	v3 =	vmul.f32 v3, v3;
	v7 =	vmul.f32 v4, v4;
	(pc) =	sbr.rel @p1 .LBB2_17-.Ltmp10, $4  }
0x4e5: {  	_ = 	snop  }
0x4e6: {  	s26 =	sadd.s32 $0x10, s26;
	v4 =	vmov v1;
	v3 =	vmin.f32 v3, v7  }
0x4e7: {  	v0 =	vadd.f32 v3, v0;
	v1 =	vld [tilespmem:s26+$0x0]  }
0x4e8: {  	s29 =	sadd.s32 $0x10, s29;
	v3 =	vsub.f32 v4, v6;
	v4 =	vsub.f32 v4, v2;
	v2 =	vld.idx.msk [tilespmem:v5+s21+$0x0], $0xffff  }
.Ltmp11:
0x4e9: {  	_ = 	snop;
	(pc) =	sbr.rel .LBB2_18-.Ltmp11, $1  }
0x4ea: {  	_ =	sdelay $0x3  }
.LBB2_20:
0x4eb: {  	_ =	sfence.sel $0x180000  }
0x4ec: {  	[bflag:$0x0] =	sbarrier.arrive $0xFFFF  }
0x4ed: {  	p0 =	sne.s32 s0, $0x0;
	_ =	strace $0x90000047  }
0x4ee: {  	s0 =	sadd.s32 @!p0 $0x100000, s1;
	[bflag:$0x2] =	sbarrier.arrive $0xFFFF  }
0x4ef: {  	[sflag:s0] =	ssyncadd.tile.s32 @!p0 $0x1;
	_ =	shalt  }
.Lfunc_end2:
_tile_overlayer_lowered:
.L_overlay_start_2:
0x4f0: {  	(tag) =	ssettag $0x2  }
0x4f1: {  	s0 =	rddreg [dreg:$0x0];
	s2 =	stileid.u32  }
0x4f2: {  	s1 =	rddreg [dreg:$0x1];
	p0 =	sne.s32 s2, $0x0  }
0x4f3: {  	s3 =	rddreg [dreg:$0x2];
	[bflag:$0x3] =	sbarrier.arrive $0xFFFF;
	s2 =	simm.s32 @!p0 $0x1C01  }
0x4f4: {  	[timem:s3], [sflag:s2] =	dma.local @!p0 [hbm:s0], s1  }
0x4f5: {  	s0 =	simm.s32 @!p0 $0x1  }
0x4f6: {  	_ =	swait.ge @!p0 [sflag:s0], s1  }
0x4f7: {  	s1 =	ssub.s32 @!p0 $0x0, s1;
	[sflag:s0] =	ssyncset.done @!p0 $0x0  }
0x4f8: {  	[sflag:s0] =	ssyncadd.s32 @!p0 s1  }
0x4f9: {  	[bflag:$0x3] =	sbarrier.arrive $0xFFFF  }
0x4fa: {  	_ =	shalt  }

</sc_bundles>
